<compile_context>
chip_gen: v7x
topology: tpu7x:2x2x1
jax: 0.10.2.dev20260603
libtpu: 0.0.44.dev20260713+nightly
codegen_flags: <defaults>
</compile_context>

<pallas_src>
import functools

import jax
import jax.numpy as jnp
from jax import lax
from jax.experimental import pallas as pl
from jax.experimental.pallas import tpu as pltpu
from jax.experimental.pallas import tpu_sc as plsc

N = 10000
G = 100
NPG = 100
D = 128
H = 64
E = 320000
NC = 2
NS = 16
NW = NC * NS
EPW = E // NW
STRIPE = 624
REM = N - NS * STRIPE

_f32 = jnp.float32


def _seg_sum_body(W, EB, stage_src, y_hbm, srcm_hbm, dstm_hbm, out_hbm,
                  srcb, dstb, rows_a, rows_b, acc, *rest):
    if stage_src:
        ys, sem_a, sem_b = rest
    else:
        (sem_a, sem_b), ys = rest, None
    c = lax.axis_index("c")
    s = lax.axis_index("s")
    wid = c * NS + s

    z = jnp.zeros((16,), _f32)

    def _zero_row(i, _):
        for l in range(W // 16):
            rows_a[i, pl.ds(16 * l, 16)] = z
        return 0

    NB = EPW // EB
    lax.fori_loop(0, EB, _zero_row, 0)
    base = s * STRIPE
    for off in range(0, STRIPE - EB + 1, EB):
        pltpu.sync_copy(rows_a, acc.at[pl.ds(base + off, EB)])
    rem = STRIPE % EB
    if rem:
        pltpu.sync_copy(rows_a.at[pl.ds(0, rem)],
                        acc.at[pl.ds(base + STRIPE - rem, rem)])

    @pl.when(s == NS - 1)
    def _zero_rem():
        pltpu.sync_copy(rows_a.at[pl.ds(0, REM)],
                        acc.at[pl.ds(NS * STRIPE, REM)])

    if stage_src:
        pltpu.sync_copy(y_hbm.at[pl.ds(base, STRIPE)],
                        ys.at[pl.ds(base, STRIPE)])

        @pl.when(s == NS - 1)
        def _stage_rem():
            pltpu.sync_copy(y_hbm.at[pl.ds(NS * STRIPE, REM)],
                            ys.at[pl.ds(NS * STRIPE, REM)])

    plsc.subcore_barrier()
    ysrc = ys if stage_src else y_hbm

    pltpu.sync_copy(srcm_hbm.at[wid], srcb)
    pltpu.sync_copy(dstm_hbm.at[wid], dstb)

    pltpu.async_copy(ysrc.at[srcb.at[0]], rows_a, sem_a)

    def _pair(t, _):
        j0 = 2 * t
        pltpu.make_async_copy(ysrc.at[srcb.at[j0]], rows_a, sem_a).wait()
        pltpu.async_copy(ysrc.at[srcb.at[j0 + 1]], rows_b, sem_b)
        pltpu.sync_copy(rows_a, acc.at[dstb.at[j0]], add=True)
        pltpu.make_async_copy(ysrc.at[srcb.at[j0 + 1]], rows_b, sem_b).wait()

        @pl.when(t < NB // 2 - 1)
        def _prefetch():
            pltpu.async_copy(ysrc.at[srcb.at[j0 + 2]], rows_a, sem_a)

        pltpu.sync_copy(rows_b, acc.at[dstb.at[j0 + 1]], add=True)
        return 0

    lax.fori_loop(0, NB // 2, _pair, 0)

    plsc.subcore_barrier()
    pltpu.sync_copy(acc.at[pl.ds(base, STRIPE)],
                    out_hbm.at[c].at[pl.ds(base, STRIPE)])

    @pl.when(s == NS - 1)
    def _copy_rem():
        pltpu.sync_copy(acc.at[pl.ds(NS * STRIPE, REM)],
                        out_hbm.at[c].at[pl.ds(NS * STRIPE, REM)])


def _make_seg_sum(W, EB, stage_src):
    NB = EPW // EB
    scratch = [
        pltpu.VMEM((NB, EB), jnp.int32),
        pltpu.VMEM((NB, EB), jnp.int32),
        pltpu.VMEM((EB, W), _f32),
        pltpu.VMEM((EB, W), _f32),
        pltpu.VMEM_SHARED((N, W), _f32),
    ]
    if stage_src:
        scratch.append(pltpu.VMEM_SHARED((N, W), _f32))
    scratch += [pltpu.SemaphoreType.DMA] * 2
    return pl.kernel(
        functools.partial(_seg_sum_body, W, EB, stage_src),
        out_type=jax.ShapeDtypeStruct((NC, N, W), _f32),
        mesh=plsc.VectorSubcoreMesh(core_axis_name="c", subcore_axis_name="s"),
        compiler_params=pltpu.CompilerParams(use_tc_tiling_on_sc=False),
        scratch_types=scratch,
    )


_seg_sum_d = _make_seg_sum(D, 100, False)
_seg_sum_h = _make_seg_sum(H, 200, True)


def _layer_math(k, partial_ref, xprev_ref, wrel_ref, b_ref, wroot_ref, pw_ref,
                keepg_ref):
    agg = partial_ref[0] + partial_ref[1]
    h = jnp.maximum(
        jnp.dot(agg, wrel_ref[...], preferred_element_type=_f32)
        + b_ref[...][None, :]
        + jnp.dot(xprev_ref[...], wroot_ref[...], preferred_element_type=_f32),
        _f32(0.0))
    pw = pw_ref[...]
    s = (jnp.dot(h, pw, preferred_element_type=_f32)
         / jnp.sqrt(jnp.sum(pw[:, 0] * pw[:, 0])))
    S = jnp.where(keepg_ref[...] > 0, s.reshape(G, NPG), _f32(-1e30))
    gt = (S[:, None, :] > S[:, :, None]).astype(_f32)
    eq = S[:, None, :] == S[:, :, None]
    jlt = (lax.broadcasted_iota(jnp.int32, (1, NPG, NPG), 2)
           < lax.broadcasted_iota(jnp.int32, (1, NPG, NPG), 1))
    rank = jnp.sum(gt + jnp.where(eq & jlt, _f32(1.0), _f32(0.0)), axis=2)
    keep = (rank < k).astype(_f32)
    hp = h * (jnp.tanh(s) * keep.reshape(N, 1))
    return hp, keep


def _layer_body(k, partial_ref, xprev_ref, wrel_ref, b_ref, wroot_ref, pw_ref,
                keepg_ref, hp_ref, keep_ref):
    hp, keep = _layer_math(k, partial_ref, xprev_ref, wrel_ref, b_ref,
                           wroot_ref, pw_ref, keepg_ref)
    keep_ref[...] = keep
    hp_ref[...] = hp


def _make_layer(k):
    return pl.pallas_call(
        functools.partial(_layer_body, k),
        out_shape=(jax.ShapeDtypeStruct((N, H), _f32),
                   jax.ShapeDtypeStruct((G, NPG), _f32)),
    )


_layer1 = _make_layer(80)
_layer2 = _make_layer(64)


def _layer3_head_body(partial_ref, xprev_ref, wrel_ref, b_ref, wroot_ref,
                      pw_ref, keepg_ref, fc1w_ref, fc1b_ref,
                      fc2w_ref, fc2b_ref, fc3w_ref, fc3b_ref, out_ref):
    hp, keep = _layer_math(52, partial_ref, xprev_ref, wrel_ref, b_ref,
                           wroot_ref, pw_ref, keepg_ref)
    Hp = hp.reshape(G, NPG, H)
    keep3 = keep.reshape(G, NPG, 1)
    mean = jnp.sum(Hp, axis=1) / _f32(52.0)
    mx = jnp.max(jnp.where(keep3 > 0, Hp, _f32(-1e30)), axis=1)
    g = jnp.concatenate([mean, mx], axis=1)
    g = jnp.maximum(jnp.dot(g, fc1w_ref[...], preferred_element_type=_f32)
                    + fc1b_ref[...][None, :], _f32(0.0))
    g = jnp.maximum(jnp.dot(g, fc2w_ref[...], preferred_element_type=_f32)
                    + fc2b_ref[...][None, :], _f32(0.0))
    logits = (jnp.dot(g, fc3w_ref[...], preferred_element_type=_f32)
              + fc3b_ref[...][None, :])
    m = jnp.max(logits, axis=1, keepdims=True)
    e = jnp.exp(logits - m)
    out_ref[...] = logits - m - jnp.log(jnp.sum(e, axis=1, keepdims=True))


_layer3_head = pl.pallas_call(
    _layer3_head_body,
    out_shape=jax.ShapeDtypeStruct((G, 10), _f32),
)


def kernel(x, edge_index, batch, W_rel1, b_rel1, W_root1, pw1, W_rel2,
           b_rel2, W_root2, pw2, W_rel3, b_rel3, W_root3, pw3, fc1_W, fc1_b,
           fc2_W, fc2_b, fc3_W, fc3_b):
    edges_d = (edge_index[0].reshape(NW, 100, 100),
               edge_index[1].reshape(NW, 100, 100))
    edges_h = (edge_index[0].reshape(NW, 50, 200),
               edge_index[1].reshape(NW, 50, 200))

    p1 = _seg_sum_d(x, *edges_d)
    hp1, keep1 = _layer1(p1, x, W_rel1, b_rel1, W_root1, pw1.reshape(H, 1),
                         jnp.ones((G, NPG), _f32))
    p2 = _seg_sum_h(hp1, *edges_h)
    hp2, keep2 = _layer2(p2, hp1, W_rel2, b_rel2, W_root2, pw2.reshape(H, 1),
                         keep1)
    p3 = _seg_sum_h(hp2, *edges_h)
    return _layer3_head(p3, hp2, W_rel3, b_rel3, W_root3, pw3.reshape(H, 1),
                        keep2, fc1_W, fc1_b, fc2_W, fc2_b, fc3_W, fc3_b)

# --- scband reference (transcript-rebuilt; emitter-appended) ---
"""Pipeline reference for scband-top-kpool-12317966204982 (READ-ONLY COPY).

The authoritative reference and input builder live on the scoring server;
editing this copy changes nothing except your own understanding.
"""

import jax, jax.numpy as jnp
import numpy as np

NUM_GRAPHS = 100
NODES_PER_GRAPH = 100
N_NODES = NUM_GRAPHS * NODES_PER_GRAPH
N_EDGES = 320000
D_FEAT = 128
HIDDEN = 64
NUM_CLASSES = 10


def _lin_init(k, fan_in, fan_out):
    s = 1.0 / np.sqrt(fan_in)
    return jax.random.uniform(k, (fan_in, fan_out), minval=-s, maxval=s, dtype=jnp.float32)


def setup_inputs(seed: int = 0):
    key = jax.random.key(seed)
    ks = jax.random.split(key, 24)
    x = jax.random.normal(ks[0], (N_NODES, D_FEAT), dtype=jnp.float32)
    edge_index = jax.random.randint(ks[1], (2, N_EDGES), 0, N_NODES, dtype=jnp.int32)
    batch = jnp.arange(N_NODES, dtype=jnp.int32) // NODES_PER_GRAPH
    inp = {"x": x, "edge_index": edge_index, "batch": batch}
    inp["W_rel1"] = _lin_init(ks[2], D_FEAT, HIDDEN)
    inp["b_rel1"] = jnp.zeros((HIDDEN,), jnp.float32)
    inp["W_root1"] = _lin_init(ks[3], D_FEAT, HIDDEN)
    inp["pw1"] = jax.random.normal(ks[4], (HIDDEN,), dtype=jnp.float32) * 0.1
    inp["W_rel2"] = _lin_init(ks[5], HIDDEN, HIDDEN)
    inp["b_rel2"] = jnp.zeros((HIDDEN,), jnp.float32)
    inp["W_root2"] = _lin_init(ks[6], HIDDEN, HIDDEN)
    inp["pw2"] = jax.random.normal(ks[7], (HIDDEN,), dtype=jnp.float32) * 0.1
    inp["W_rel3"] = _lin_init(ks[8], HIDDEN, HIDDEN)
    inp["b_rel3"] = jnp.zeros((HIDDEN,), jnp.float32)
    inp["W_root3"] = _lin_init(ks[9], HIDDEN, HIDDEN)
    inp["pw3"] = jax.random.normal(ks[10], (HIDDEN,), dtype=jnp.float32) * 0.1
    inp["fc1_W"] = _lin_init(ks[11], 2 * HIDDEN, HIDDEN)
    inp["fc1_b"] = jnp.zeros((HIDDEN,), jnp.float32)
    inp["fc2_W"] = _lin_init(ks[12], HIDDEN, HIDDEN)
    inp["fc2_b"] = jnp.zeros((HIDDEN,), jnp.float32)
    inp["fc3_W"] = _lin_init(ks[13], HIDDEN, NUM_CLASSES)
    inp["fc3_b"] = jnp.zeros((NUM_CLASSES,), jnp.float32)
    return inp


def _graph_conv(x, src, dst, emask, W_rel, b_rel, W_root):
    # PyG GraphConv: out = lin_rel(sum_{j in N(i)} x_j) + lin_root(x_i)
    msg = x[src] * emask[:, None]
    agg = jax.ops.segment_sum(msg, dst, num_segments=x.shape[0])
    return agg @ W_rel + b_rel[None, :] + x @ W_root


def _topk_pool(x, src, dst, emask, batch, w, n_per_graph, k):
    # PyG TopKPooling: score = x@w/||w||; keep top ceil(ratio*n) per graph; x *= tanh(score)
    num_graphs = x.shape[0] // n_per_graph
    score = (x @ w) / jnp.linalg.norm(w)
    _, idx = jax.lax.top_k(score.reshape(num_graphs, n_per_graph), k)
    perm = (jnp.arange(num_graphs, dtype=jnp.int32)[:, None] * n_per_graph + idx.astype(jnp.int32)).reshape(-1)
    x_new = x[perm] * jnp.tanh(score[perm])[:, None]
    batch_new = batch[perm]
    n_old = x.shape[0]
    mapping = jnp.zeros((n_old,), dtype=jnp.int32).at[perm].set(jnp.arange(perm.shape[0], dtype=jnp.int32))
    keep = jnp.zeros((n_old,), dtype=bool).at[perm].set(True)
    emask_new = emask * keep[src].astype(jnp.float32) * keep[dst].astype(jnp.float32)
    return x_new, mapping[src], mapping[dst], emask_new, batch_new


def _forward(x, edge_index, batch, W_rel1, b_rel1, W_root1, pw1, W_rel2, b_rel2, W_root2, pw2, W_rel3, b_rel3, W_root3, pw3, fc1_W, fc1_b, fc2_W, fc2_b, fc3_W, fc3_b):
    src = edge_index[0]
    dst = edge_index[1]
    emask = jnp.ones((src.shape[0],), jnp.float32)
    h = jax.nn.relu(_graph_conv(x, src, dst, emask, W_rel1, b_rel1, W_root1))
    h, src, dst, emask, batch = _topk_pool(h, src, dst, emask, batch, pw1, 100, 80)
    h = jax.nn.relu(_graph_conv(h, src, dst, emask, W_rel2, b_rel2, W_root2))
    h, src, dst, emask, batch = _topk_pool(h, src, dst, emask, batch, pw2, 80, 64)
    h = jax.nn.relu(_graph_conv(h, src, dst, emask, W_rel3, b_rel3, W_root3))
    h, src, dst, emask, batch = _topk_pool(h, src, dst, emask, batch, pw3, 64, 52)
    ones = jnp.ones((h.shape[0],), jnp.float32)
    cnt = jax.ops.segment_sum(ones, batch, num_segments=NUM_GRAPHS)
    mean = jax.ops.segment_sum(h, batch, num_segments=NUM_GRAPHS) / cnt[:, None]
    mx = jax.ops.segment_max(h, batch, num_segments=NUM_GRAPHS)
    g = jnp.concatenate([mean, mx], axis=1)
    g = jax.nn.relu(g @ fc1_W + fc1_b[None, :])
    g = jax.nn.relu(g @ fc2_W + fc2_b[None, :])
    g = g @ fc3_W + fc3_b[None, :]
    return jax.nn.log_softmax(g, axis=-1)


def reference(x, edge_index, batch, W_rel1, b_rel1, W_root1, pw1, W_rel2, b_rel2, W_root2, pw2, W_rel3, b_rel3, W_root3, pw3, fc1_W, fc1_b, fc2_W, fc2_b, fc3_W, fc3_b):
    return _forward(x, edge_index, batch, W_rel1, b_rel1, W_root1, pw1, W_rel2, b_rel2, W_root2, pw2, W_rel3, b_rel3, W_root3, pw3, fc1_W, fc1_b, fc2_W, fc2_b, fc3_W, fc3_b)

if __name__ == "__main__":
    import jax
    _d = setup_inputs()
    print(jax.jit(kernel)(*tuple(_d.values())))

</pallas_src>

<mosaic_0001>
#map = affine_map<(d0, d1) -> (0, 0)>
#map1 = affine_map<(d0, d1) -> (0, 0, 0)>
module attributes {stable_mosaic.version = 14 : i64} {
  func.func @_seg_sum_body(%arg0: i32, %arg1: i32, %arg2: memref<10000x64xf32, #tpu.memory_space<hbm>>, %arg3: memref<32x50x200xi32, #tpu.memory_space<hbm>>, %arg4: memref<32x50x200xi32, #tpu.memory_space<hbm>>, %arg5: memref<2x10000x64xf32, #tpu.memory_space<hbm>>, %arg6: memref<50x200xi32, #tpu.memory_space<vmem>>, %arg7: memref<50x200xi32, #tpu.memory_space<vmem>>, %arg8: memref<200x64xf32, #tpu.memory_space<vmem>>, %arg9: memref<200x64xf32, #tpu.memory_space<vmem>>, %arg10: memref<10000x64xf32, #tpu.memory_space<vmem_shared>>, %arg11: memref<10000x64xf32, #tpu.memory_space<vmem_shared>>, %arg12: memref<!tpu.dma_semaphore, #tpu.memory_space<semaphore_mem>>, %arg13: memref<!tpu.dma_semaphore, #tpu.memory_space<semaphore_mem>>) attributes {dimension_semantics = [#tpu.dimension_semantics<core_parallel>, #tpu.dimension_semantics<subcore_parallel>], iteration_bounds = array<i64: 2, 16>, scalar_prefetch = 0 : i64, scratch_operands = 8 : i64, tpu.core_type = #tpu.core_type<sc_vector_subcore>, window_params = [{transform_indices = #map}, {transform_indices = #map1}, {transform_indices = #map1}, {transform_indices = #map1}]} {
    %mul3A = arith.constant 16 : i32
    %mul3A_0 = arith.muli %arg0, %mul3A : i32
    %add3A = arith.addi %mul3A_0, %arg1 : i32
    %broadcast_in_dim3A = arith.constant 0.000000e+00 : f32
    %broadcast_in_dim3A_1 = vector.broadcast %broadcast_in_dim3A : f32 to vector<16xf32>
    %scan3A = arith.constant 0 : i32
    %scan3A_2 = arith.constant 0 : i32
    %scan3A_3 = arith.constant 200 : i32
    %scan3A_4 = arith.addi %scan3A_2, %scan3A_3 : i32
    %scan3A_5 = arith.constant 1 : i32
    %scan3A_6 = scf.for %scan3A_45 = %scan3A_2 to %scan3A_4 step %scan3A_5 iter_args(%scan3A_46 = %scan3A) -> (i32)  : i32 {
      %swap3A = arith.index_cast %scan3A_45 : i32 to index
      %swap3A_47 = arith.constant 0 : index
      %swap3A_48 = tpu.vector_load %arg8[%swap3A, %swap3A_47] {strides = array<i32>} : memref<200x64xf32, #tpu.memory_space<vmem>>, vector<1x16xf32>,
      %swap3A_49 = vector.shape_cast %swap3A_48 : vector<1x16xf32> to vector<16xf32>
      %swap3A_50 = vector.shape_cast %broadcast_in_dim3A_1 : vector<16xf32> to vector<1x16xf32>
      tpu.vector_store %arg8[%swap3A, %swap3A_47], %swap3A_50 {strides = array<i32>} : memref<200x64xf32, #tpu.memory_space<vmem>>, vector<1x16xf32>,
      %swap3A_51 = arith.index_cast %scan3A_45 : i32 to index
      %swap3A_52 = arith.constant 16 : index
      %swap3A_53 = tpu.vector_load %arg8[%swap3A_51, %swap3A_52] {strides = array<i32>} : memref<200x64xf32, #tpu.memory_space<vmem>>, vector<1x16xf32>,
      %swap3A_54 = vector.shape_cast %swap3A_53 : vector<1x16xf32> to vector<16xf32>
      %swap3A_55 = vector.shape_cast %broadcast_in_dim3A_1 : vector<16xf32> to vector<1x16xf32>
      tpu.vector_store %arg8[%swap3A_51, %swap3A_52], %swap3A_55 {strides = array<i32>} : memref<200x64xf32, #tpu.memory_space<vmem>>, vector<1x16xf32>,
      %swap3A_56 = arith.index_cast %scan3A_45 : i32 to index
      %swap3A_57 = arith.constant 32 : index
      %swap3A_58 = tpu.vector_load %arg8[%swap3A_56, %swap3A_57] {strides = array<i32>} : memref<200x64xf32, #tpu.memory_space<vmem>>, vector<1x16xf32>,
      %swap3A_59 = vector.shape_cast %swap3A_58 : vector<1x16xf32> to vector<16xf32>
      %swap3A_60 = vector.shape_cast %broadcast_in_dim3A_1 : vector<16xf32> to vector<1x16xf32>
      tpu.vector_store %arg8[%swap3A_56, %swap3A_57], %swap3A_60 {strides = array<i32>} : memref<200x64xf32, #tpu.memory_space<vmem>>, vector<1x16xf32>,
      %swap3A_61 = arith.index_cast %scan3A_45 : i32 to index
      %swap3A_62 = arith.constant 48 : index
      %swap3A_63 = tpu.vector_load %arg8[%swap3A_61, %swap3A_62] {strides = array<i32>} : memref<200x64xf32, #tpu.memory_space<vmem>>, vector<1x16xf32>,
      %swap3A_64 = vector.shape_cast %swap3A_63 : vector<1x16xf32> to vector<16xf32>
      %swap3A_65 = vector.shape_cast %broadcast_in_dim3A_1 : vector<16xf32> to vector<1x16xf32>
      tpu.vector_store %arg8[%swap3A_61, %swap3A_62], %swap3A_65 {strides = array<i32>} : memref<200x64xf32, #tpu.memory_space<vmem>>, vector<1x16xf32>,
      %scan3A_66 = arith.constant 0 : i32
      scf.yield %scan3A_66 : i32
    }
    %scan3A_7 = arith.constant 200 : i32
    %mul3A_8 = arith.constant 624 : i32
    %mul3A_9 = arith.muli %arg1, %mul3A_8 : i32
    %add3A_10 = arith.constant 0 : i32
    %add3A_11 = arith.addi %mul3A_9, %add3A_10 : i32
    "tpu.region"() ({
      %run_scoped3A = tpu.sem_alloc : memref<!tpu.dma_semaphore, #tpu.memory_space<semaphore_mem>>
      %dma_start3A_45 = arith.constant 0 : i32
      %dma_start3A_46 = tpu.memref_slice %arg10[%add3A_11, %dma_start3A_45] : memref<10000x64xf32, #tpu.memory_space<vmem_shared>> -> memref<200x64xf32, #tpu.memory_space<vmem_shared>>
      %dma_start3A_47 = arith.constant 0 : i32
      %dma_start3A_48 = tpu.memref_slice %arg10[%add3A_11, %dma_start3A_47] : memref<10000x64xf32, #tpu.memory_space<vmem_shared>> -> memref<200x64xf32, #tpu.memory_space<vmem_shared>>
      tpu.enqueue_dma source(%arg8 : memref<200x64xf32, #tpu.memory_space<vmem>>) target(%dma_start3A_48 : memref<200x64xf32, #tpu.memory_space<vmem_shared>>) target_semaphore(%run_scoped3A : memref<!tpu.dma_semaphore, #tpu.memory_space<semaphore_mem>>)
      %dma_wait3A = arith.constant 0 : i32
      %dma_wait3A_49 = tpu.memref_slice %arg10[%add3A_11, %dma_wait3A] : memref<10000x64xf32, #tpu.memory_space<vmem_shared>> -> memref<200x64xf32, #tpu.memory_space<vmem_shared>>
      %dma_wait3A_50 = arith.constant 0 : i32
      %dma_wait3A_51 = tpu.memref_slice %arg10[%add3A_11, %dma_wait3A_50] : memref<10000x64xf32, #tpu.memory_space<vmem_shared>> -> memref<200x64xf32, #tpu.memory_space<vmem_shared>>
      tpu.wait_dma2 semaphore(%run_scoped3A : memref<!tpu.dma_semaphore, #tpu.memory_space<semaphore_mem>>) src(%arg8 : memref<200x64xf32, #tpu.memory_space<vmem>>) dst(%dma_wait3A_51 : memref<200x64xf32, #tpu.memory_space<vmem_shared>>)
      tpu.yield
    }) : () -> ()
    %add3A_12 = arith.constant 200 : i32
    %add3A_13 = arith.addi %mul3A_9, %add3A_12 : i32
    "tpu.region"() ({
      %run_scoped3A = tpu.sem_alloc : memref<!tpu.dma_semaphore, #tpu.memory_space<semaphore_mem>>
      %dma_start3A_45 = arith.constant 0 : i32
      %dma_start3A_46 = tpu.memref_slice %arg10[%add3A_13, %dma_start3A_45] : memref<10000x64xf32, #tpu.memory_space<vmem_shared>> -> memref<200x64xf32, #tpu.memory_space<vmem_shared>>
      %dma_start3A_47 = arith.constant 0 : i32
      %dma_start3A_48 = tpu.memref_slice %arg10[%add3A_13, %dma_start3A_47] : memref<10000x64xf32, #tpu.memory_space<vmem_shared>> -> memref<200x64xf32, #tpu.memory_space<vmem_shared>>
      tpu.enqueue_dma source(%arg8 : memref<200x64xf32, #tpu.memory_space<vmem>>) target(%dma_start3A_48 : memref<200x64xf32, #tpu.memory_space<vmem_shared>>) target_semaphore(%run_scoped3A : memref<!tpu.dma_semaphore, #tpu.memory_space<semaphore_mem>>)
      %dma_wait3A = arith.constant 0 : i32
      %dma_wait3A_49 = tpu.memref_slice %arg10[%add3A_13, %dma_wait3A] : memref<10000x64xf32, #tpu.memory_space<vmem_shared>> -> memref<200x64xf32, #tpu.memory_space<vmem_shared>>
      %dma_wait3A_50 = arith.constant 0 : i32
      %dma_wait3A_51 = tpu.memref_slice %arg10[%add3A_13, %dma_wait3A_50] : memref<10000x64xf32, #tpu.memory_space<vmem_shared>> -> memref<200x64xf32, #tpu.memory_space<vmem_shared>>
      tpu.wait_dma2 semaphore(%run_scoped3A : memref<!tpu.dma_semaphore, #tpu.memory_space<semaphore_mem>>) src(%arg8 : memref<200x64xf32, #tpu.memory_space<vmem>>) dst(%dma_wait3A_51 : memref<200x64xf32, #tpu.memory_space<vmem_shared>>)
      tpu.yield
    }) : () -> ()
    %add3A_14 = arith.constant 400 : i32
    %add3A_15 = arith.addi %mul3A_9, %add3A_14 : i32
    "tpu.region"() ({
      %run_scoped3A = tpu.sem_alloc : memref<!tpu.dma_semaphore, #tpu.memory_space<semaphore_mem>>
      %dma_start3A_45 = arith.constant 0 : i32
      %dma_start3A_46 = tpu.memref_slice %arg10[%add3A_15, %dma_start3A_45] : memref<10000x64xf32, #tpu.memory_space<vmem_shared>> -> memref<200x64xf32, #tpu.memory_space<vmem_shared>>
      %dma_start3A_47 = arith.constant 0 : i32
      %dma_start3A_48 = tpu.memref_slice %arg10[%add3A_15, %dma_start3A_47] : memref<10000x64xf32, #tpu.memory_space<vmem_shared>> -> memref<200x64xf32, #tpu.memory_space<vmem_shared>>
      tpu.enqueue_dma source(%arg8 : memref<200x64xf32, #tpu.memory_space<vmem>>) target(%dma_start3A_48 : memref<200x64xf32, #tpu.memory_space<vmem_shared>>) target_semaphore(%run_scoped3A : memref<!tpu.dma_semaphore, #tpu.memory_space<semaphore_mem>>)
      %dma_wait3A = arith.constant 0 : i32
      %dma_wait3A_49 = tpu.memref_slice %arg10[%add3A_15, %dma_wait3A] : memref<10000x64xf32, #tpu.memory_space<vmem_shared>> -> memref<200x64xf32, #tpu.memory_space<vmem_shared>>
      %dma_wait3A_50 = arith.constant 0 : i32
      %dma_wait3A_51 = tpu.memref_slice %arg10[%add3A_15, %dma_wait3A_50] : memref<10000x64xf32, #tpu.memory_space<vmem_shared>> -> memref<200x64xf32, #tpu.memory_space<vmem_shared>>
      tpu.wait_dma2 semaphore(%run_scoped3A : memref<!tpu.dma_semaphore, #tpu.memory_space<semaphore_mem>>) src(%arg8 : memref<200x64xf32, #tpu.memory_space<vmem>>) dst(%dma_wait3A_51 : memref<200x64xf32, #tpu.memory_space<vmem_shared>>)
      tpu.yield
    }) : () -> ()
    %add3A_16 = arith.constant 624 : i32
    %add3A_17 = arith.addi %mul3A_9, %add3A_16 : i32
    %sub3A = arith.constant 24 : i32
    %sub3A_18 = arith.subi %add3A_17, %sub3A : i32
    "tpu.region"() ({
      %run_scoped3A = tpu.sem_alloc : memref<!tpu.dma_semaphore, #tpu.memory_space<semaphore_mem>>
      %dma_start3A_45 = arith.constant 0 : i32
      %dma_start3A_46 = arith.constant 0 : i32
      %dma_start3A_47 = tpu.memref_slice %arg8[%dma_start3A_45, %dma_start3A_46] : memref<200x64xf32, #tpu.memory_space<vmem>> -> memref<24x64xf32, #tpu.memory_space<vmem>>
      %dma_start3A_48 = arith.constant 0 : i32
      %dma_start3A_49 = tpu.memref_slice %arg10[%sub3A_18, %dma_start3A_48] : memref<10000x64xf32, #tpu.memory_space<vmem_shared>> -> memref<24x64xf32, #tpu.memory_space<vmem_shared>>
      %dma_start3A_50 = arith.constant 0 : i32
      %dma_start3A_51 = tpu.memref_slice %arg10[%sub3A_18, %dma_start3A_50] : memref<10000x64xf32, #tpu.memory_space<vmem_shared>> -> memref<24x64xf32, #tpu.memory_space<vmem_shared>>
      %dma_start3A_52 = arith.constant 0 : i32
      %dma_start3A_53 = arith.constant 0 : i32
      %dma_start3A_54 = tpu.memref_slice %arg8[%dma_start3A_52, %dma_start3A_53] : memref<200x64xf32, #tpu.memory_space<vmem>> -> memref<24x64xf32, #tpu.memory_space<vmem>>
      tpu.enqueue_dma source(%dma_start3A_54 : memref<24x64xf32, #tpu.memory_space<vmem>>) target(%dma_start3A_51 : memref<24x64xf32, #tpu.memory_space<vmem_shared>>) target_semaphore(%run_scoped3A : memref<!tpu.dma_semaphore, #tpu.memory_space<semaphore_mem>>)
      %dma_wait3A = arith.constant 0 : i32
      %dma_wait3A_55 = arith.constant 0 : i32
      %dma_wait3A_56 = tpu.memref_slice %arg8[%dma_wait3A, %dma_wait3A_55] : memref<200x64xf32, #tpu.memory_space<vmem>> -> memref<24x64xf32, #tpu.memory_space<vmem>>
      %dma_wait3A_57 = arith.constant 0 : i32
      %dma_wait3A_58 = tpu.memref_slice %arg10[%sub3A_18, %dma_wait3A_57] : memref<10000x64xf32, #tpu.memory_space<vmem_shared>> -> memref<24x64xf32, #tpu.memory_space<vmem_shared>>
      %dma_wait3A_59 = arith.constant 0 : i32
      %dma_wait3A_60 = tpu.memref_slice %arg10[%sub3A_18, %dma_wait3A_59] : memref<10000x64xf32, #tpu.memory_space<vmem_shared>> -> memref<24x64xf32, #tpu.memory_space<vmem_shared>>
      %dma_wait3A_61 = arith.constant 0 : i32
      %dma_wait3A_62 = arith.constant 0 : i32
      %dma_wait3A_63 = tpu.memref_slice %arg8[%dma_wait3A_61, %dma_wait3A_62] : memref<200x64xf32, #tpu.memory_space<vmem>> -> memref<24x64xf32, #tpu.memory_space<vmem>>
      tpu.wait_dma2 semaphore(%run_scoped3A : memref<!tpu.dma_semaphore, #tpu.memory_space<semaphore_mem>>) src(%dma_wait3A_63 : memref<24x64xf32, #tpu.memory_space<vmem>>) dst(%dma_wait3A_60 : memref<24x64xf32, #tpu.memory_space<vmem_shared>>)
      tpu.yield
    }) : () -> ()
    %eq3A = arith.constant 15 : i32
    %eq3A_19 = arith.cmpi eq, %arg1, %eq3A : i32
    %convert_element_type3A = arith.extui %eq3A_19 : i1 to i32
    %cond3A = arith.constant 0 : i32
    %cond3A_20 = arith.cmpi ne, %convert_element_type3A, %cond3A : i32
    scf.if %cond3A_20 {
      "tpu.region"() ({
        %run_scoped3A = tpu.sem_alloc : memref<!tpu.dma_semaphore, #tpu.memory_space<semaphore_mem>>
        %dma_start3A_45 = arith.constant 0 : i32
        %dma_start3A_46 = arith.constant 0 : i32
        %dma_start3A_47 = tpu.memref_slice %arg8[%dma_start3A_45, %dma_start3A_46] : memref<200x64xf32, #tpu.memory_space<vmem>> -> memref<16x64xf32, #tpu.memory_space<vmem>>
        %dma_start3A_48 = arith.constant 9984 : i32
        %dma_start3A_49 = arith.constant 0 : i32
        %dma_start3A_50 = tpu.memref_slice %arg10[%dma_start3A_48, %dma_start3A_49] : memref<10000x64xf32, #tpu.memory_space<vmem_shared>> -> memref<16x64xf32, #tpu.memory_space<vmem_shared>>
        %dma_start3A_51 = arith.constant 9984 : i32
        %dma_start3A_52 = arith.constant 0 : i32
        %dma_start3A_53 = tpu.memref_slice %arg10[%dma_start3A_51, %dma_start3A_52] : memref<10000x64xf32, #tpu.memory_space<vmem_shared>> -> memref<16x64xf32, #tpu.memory_space<vmem_shared>>
        %dma_start3A_54 = arith.constant 0 : i32
        %dma_start3A_55 = arith.constant 0 : i32
        %dma_start3A_56 = tpu.memref_slice %arg8[%dma_start3A_54, %dma_start3A_55] : memref<200x64xf32, #tpu.memory_space<vmem>> -> memref<16x64xf32, #tpu.memory_space<vmem>>
        tpu.enqueue_dma source(%dma_start3A_56 : memref<16x64xf32, #tpu.memory_space<vmem>>) target(%dma_start3A_53 : memref<16x64xf32, #tpu.memory_space<vmem_shared>>) target_semaphore(%run_scoped3A : memref<!tpu.dma_semaphore, #tpu.memory_space<semaphore_mem>>)
        %dma_wait3A = arith.constant 0 : i32
        %dma_wait3A_57 = arith.constant 0 : i32
        %dma_wait3A_58 = tpu.memref_slice %arg8[%dma_wait3A, %dma_wait3A_57] : memref<200x64xf32, #tpu.memory_space<vmem>> -> memref<16x64xf32, #tpu.memory_space<vmem>>
        %dma_wait3A_59 = arith.constant 9984 : i32
        %dma_wait3A_60 = arith.constant 0 : i32
        %dma_wait3A_61 = tpu.memref_slice %arg10[%dma_wait3A_59, %dma_wait3A_60] : memref<10000x64xf32, #tpu.memory_space<vmem_shared>> -> memref<16x64xf32, #tpu.memory_space<vmem_shared>>
        %dma_wait3A_62 = arith.constant 9984 : i32
        %dma_wait3A_63 = arith.constant 0 : i32
        %dma_wait3A_64 = tpu.memref_slice %arg10[%dma_wait3A_62, %dma_wait3A_63] : memref<10000x64xf32, #tpu.memory_space<vmem_shared>> -> memref<16x64xf32, #tpu.memory_space<vmem_shared>>
        %dma_wait3A_65 = arith.constant 0 : i32
        %dma_wait3A_66 = arith.constant 0 : i32
        %dma_wait3A_67 = tpu.memref_slice %arg8[%dma_wait3A_65, %dma_wait3A_66] : memref<200x64xf32, #tpu.memory_space<vmem>> -> memref<16x64xf32, #tpu.memory_space<vmem>>
        tpu.wait_dma2 semaphore(%run_scoped3A : memref<!tpu.dma_semaphore, #tpu.memory_space<semaphore_mem>>) src(%dma_wait3A_67 : memref<16x64xf32, #tpu.memory_space<vmem>>) dst(%dma_wait3A_64 : memref<16x64xf32, #tpu.memory_space<vmem_shared>>)
        tpu.yield
      }) : () -> ()
    } else {
    }
    "tpu.region"() ({
      %run_scoped3A = tpu.sem_alloc : memref<!tpu.dma_semaphore, #tpu.memory_space<semaphore_mem>>
      %dma_start3A_45 = arith.constant 0 : i32
      %dma_start3A_46 = tpu.memref_slice %arg11[%mul3A_9, %dma_start3A_45] : memref<10000x64xf32, #tpu.memory_space<vmem_shared>> -> memref<624x64xf32, #tpu.memory_space<vmem_shared>>
      %dma_start3A_47 = arith.constant 0 : i32
      %dma_start3A_48 = tpu.memref_slice %arg2[%mul3A_9, %dma_start3A_47] : memref<10000x64xf32, #tpu.memory_space<hbm>> -> memref<624x64xf32, #tpu.memory_space<hbm>>
      tpu.enqueue_dma source(%dma_start3A_48 : memref<624x64xf32, #tpu.memory_space<hbm>>) target(%dma_start3A_46 : memref<624x64xf32, #tpu.memory_space<vmem_shared>>) target_semaphore(%run_scoped3A : memref<!tpu.dma_semaphore, #tpu.memory_space<semaphore_mem>>)
      %dma_wait3A = arith.constant 0 : i32
      %dma_wait3A_49 = tpu.memref_slice %arg11[%mul3A_9, %dma_wait3A] : memref<10000x64xf32, #tpu.memory_space<vmem_shared>> -> memref<624x64xf32, #tpu.memory_space<vmem_shared>>
      %dma_wait3A_50 = arith.constant 0 : i32
      %dma_wait3A_51 = tpu.memref_slice %arg2[%mul3A_9, %dma_wait3A_50] : memref<10000x64xf32, #tpu.memory_space<hbm>> -> memref<624x64xf32, #tpu.memory_space<hbm>>
      tpu.wait_dma2 semaphore(%run_scoped3A : memref<!tpu.dma_semaphore, #tpu.memory_space<semaphore_mem>>) src(%dma_wait3A_51 : memref<624x64xf32, #tpu.memory_space<hbm>>) dst(%dma_wait3A_49 : memref<624x64xf32, #tpu.memory_space<vmem_shared>>)
      tpu.yield
    }) : () -> ()
    %eq3A_21 = arith.constant 15 : i32
    %eq3A_22 = arith.cmpi eq, %arg1, %eq3A_21 : i32
    %convert_element_type3A_23 = arith.extui %eq3A_22 : i1 to i32
    %cond3A_24 = arith.constant 0 : i32
    %cond3A_25 = arith.cmpi ne, %convert_element_type3A_23, %cond3A_24 : i32
    scf.if %cond3A_25 {
      "tpu.region"() ({
        %run_scoped3A = tpu.sem_alloc : memref<!tpu.dma_semaphore, #tpu.memory_space<semaphore_mem>>
        %dma_start3A_45 = arith.constant 9984 : i32
        %dma_start3A_46 = arith.constant 0 : i32
        %dma_start3A_47 = tpu.memref_slice %arg11[%dma_start3A_45, %dma_start3A_46] : memref<10000x64xf32, #tpu.memory_space<vmem_shared>> -> memref<16x64xf32, #tpu.memory_space<vmem_shared>>
        %dma_start3A_48 = arith.constant 9984 : i32
        %dma_start3A_49 = arith.constant 0 : i32
        %dma_start3A_50 = tpu.memref_slice %arg2[%dma_start3A_48, %dma_start3A_49] : memref<10000x64xf32, #tpu.memory_space<hbm>> -> memref<16x64xf32, #tpu.memory_space<hbm>>
        tpu.enqueue_dma source(%dma_start3A_50 : memref<16x64xf32, #tpu.memory_space<hbm>>) target(%dma_start3A_47 : memref<16x64xf32, #tpu.memory_space<vmem_shared>>) target_semaphore(%run_scoped3A : memref<!tpu.dma_semaphore, #tpu.memory_space<semaphore_mem>>)
        %dma_wait3A = arith.constant 9984 : i32
        %dma_wait3A_51 = arith.constant 0 : i32
        %dma_wait3A_52 = tpu.memref_slice %arg11[%dma_wait3A, %dma_wait3A_51] : memref<10000x64xf32, #tpu.memory_space<vmem_shared>> -> memref<16x64xf32, #tpu.memory_space<vmem_shared>>
        %dma_wait3A_53 = arith.constant 9984 : i32
        %dma_wait3A_54 = arith.constant 0 : i32
        %dma_wait3A_55 = tpu.memref_slice %arg2[%dma_wait3A_53, %dma_wait3A_54] : memref<10000x64xf32, #tpu.memory_space<hbm>> -> memref<16x64xf32, #tpu.memory_space<hbm>>
        tpu.wait_dma2 semaphore(%run_scoped3A : memref<!tpu.dma_semaphore, #tpu.memory_space<semaphore_mem>>) src(%dma_wait3A_55 : memref<16x64xf32, #tpu.memory_space<hbm>>) dst(%dma_wait3A_52 : memref<16x64xf32, #tpu.memory_space<vmem_shared>>)
        tpu.yield
      }) : () -> ()
    } else {
    }
    %barrier3A = arith.constant 0 : index
    tpu.barrier barrier_id(%barrier3A)
    "tpu.region"() ({
      %run_scoped3A = tpu.sem_alloc : memref<!tpu.dma_semaphore, #tpu.memory_space<semaphore_mem>>
      %dma_start3A_45 = arith.constant 0 : i32
      %dma_start3A_46 = arith.constant 0 : i32
      %dma_start3A_47 = tpu.memref_slice %arg3[%add3A, %dma_start3A_45, %dma_start3A_46] : memref<32x50x200xi32, #tpu.memory_space<hbm>> -> memref<1x50x200xi32, #tpu.memory_space<hbm>>
      %dma_start3A_48 = tpu.memref_squeeze %dma_start3A_47 : memref<1x50x200xi32, #tpu.memory_space<hbm>> -> memref<50x200xi32, #tpu.memory_space<hbm>>
      %dma_start3A_49 = arith.constant 0 : i32
      %dma_start3A_50 = arith.constant 0 : i32
      %dma_start3A_51 = tpu.memref_slice %arg3[%add3A, %dma_start3A_49, %dma_start3A_50] : memref<32x50x200xi32, #tpu.memory_space<hbm>> -> memref<1x50x200xi32, #tpu.memory_space<hbm>>
      %dma_start3A_52 = tpu.memref_squeeze %dma_start3A_51 : memref<1x50x200xi32, #tpu.memory_space<hbm>> -> memref<50x200xi32, #tpu.memory_space<hbm>>
      tpu.enqueue_dma source(%dma_start3A_52 : memref<50x200xi32, #tpu.memory_space<hbm>>) target(%arg6 : memref<50x200xi32, #tpu.memory_space<vmem>>) target_semaphore(%run_scoped3A : memref<!tpu.dma_semaphore, #tpu.memory_space<semaphore_mem>>)
      %dma_wait3A = arith.constant 0 : i32
      %dma_wait3A_53 = arith.constant 0 : i32
      %dma_wait3A_54 = tpu.memref_slice %arg3[%add3A, %dma_wait3A, %dma_wait3A_53] : memref<32x50x200xi32, #tpu.memory_space<hbm>> -> memref<1x50x200xi32, #tpu.memory_space<hbm>>
      %dma_wait3A_55 = tpu.memref_squeeze %dma_wait3A_54 : memref<1x50x200xi32, #tpu.memory_space<hbm>> -> memref<50x200xi32, #tpu.memory_space<hbm>>
      %dma_wait3A_56 = arith.constant 0 : i32
      %dma_wait3A_57 = arith.constant 0 : i32
      %dma_wait3A_58 = tpu.memref_slice %arg3[%add3A, %dma_wait3A_56, %dma_wait3A_57] : memref<32x50x200xi32, #tpu.memory_space<hbm>> -> memref<1x50x200xi32, #tpu.memory_space<hbm>>
      %dma_wait3A_59 = tpu.memref_squeeze %dma_wait3A_58 : memref<1x50x200xi32, #tpu.memory_space<hbm>> -> memref<50x200xi32, #tpu.memory_space<hbm>>
      tpu.wait_dma2 semaphore(%run_scoped3A : memref<!tpu.dma_semaphore, #tpu.memory_space<semaphore_mem>>) src(%dma_wait3A_59 : memref<50x200xi32, #tpu.memory_space<hbm>>) dst(%arg6 : memref<50x200xi32, #tpu.memory_space<vmem>>)
      tpu.yield
    }) : () -> ()
    "tpu.region"() ({
      %run_scoped3A = tpu.sem_alloc : memref<!tpu.dma_semaphore, #tpu.memory_space<semaphore_mem>>
      %dma_start3A_45 = arith.constant 0 : i32
      %dma_start3A_46 = arith.constant 0 : i32
      %dma_start3A_47 = tpu.memref_slice %arg4[%add3A, %dma_start3A_45, %dma_start3A_46] : memref<32x50x200xi32, #tpu.memory_space<hbm>> -> memref<1x50x200xi32, #tpu.memory_space<hbm>>
      %dma_start3A_48 = tpu.memref_squeeze %dma_start3A_47 : memref<1x50x200xi32, #tpu.memory_space<hbm>> -> memref<50x200xi32, #tpu.memory_space<hbm>>
      %dma_start3A_49 = arith.constant 0 : i32
      %dma_start3A_50 = arith.constant 0 : i32
      %dma_start3A_51 = tpu.memref_slice %arg4[%add3A, %dma_start3A_49, %dma_start3A_50] : memref<32x50x200xi32, #tpu.memory_space<hbm>> -> memref<1x50x200xi32, #tpu.memory_space<hbm>>
      %dma_start3A_52 = tpu.memref_squeeze %dma_start3A_51 : memref<1x50x200xi32, #tpu.memory_space<hbm>> -> memref<50x200xi32, #tpu.memory_space<hbm>>
      tpu.enqueue_dma source(%dma_start3A_52 : memref<50x200xi32, #tpu.memory_space<hbm>>) target(%arg7 : memref<50x200xi32, #tpu.memory_space<vmem>>) target_semaphore(%run_scoped3A : memref<!tpu.dma_semaphore, #tpu.memory_space<semaphore_mem>>)
      %dma_wait3A = arith.constant 0 : i32
      %dma_wait3A_53 = arith.constant 0 : i32
      %dma_wait3A_54 = tpu.memref_slice %arg4[%add3A, %dma_wait3A, %dma_wait3A_53] : memref<32x50x200xi32, #tpu.memory_space<hbm>> -> memref<1x50x200xi32, #tpu.memory_space<hbm>>
      %dma_wait3A_55 = tpu.memref_squeeze %dma_wait3A_54 : memref<1x50x200xi32, #tpu.memory_space<hbm>> -> memref<50x200xi32, #tpu.memory_space<hbm>>
      %dma_wait3A_56 = arith.constant 0 : i32
      %dma_wait3A_57 = arith.constant 0 : i32
      %dma_wait3A_58 = tpu.memref_slice %arg4[%add3A, %dma_wait3A_56, %dma_wait3A_57] : memref<32x50x200xi32, #tpu.memory_space<hbm>> -> memref<1x50x200xi32, #tpu.memory_space<hbm>>
      %dma_wait3A_59 = tpu.memref_squeeze %dma_wait3A_58 : memref<1x50x200xi32, #tpu.memory_space<hbm>> -> memref<50x200xi32, #tpu.memory_space<hbm>>
      tpu.wait_dma2 semaphore(%run_scoped3A : memref<!tpu.dma_semaphore, #tpu.memory_space<semaphore_mem>>) src(%dma_wait3A_59 : memref<50x200xi32, #tpu.memory_space<hbm>>) dst(%arg7 : memref<50x200xi32, #tpu.memory_space<vmem>>)
      tpu.yield
    }) : () -> ()
    %dma_start3A = arith.constant 0 : i32
    %dma_start3A_26 = arith.constant 0 : i32
    %dma_start3A_27 = tpu.memref_slice %arg6[%dma_start3A, %dma_start3A_26] : memref<50x200xi32, #tpu.memory_space<vmem>> -> memref<1x200xi32, #tpu.memory_space<vmem>>
    %dma_start3A_28 = tpu.memref_squeeze %dma_start3A_27 : memref<1x200xi32, #tpu.memory_space<vmem>> -> memref<200xi32, #tpu.memory_space<vmem>>
    %dma_start3A_29 = arith.constant 0 : i32
    %dma_start3A_30 = arith.constant 0 : i32
    %dma_start3A_31 = tpu.memref_slice %arg11[%dma_start3A_29, %dma_start3A_30] : memref<10000x64xf32, #tpu.memory_space<vmem_shared>> -> memref<10000x64xf32, #tpu.memory_space<vmem_shared>>
    tpu.enqueue_indirect_dma source(%dma_start3A_31 : memref<10000x64xf32, #tpu.memory_space<vmem_shared>>) target(%arg8 : memref<200x64xf32, #tpu.memory_space<vmem>>) offsets(%dma_start3A_28 : memref<200xi32, #tpu.memory_space<vmem>>) semaphore(%arg12 : memref<!tpu.dma_semaphore, #tpu.memory_space<semaphore_mem>>)
    %scan3A_32 = arith.constant 0 : i32
    %scan3A_33 = arith.constant 0 : i32
    %scan3A_34 = arith.constant 25 : i32
    %scan3A_35 = arith.addi %scan3A_33, %scan3A_34 : i32
    %scan3A_36 = arith.constant 1 : i32
    %scan3A_37 = scf.for %scan3A_45 = %scan3A_33 to %scan3A_35 step %scan3A_36 iter_args(%scan3A_46 = %scan3A_32) -> (i32)  : i32 {
      %mul3A_47 = arith.constant 2 : i32
      %mul3A_48 = arith.muli %mul3A_47, %scan3A_45 : i32
      %dma_wait3A = arith.constant 0 : i32
      %dma_wait3A_49 = tpu.memref_slice %arg6[%mul3A_48, %dma_wait3A] : memref<50x200xi32, #tpu.memory_space<vmem>> -> memref<1x200xi32, #tpu.memory_space<vmem>>
      %dma_wait3A_50 = tpu.memref_squeeze %dma_wait3A_49 : memref<1x200xi32, #tpu.memory_space<vmem>> -> memref<200xi32, #tpu.memory_space<vmem>>
      %dma_wait3A_51 = arith.constant 0 : i32
      %dma_wait3A_52 = arith.constant 0 : i32
      %dma_wait3A_53 = tpu.memref_slice %arg11[%dma_wait3A_51, %dma_wait3A_52] : memref<10000x64xf32, #tpu.memory_space<vmem_shared>> -> memref<10000x64xf32, #tpu.memory_space<vmem_shared>>
      tpu.wait_indirect_dma semaphore(%arg12 : memref<!tpu.dma_semaphore, #tpu.memory_space<semaphore_mem>>) src(%dma_wait3A_53 : memref<10000x64xf32, #tpu.memory_space<vmem_shared>>) dst(%arg8 : memref<200x64xf32, #tpu.memory_space<vmem>>)
      %add3A_54 = arith.constant 1 : i32
      %add3A_55 = arith.addi %mul3A_48, %add3A_54 : i32
      %dma_start3A_56 = arith.constant 0 : i32
      %dma_start3A_57 = tpu.memref_slice %arg6[%add3A_55, %dma_start3A_56] : memref<50x200xi32, #tpu.memory_space<vmem>> -> memref<1x200xi32, #tpu.memory_space<vmem>>
      %dma_start3A_58 = tpu.memref_squeeze %dma_start3A_57 : memref<1x200xi32, #tpu.memory_space<vmem>> -> memref<200xi32, #tpu.memory_space<vmem>>
      %dma_start3A_59 = arith.constant 0 : i32
      %dma_start3A_60 = arith.constant 0 : i32
      %dma_start3A_61 = tpu.memref_slice %arg11[%dma_start3A_59, %dma_start3A_60] : memref<10000x64xf32, #tpu.memory_space<vmem_shared>> -> memref<10000x64xf32, #tpu.memory_space<vmem_shared>>
      tpu.enqueue_indirect_dma source(%dma_start3A_61 : memref<10000x64xf32, #tpu.memory_space<vmem_shared>>) target(%arg9 : memref<200x64xf32, #tpu.memory_space<vmem>>) offsets(%dma_start3A_58 : memref<200xi32, #tpu.memory_space<vmem>>) semaphore(%arg13 : memref<!tpu.dma_semaphore, #tpu.memory_space<semaphore_mem>>)
      "tpu.region"() ({
        %run_scoped3A = tpu.sem_alloc : memref<!tpu.dma_semaphore, #tpu.memory_space<semaphore_mem>>
        %dma_start3A_77 = arith.constant 0 : i32
        %dma_start3A_78 = tpu.memref_slice %arg7[%mul3A_48, %dma_start3A_77] : memref<50x200xi32, #tpu.memory_space<vmem>> -> memref<1x200xi32, #tpu.memory_space<vmem>>
        %dma_start3A_79 = tpu.memref_squeeze %dma_start3A_78 : memref<1x200xi32, #tpu.memory_space<vmem>> -> memref<200xi32, #tpu.memory_space<vmem>>
        %dma_start3A_80 = arith.constant 0 : i32
        %dma_start3A_81 = arith.constant 0 : i32
        %dma_start3A_82 = tpu.memref_slice %arg10[%dma_start3A_80, %dma_start3A_81] : memref<10000x64xf32, #tpu.memory_space<vmem_shared>> -> memref<10000x64xf32, #tpu.memory_space<vmem_shared>>
        tpu.enqueue_indirect_dma source(%arg8 : memref<200x64xf32, #tpu.memory_space<vmem>>) target(%dma_start3A_82 : memref<10000x64xf32, #tpu.memory_space<vmem_shared>>) offsets(%dma_start3A_79 : memref<200xi32, #tpu.memory_space<vmem>>) semaphore(%run_scoped3A : memref<!tpu.dma_semaphore, #tpu.memory_space<semaphore_mem>>) {add = true}
        %dma_wait3A_83 = arith.constant 0 : i32
        %dma_wait3A_84 = tpu.memref_slice %arg7[%mul3A_48, %dma_wait3A_83] : memref<50x200xi32, #tpu.memory_space<vmem>> -> memref<1x200xi32, #tpu.memory_space<vmem>>
        %dma_wait3A_85 = tpu.memref_squeeze %dma_wait3A_84 : memref<1x200xi32, #tpu.memory_space<vmem>> -> memref<200xi32, #tpu.memory_space<vmem>>
        %dma_wait3A_86 = arith.constant 0 : i32
        %dma_wait3A_87 = arith.constant 0 : i32
        %dma_wait3A_88 = tpu.memref_slice %arg10[%dma_wait3A_86, %dma_wait3A_87] : memref<10000x64xf32, #tpu.memory_space<vmem_shared>> -> memref<10000x64xf32, #tpu.memory_space<vmem_shared>>
        tpu.wait_indirect_dma semaphore(%run_scoped3A : memref<!tpu.dma_semaphore, #tpu.memory_space<semaphore_mem>>) src(%arg8 : memref<200x64xf32, #tpu.memory_space<vmem>>) dst(%dma_wait3A_88 : memref<10000x64xf32, #tpu.memory_space<vmem_shared>>)
        tpu.yield
      }) : () -> ()
      %add3A_62 = arith.constant 1 : i32
      %add3A_63 = arith.addi %mul3A_48, %add3A_62 : i32
      %dma_wait3A_64 = arith.constant 0 : i32
      %dma_wait3A_65 = tpu.memref_slice %arg6[%add3A_63, %dma_wait3A_64] : memref<50x200xi32, #tpu.memory_space<vmem>> -> memref<1x200xi32, #tpu.memory_space<vmem>>
      %dma_wait3A_66 = tpu.memref_squeeze %dma_wait3A_65 : memref<1x200xi32, #tpu.memory_space<vmem>> -> memref<200xi32, #tpu.memory_space<vmem>>
      %dma_wait3A_67 = arith.constant 0 : i32
      %dma_wait3A_68 = arith.constant 0 : i32
      %dma_wait3A_69 = tpu.memref_slice %arg11[%dma_wait3A_67, %dma_wait3A_68] : memref<10000x64xf32, #tpu.memory_space<vmem_shared>> -> memref<10000x64xf32, #tpu.memory_space<vmem_shared>>
      tpu.wait_indirect_dma semaphore(%arg13 : memref<!tpu.dma_semaphore, #tpu.memory_space<semaphore_mem>>) src(%dma_wait3A_69 : memref<10000x64xf32, #tpu.memory_space<vmem_shared>>) dst(%arg9 : memref<200x64xf32, #tpu.memory_space<vmem>>)
      %lt3A = arith.constant 24 : i32
      %lt3A_70 = arith.cmpi slt, %scan3A_45, %lt3A : i32
      %convert_element_type3A_71 = arith.extui %lt3A_70 : i1 to i32
      %cond3A_72 = arith.constant 0 : i32
      %cond3A_73 = arith.cmpi ne, %convert_element_type3A_71, %cond3A_72 : i32
      scf.if %cond3A_73 {
        %add3A_77 = arith.constant 2 : i32
        %add3A_78 = arith.addi %mul3A_48, %add3A_77 : i32
        %dma_start3A_79 = arith.constant 0 : i32
        %dma_start3A_80 = tpu.memref_slice %arg6[%add3A_78, %dma_start3A_79] : memref<50x200xi32, #tpu.memory_space<vmem>> -> memref<1x200xi32, #tpu.memory_space<vmem>>
        %dma_start3A_81 = tpu.memref_squeeze %dma_start3A_80 : memref<1x200xi32, #tpu.memory_space<vmem>> -> memref<200xi32, #tpu.memory_space<vmem>>
        %dma_start3A_82 = arith.constant 0 : i32
        %dma_start3A_83 = arith.constant 0 : i32
        %dma_start3A_84 = tpu.memref_slice %arg11[%dma_start3A_82, %dma_start3A_83] : memref<10000x64xf32, #tpu.memory_space<vmem_shared>> -> memref<10000x64xf32, #tpu.memory_space<vmem_shared>>
        tpu.enqueue_indirect_dma source(%dma_start3A_84 : memref<10000x64xf32, #tpu.memory_space<vmem_shared>>) target(%arg8 : memref<200x64xf32, #tpu.memory_space<vmem>>) offsets(%dma_start3A_81 : memref<200xi32, #tpu.memory_space<vmem>>) semaphore(%arg12 : memref<!tpu.dma_semaphore, #tpu.memory_space<semaphore_mem>>)
      } else {
      }
      %add3A_74 = arith.constant 1 : i32
      %add3A_75 = arith.addi %mul3A_48, %add3A_74 : i32
      "tpu.region"() ({
        %run_scoped3A = tpu.sem_alloc : memref<!tpu.dma_semaphore, #tpu.memory_space<semaphore_mem>>
        %dma_start3A_77 = arith.constant 0 : i32
        %dma_start3A_78 = tpu.memref_slice %arg7[%add3A_75, %dma_start3A_77] : memref<50x200xi32, #tpu.memory_space<vmem>> -> memref<1x200xi32, #tpu.memory_space<vmem>>
        %dma_start3A_79 = tpu.memref_squeeze %dma_start3A_78 : memref<1x200xi32, #tpu.memory_space<vmem>> -> memref<200xi32, #tpu.memory_space<vmem>>
        %dma_start3A_80 = arith.constant 0 : i32
        %dma_start3A_81 = arith.constant 0 : i32
        %dma_start3A_82 = tpu.memref_slice %arg10[%dma_start3A_80, %dma_start3A_81] : memref<10000x64xf32, #tpu.memory_space<vmem_shared>> -> memref<10000x64xf32, #tpu.memory_space<vmem_shared>>
        tpu.enqueue_indirect_dma source(%arg9 : memref<200x64xf32, #tpu.memory_space<vmem>>) target(%dma_start3A_82 : memref<10000x64xf32, #tpu.memory_space<vmem_shared>>) offsets(%dma_start3A_79 : memref<200xi32, #tpu.memory_space<vmem>>) semaphore(%run_scoped3A : memref<!tpu.dma_semaphore, #tpu.memory_space<semaphore_mem>>) {add = true}
        %dma_wait3A_83 = arith.constant 0 : i32
        %dma_wait3A_84 = tpu.memref_slice %arg7[%add3A_75, %dma_wait3A_83] : memref<50x200xi32, #tpu.memory_space<vmem>> -> memref<1x200xi32, #tpu.memory_space<vmem>>
        %dma_wait3A_85 = tpu.memref_squeeze %dma_wait3A_84 : memref<1x200xi32, #tpu.memory_space<vmem>> -> memref<200xi32, #tpu.memory_space<vmem>>
        %dma_wait3A_86 = arith.constant 0 : i32
        %dma_wait3A_87 = arith.constant 0 : i32
        %dma_wait3A_88 = tpu.memref_slice %arg10[%dma_wait3A_86, %dma_wait3A_87] : memref<10000x64xf32, #tpu.memory_space<vmem_shared>> -> memref<10000x64xf32, #tpu.memory_space<vmem_shared>>
        tpu.wait_indirect_dma semaphore(%run_scoped3A : memref<!tpu.dma_semaphore, #tpu.memory_space<semaphore_mem>>) src(%arg9 : memref<200x64xf32, #tpu.memory_space<vmem>>) dst(%dma_wait3A_88 : memref<10000x64xf32, #tpu.memory_space<vmem_shared>>)
        tpu.yield
      }) : () -> ()
      %scan3A_76 = arith.constant 0 : i32
      scf.yield %scan3A_76 : i32
    }
    %scan3A_38 = arith.constant 25 : i32
    %barrier3A_39 = arith.constant 0 : index
    tpu.barrier barrier_id(%barrier3A_39)
    "tpu.region"() ({
      %run_scoped3A = tpu.sem_alloc : memref<!tpu.dma_semaphore, #tpu.memory_space<semaphore_mem>>
      %dma_start3A_45 = arith.constant 0 : i32
      %dma_start3A_46 = arith.constant 0 : i32
      %dma_start3A_47 = tpu.memref_slice %arg5[%arg0, %dma_start3A_45, %dma_start3A_46] : memref<2x10000x64xf32, #tpu.memory_space<hbm>> -> memref<1x10000x64xf32, #tpu.memory_space<hbm>>
      %dma_start3A_48 = tpu.memref_squeeze %dma_start3A_47 : memref<1x10000x64xf32, #tpu.memory_space<hbm>> -> memref<10000x64xf32, #tpu.memory_space<hbm>>
      %dma_start3A_49 = arith.constant 0 : i32
      %dma_start3A_50 = tpu.memref_slice %dma_start3A_48[%mul3A_9, %dma_start3A_49] : memref<10000x64xf32, #tpu.memory_space<hbm>> -> memref<624x64xf32, #tpu.memory_space<hbm>>
      %dma_start3A_51 = arith.constant 0 : i32
      %dma_start3A_52 = tpu.memref_slice %arg10[%mul3A_9, %dma_start3A_51] : memref<10000x64xf32, #tpu.memory_space<vmem_shared>> -> memref<624x64xf32, #tpu.memory_space<vmem_shared>>
      tpu.enqueue_dma source(%dma_start3A_52 : memref<624x64xf32, #tpu.memory_space<vmem_shared>>) target(%dma_start3A_50 : memref<624x64xf32, #tpu.memory_space<hbm>>) target_semaphore(%run_scoped3A : memref<!tpu.dma_semaphore, #tpu.memory_space<semaphore_mem>>)
      %dma_wait3A = arith.constant 0 : i32
      %dma_wait3A_53 = arith.constant 0 : i32
      %dma_wait3A_54 = tpu.memref_slice %arg5[%arg0, %dma_wait3A, %dma_wait3A_53] : memref<2x10000x64xf32, #tpu.memory_space<hbm>> -> memref<1x10000x64xf32, #tpu.memory_space<hbm>>
      %dma_wait3A_55 = tpu.memref_squeeze %dma_wait3A_54 : memref<1x10000x64xf32, #tpu.memory_space<hbm>> -> memref<10000x64xf32, #tpu.memory_space<hbm>>
      %dma_wait3A_56 = arith.constant 0 : i32
      %dma_wait3A_57 = tpu.memref_slice %dma_wait3A_55[%mul3A_9, %dma_wait3A_56] : memref<10000x64xf32, #tpu.memory_space<hbm>> -> memref<624x64xf32, #tpu.memory_space<hbm>>
      %dma_wait3A_58 = arith.constant 0 : i32
      %dma_wait3A_59 = tpu.memref_slice %arg10[%mul3A_9, %dma_wait3A_58] : memref<10000x64xf32, #tpu.memory_space<vmem_shared>> -> memref<624x64xf32, #tpu.memory_space<vmem_shared>>
      tpu.wait_dma2 semaphore(%run_scoped3A : memref<!tpu.dma_semaphore, #tpu.memory_space<semaphore_mem>>) src(%dma_wait3A_59 : memref<624x64xf32, #tpu.memory_space<vmem_shared>>) dst(%dma_wait3A_57 : memref<624x64xf32, #tpu.memory_space<hbm>>)
      tpu.yield
    }) : () -> ()
    %eq3A_40 = arith.constant 15 : i32
    %eq3A_41 = arith.cmpi eq, %arg1, %eq3A_40 : i32
    %convert_element_type3A_42 = arith.extui %eq3A_41 : i1 to i32
    %cond3A_43 = arith.constant 0 : i32
    %cond3A_44 = arith.cmpi ne, %convert_element_type3A_42, %cond3A_43 : i32
    scf.if %cond3A_44 {
      "tpu.region"() ({
        %run_scoped3A = tpu.sem_alloc : memref<!tpu.dma_semaphore, #tpu.memory_space<semaphore_mem>>
        %dma_start3A_45 = arith.constant 0 : i32
        %dma_start3A_46 = arith.constant 0 : i32
        %dma_start3A_47 = tpu.memref_slice %arg5[%arg0, %dma_start3A_45, %dma_start3A_46] : memref<2x10000x64xf32, #tpu.memory_space<hbm>> -> memref<1x10000x64xf32, #tpu.memory_space<hbm>>
        %dma_start3A_48 = tpu.memref_squeeze %dma_start3A_47 : memref<1x10000x64xf32, #tpu.memory_space<hbm>> -> memref<10000x64xf32, #tpu.memory_space<hbm>>
        %dma_start3A_49 = arith.constant 9984 : i32
        %dma_start3A_50 = arith.constant 0 : i32
        %dma_start3A_51 = tpu.memref_slice %dma_start3A_48[%dma_start3A_49, %dma_start3A_50] : memref<10000x64xf32, #tpu.memory_space<hbm>> -> memref<16x64xf32, #tpu.memory_space<hbm>>
        %dma_start3A_52 = arith.constant 9984 : i32
        %dma_start3A_53 = arith.constant 0 : i32
        %dma_start3A_54 = tpu.memref_slice %arg10[%dma_start3A_52, %dma_start3A_53] : memref<10000x64xf32, #tpu.memory_space<vmem_shared>> -> memref<16x64xf32, #tpu.memory_space<vmem_shared>>
        tpu.enqueue_dma source(%dma_start3A_54 : memref<16x64xf32, #tpu.memory_space<vmem_shared>>) target(%dma_start3A_51 : memref<16x64xf32, #tpu.memory_space<hbm>>) target_semaphore(%run_scoped3A : memref<!tpu.dma_semaphore, #tpu.memory_space<semaphore_mem>>)
        %dma_wait3A = arith.constant 0 : i32
        %dma_wait3A_55 = arith.constant 0 : i32
        %dma_wait3A_56 = tpu.memref_slice %arg5[%arg0, %dma_wait3A, %dma_wait3A_55] : memref<2x10000x64xf32, #tpu.memory_space<hbm>> -> memref<1x10000x64xf32, #tpu.memory_space<hbm>>
        %dma_wait3A_57 = tpu.memref_squeeze %dma_wait3A_56 : memref<1x10000x64xf32, #tpu.memory_space<hbm>> -> memref<10000x64xf32, #tpu.memory_space<hbm>>
        %dma_wait3A_58 = arith.constant 9984 : i32
        %dma_wait3A_59 = arith.constant 0 : i32
        %dma_wait3A_60 = tpu.memref_slice %dma_wait3A_57[%dma_wait3A_58, %dma_wait3A_59] : memref<10000x64xf32, #tpu.memory_space<hbm>> -> memref<16x64xf32, #tpu.memory_space<hbm>>
        %dma_wait3A_61 = arith.constant 9984 : i32
        %dma_wait3A_62 = arith.constant 0 : i32
        %dma_wait3A_63 = tpu.memref_slice %arg10[%dma_wait3A_61, %dma_wait3A_62] : memref<10000x64xf32, #tpu.memory_space<vmem_shared>> -> memref<16x64xf32, #tpu.memory_space<vmem_shared>>
        tpu.wait_dma2 semaphore(%run_scoped3A : memref<!tpu.dma_semaphore, #tpu.memory_space<semaphore_mem>>) src(%dma_wait3A_63 : memref<16x64xf32, #tpu.memory_space<vmem_shared>>) dst(%dma_wait3A_60 : memref<16x64xf32, #tpu.memory_space<hbm>>)
        tpu.yield
      }) : () -> ()
    } else {
    }
    return
  }
}

#map = affine_map<(d0, d1) -> (0, 0)>
#map1 = affine_map<(d0, d1) -> (0, 0, 0)>
module attributes {stable_mosaic.version = 14 : i64} {
  func.func @_seg_sum_body(%arg0: i32, %arg1: i32, %arg2: memref<10000x64xf32, #tpu.memory_space<hbm>>, %arg3: memref<32x50x200xi32, #tpu.memory_space<hbm>>, %arg4: memref<32x50x200xi32, #tpu.memory_space<hbm>>, %arg5: memref<2x10000x64xf32, #tpu.memory_space<hbm>>, %arg6: memref<50x200xi32, #tpu.memory_space<vmem>>, %arg7: memref<50x200xi32, #tpu.memory_space<vmem>>, %arg8: memref<200x64xf32, #tpu.memory_space<vmem>>, %arg9: memref<200x64xf32, #tpu.memory_space<vmem>>, %arg10: memref<10000x64xf32, #tpu.memory_space<vmem_shared>>, %arg11: memref<10000x64xf32, #tpu.memory_space<vmem_shared>>, %arg12: memref<!tpu.dma_semaphore, #tpu.memory_space<semaphore_mem>>, %arg13: memref<!tpu.dma_semaphore, #tpu.memory_space<semaphore_mem>>) attributes {dimension_semantics = [#tpu.dimension_semantics<core_parallel>, #tpu.dimension_semantics<subcore_parallel>], iteration_bounds = array<i64: 2, 16>, scalar_prefetch = 0 : i64, scratch_operands = 8 : i64, tpu.core_type = #tpu.core_type<sc_vector_subcore>, window_params = [{transform_indices = #map}, {transform_indices = #map1}, {transform_indices = #map1}, {transform_indices = #map1}]} {
    %mul3A = arith.constant 16 : i32
    %mul3A_0 = arith.muli %arg0, %mul3A : i32
    %add3A = arith.addi %mul3A_0, %arg1 : i32
    %broadcast_in_dim3A = arith.constant 0.000000e+00 : f32
    %broadcast_in_dim3A_1 = vector.broadcast %broadcast_in_dim3A : f32 to vector<16xf32>
    %scan3A = arith.constant 0 : i32
    %scan3A_2 = arith.constant 0 : i32
    %scan3A_3 = arith.constant 200 : i32
    %scan3A_4 = arith.addi %scan3A_2, %scan3A_3 : i32
    %scan3A_5 = arith.constant 1 : i32
    %scan3A_6 = scf.for %scan3A_45 = %scan3A_2 to %scan3A_4 step %scan3A_5 iter_args(%scan3A_46 = %scan3A) -> (i32)  : i32 {
      %swap3A = arith.index_cast %scan3A_45 : i32 to index
      %swap3A_47 = arith.constant 0 : index
      %swap3A_48 = tpu.vector_load %arg8[%swap3A, %swap3A_47] {strides = array<i32>} : memref<200x64xf32, #tpu.memory_space<vmem>>, vector<1x16xf32>,
      %swap3A_49 = vector.shape_cast %swap3A_48 : vector<1x16xf32> to vector<16xf32>
      %swap3A_50 = vector.shape_cast %broadcast_in_dim3A_1 : vector<16xf32> to vector<1x16xf32>
      tpu.vector_store %arg8[%swap3A, %swap3A_47], %swap3A_50 {strides = array<i32>} : memref<200x64xf32, #tpu.memory_space<vmem>>, vector<1x16xf32>,
      %swap3A_51 = arith.index_cast %scan3A_45 : i32 to index
      %swap3A_52 = arith.constant 16 : index
      %swap3A_53 = tpu.vector_load %arg8[%swap3A_51, %swap3A_52] {strides = array<i32>} : memref<200x64xf32, #tpu.memory_space<vmem>>, vector<1x16xf32>,
      %swap3A_54 = vector.shape_cast %swap3A_53 : vector<1x16xf32> to vector<16xf32>
      %swap3A_55 = vector.shape_cast %broadcast_in_dim3A_1 : vector<16xf32> to vector<1x16xf32>
      tpu.vector_store %arg8[%swap3A_51, %swap3A_52], %swap3A_55 {strides = array<i32>} : memref<200x64xf32, #tpu.memory_space<vmem>>, vector<1x16xf32>,
      %swap3A_56 = arith.index_cast %scan3A_45 : i32 to index
      %swap3A_57 = arith.constant 32 : index
      %swap3A_58 = tpu.vector_load %arg8[%swap3A_56, %swap3A_57] {strides = array<i32>} : memref<200x64xf32, #tpu.memory_space<vmem>>, vector<1x16xf32>,
      %swap3A_59 = vector.shape_cast %swap3A_58 : vector<1x16xf32> to vector<16xf32>
      %swap3A_60 = vector.shape_cast %broadcast_in_dim3A_1 : vector<16xf32> to vector<1x16xf32>
      tpu.vector_store %arg8[%swap3A_56, %swap3A_57], %swap3A_60 {strides = array<i32>} : memref<200x64xf32, #tpu.memory_space<vmem>>, vector<1x16xf32>,
      %swap3A_61 = arith.index_cast %scan3A_45 : i32 to index
      %swap3A_62 = arith.constant 48 : index
      %swap3A_63 = tpu.vector_load %arg8[%swap3A_61, %swap3A_62] {strides = array<i32>} : memref<200x64xf32, #tpu.memory_space<vmem>>, vector<1x16xf32>,
      %swap3A_64 = vector.shape_cast %swap3A_63 : vector<1x16xf32> to vector<16xf32>
      %swap3A_65 = vector.shape_cast %broadcast_in_dim3A_1 : vector<16xf32> to vector<1x16xf32>
      tpu.vector_store %arg8[%swap3A_61, %swap3A_62], %swap3A_65 {strides = array<i32>} : memref<200x64xf32, #tpu.memory_space<vmem>>, vector<1x16xf32>,
      %scan3A_66 = arith.constant 0 : i32
      scf.yield %scan3A_66 : i32
    }
    %scan3A_7 = arith.constant 200 : i32
    %mul3A_8 = arith.constant 624 : i32
    %mul3A_9 = arith.muli %arg1, %mul3A_8 : i32
    %add3A_10 = arith.constant 0 : i32
    %add3A_11 = arith.addi %mul3A_9, %add3A_10 : i32
    "tpu.region"() ({
      %run_scoped3A = tpu.sem_alloc : memref<!tpu.dma_semaphore, #tpu.memory_space<semaphore_mem>>
      %dma_start3A_45 = arith.constant 0 : i32
      %dma_start3A_46 = tpu.memref_slice %arg10[%add3A_11, %dma_start3A_45] : memref<10000x64xf32, #tpu.memory_space<vmem_shared>> -> memref<200x64xf32, #tpu.memory_space<vmem_shared>>
      %dma_start3A_47 = arith.constant 0 : i32
      %dma_start3A_48 = tpu.memref_slice %arg10[%add3A_11, %dma_start3A_47] : memref<10000x64xf32, #tpu.memory_space<vmem_shared>> -> memref<200x64xf32, #tpu.memory_space<vmem_shared>>
      tpu.enqueue_dma source(%arg8 : memref<200x64xf32, #tpu.memory_space<vmem>>) target(%dma_start3A_48 : memref<200x64xf32, #tpu.memory_space<vmem_shared>>) target_semaphore(%run_scoped3A : memref<!tpu.dma_semaphore, #tpu.memory_space<semaphore_mem>>)
      %dma_wait3A = arith.constant 0 : i32
      %dma_wait3A_49 = tpu.memref_slice %arg10[%add3A_11, %dma_wait3A] : memref<10000x64xf32, #tpu.memory_space<vmem_shared>> -> memref<200x64xf32, #tpu.memory_space<vmem_shared>>
      %dma_wait3A_50 = arith.constant 0 : i32
      %dma_wait3A_51 = tpu.memref_slice %arg10[%add3A_11, %dma_wait3A_50] : memref<10000x64xf32, #tpu.memory_space<vmem_shared>> -> memref<200x64xf32, #tpu.memory_space<vmem_shared>>
      tpu.wait_dma2 semaphore(%run_scoped3A : memref<!tpu.dma_semaphore, #tpu.memory_space<semaphore_mem>>) src(%arg8 : memref<200x64xf32, #tpu.memory_space<vmem>>) dst(%dma_wait3A_51 : memref<200x64xf32, #tpu.memory_space<vmem_shared>>)
      tpu.yield
    }) : () -> ()
    %add3A_12 = arith.constant 200 : i32
    %add3A_13 = arith.addi %mul3A_9, %add3A_12 : i32
    "tpu.region"() ({
      %run_scoped3A = tpu.sem_alloc : memref<!tpu.dma_semaphore, #tpu.memory_space<semaphore_mem>>
      %dma_start3A_45 = arith.constant 0 : i32
      %dma_start3A_46 = tpu.memref_slice %arg10[%add3A_13, %dma_start3A_45] : memref<10000x64xf32, #tpu.memory_space<vmem_shared>> -> memref<200x64xf32, #tpu.memory_space<vmem_shared>>
      %dma_start3A_47 = arith.constant 0 : i32
      %dma_start3A_48 = tpu.memref_slice %arg10[%add3A_13, %dma_start3A_47] : memref<10000x64xf32, #tpu.memory_space<vmem_shared>> -> memref<200x64xf32, #tpu.memory_space<vmem_shared>>
      tpu.enqueue_dma source(%arg8 : memref<200x64xf32, #tpu.memory_space<vmem>>) target(%dma_start3A_48 : memref<200x64xf32, #tpu.memory_space<vmem_shared>>) target_semaphore(%run_scoped3A : memref<!tpu.dma_semaphore, #tpu.memory_space<semaphore_mem>>)
      %dma_wait3A = arith.constant 0 : i32
      %dma_wait3A_49 = tpu.memref_slice %arg10[%add3A_13, %dma_wait3A] : memref<10000x64xf32, #tpu.memory_space<vmem_shared>> -> memref<200x64xf32, #tpu.memory_space<vmem_shared>>
      %dma_wait3A_50 = arith.constant 0 : i32
      %dma_wait3A_51 = tpu.memref_slice %arg10[%add3A_13, %dma_wait3A_50] : memref<10000x64xf32, #tpu.memory_space<vmem_shared>> -> memref<200x64xf32, #tpu.memory_space<vmem_shared>>
      tpu.wait_dma2 semaphore(%run_scoped3A : memref<!tpu.dma_semaphore, #tpu.memory_space<semaphore_mem>>) src(%arg8 : memref<200x64xf32, #tpu.memory_space<vmem>>) dst(%dma_wait3A_51 : memref<200x64xf32, #tpu.memory_space<vmem_shared>>)
      tpu.yield
    }) : () -> ()
    %add3A_14 = arith.constant 400 : i32
    %add3A_15 = arith.addi %mul3A_9, %add3A_14 : i32
    "tpu.region"() ({
      %run_scoped3A = tpu.sem_alloc : memref<!tpu.dma_semaphore, #tpu.memory_space<semaphore_mem>>
      %dma_start3A_45 = arith.constant 0 : i32
      %dma_start3A_46 = tpu.memref_slice %arg10[%add3A_15, %dma_start3A_45] : memref<10000x64xf32, #tpu.memory_space<vmem_shared>> -> memref<200x64xf32, #tpu.memory_space<vmem_shared>>
      %dma_start3A_47 = arith.constant 0 : i32
      %dma_start3A_48 = tpu.memref_slice %arg10[%add3A_15, %dma_start3A_47] : memref<10000x64xf32, #tpu.memory_space<vmem_shared>> -> memref<200x64xf32, #tpu.memory_space<vmem_shared>>
      tpu.enqueue_dma source(%arg8 : memref<200x64xf32, #tpu.memory_space<vmem>>) target(%dma_start3A_48 : memref<200x64xf32, #tpu.memory_space<vmem_shared>>) target_semaphore(%run_scoped3A : memref<!tpu.dma_semaphore, #tpu.memory_space<semaphore_mem>>)
      %dma_wait3A = arith.constant 0 : i32
      %dma_wait3A_49 = tpu.memref_slice %arg10[%add3A_15, %dma_wait3A] : memref<10000x64xf32, #tpu.memory_space<vmem_shared>> -> memref<200x64xf32, #tpu.memory_space<vmem_shared>>
      %dma_wait3A_50 = arith.constant 0 : i32
      %dma_wait3A_51 = tpu.memref_slice %arg10[%add3A_15, %dma_wait3A_50] : memref<10000x64xf32, #tpu.memory_space<vmem_shared>> -> memref<200x64xf32, #tpu.memory_space<vmem_shared>>
      tpu.wait_dma2 semaphore(%run_scoped3A : memref<!tpu.dma_semaphore, #tpu.memory_space<semaphore_mem>>) src(%arg8 : memref<200x64xf32, #tpu.memory_space<vmem>>) dst(%dma_wait3A_51 : memref<200x64xf32, #tpu.memory_space<vmem_shared>>)
      tpu.yield
    }) : () -> ()
    %add3A_16 = arith.constant 624 : i32
    %add3A_17 = arith.addi %mul3A_9, %add3A_16 : i32
    %sub3A = arith.constant 24 : i32
    %sub3A_18 = arith.subi %add3A_17, %sub3A : i32
    "tpu.region"() ({
      %run_scoped3A = tpu.sem_alloc : memref<!tpu.dma_semaphore, #tpu.memory_space<semaphore_mem>>
      %dma_start3A_45 = arith.constant 0 : i32
      %dma_start3A_46 = arith.constant 0 : i32
      %dma_start3A_47 = tpu.memref_slice %arg8[%dma_start3A_45, %dma_start3A_46] : memref<200x64xf32, #tpu.memory_space<vmem>> -> memref<24x64xf32, #tpu.memory_space<vmem>>
      %dma_start3A_48 = arith.constant 0 : i32
      %dma_start3A_49 = tpu.memref_slice %arg10[%sub3A_18, %dma_start3A_48] : memref<10000x64xf32, #tpu.memory_space<vmem_shared>> -> memref<24x64xf32, #tpu.memory_space<vmem_shared>>
      %dma_start3A_50 = arith.constant 0 : i32
      %dma_start3A_51 = tpu.memref_slice %arg10[%sub3A_18, %dma_start3A_50] : memref<10000x64xf32, #tpu.memory_space<vmem_shared>> -> memref<24x64xf32, #tpu.memory_space<vmem_shared>>
      %dma_start3A_52 = arith.constant 0 : i32
      %dma_start3A_53 = arith.constant 0 : i32
      %dma_start3A_54 = tpu.memref_slice %arg8[%dma_start3A_52, %dma_start3A_53] : memref<200x64xf32, #tpu.memory_space<vmem>> -> memref<24x64xf32, #tpu.memory_space<vmem>>
      tpu.enqueue_dma source(%dma_start3A_54 : memref<24x64xf32, #tpu.memory_space<vmem>>) target(%dma_start3A_51 : memref<24x64xf32, #tpu.memory_space<vmem_shared>>) target_semaphore(%run_scoped3A : memref<!tpu.dma_semaphore, #tpu.memory_space<semaphore_mem>>)
      %dma_wait3A = arith.constant 0 : i32
      %dma_wait3A_55 = arith.constant 0 : i32
      %dma_wait3A_56 = tpu.memref_slice %arg8[%dma_wait3A, %dma_wait3A_55] : memref<200x64xf32, #tpu.memory_space<vmem>> -> memref<24x64xf32, #tpu.memory_space<vmem>>
      %dma_wait3A_57 = arith.constant 0 : i32
      %dma_wait3A_58 = tpu.memref_slice %arg10[%sub3A_18, %dma_wait3A_57] : memref<10000x64xf32, #tpu.memory_space<vmem_shared>> -> memref<24x64xf32, #tpu.memory_space<vmem_shared>>
      %dma_wait3A_59 = arith.constant 0 : i32
      %dma_wait3A_60 = tpu.memref_slice %arg10[%sub3A_18, %dma_wait3A_59] : memref<10000x64xf32, #tpu.memory_space<vmem_shared>> -> memref<24x64xf32, #tpu.memory_space<vmem_shared>>
      %dma_wait3A_61 = arith.constant 0 : i32
      %dma_wait3A_62 = arith.constant 0 : i32
      %dma_wait3A_63 = tpu.memref_slice %arg8[%dma_wait3A_61, %dma_wait3A_62] : memref<200x64xf32, #tpu.memory_space<vmem>> -> memref<24x64xf32, #tpu.memory_space<vmem>>
      tpu.wait_dma2 semaphore(%run_scoped3A : memref<!tpu.dma_semaphore, #tpu.memory_space<semaphore_mem>>) src(%dma_wait3A_63 : memref<24x64xf32, #tpu.memory_space<vmem>>) dst(%dma_wait3A_60 : memref<24x64xf32, #tpu.memory_space<vmem_shared>>)
      tpu.yield
    }) : () -> ()
    %eq3A = arith.constant 15 : i32
    %eq3A_19 = arith.cmpi eq, %arg1, %eq3A : i32
    %convert_element_type3A = arith.extui %eq3A_19 : i1 to i32
    %cond3A = arith.constant 0 : i32
    %cond3A_20 = arith.cmpi ne, %convert_element_type3A, %cond3A : i32
    scf.if %cond3A_20 {
      "tpu.region"() ({
        %run_scoped3A = tpu.sem_alloc : memref<!tpu.dma_semaphore, #tpu.memory_space<semaphore_mem>>
        %dma_start3A_45 = arith.constant 0 : i32
        %dma_start3A_46 = arith.constant 0 : i32
        %dma_start3A_47 = tpu.memref_slice %arg8[%dma_start3A_45, %dma_start3A_46] : memref<200x64xf32, #tpu.memory_space<vmem>> -> memref<16x64xf32, #tpu.memory_space<vmem>>
        %dma_start3A_48 = arith.constant 9984 : i32
        %dma_start3A_49 = arith.constant 0 : i32
        %dma_start3A_50 = tpu.memref_slice %arg10[%dma_start3A_48, %dma_start3A_49] : memref<10000x64xf32, #tpu.memory_space<vmem_shared>> -> memref<16x64xf32, #tpu.memory_space<vmem_shared>>
        %dma_start3A_51 = arith.constant 9984 : i32
        %dma_start3A_52 = arith.constant 0 : i32
        %dma_start3A_53 = tpu.memref_slice %arg10[%dma_start3A_51, %dma_start3A_52] : memref<10000x64xf32, #tpu.memory_space<vmem_shared>> -> memref<16x64xf32, #tpu.memory_space<vmem_shared>>
        %dma_start3A_54 = arith.constant 0 : i32
        %dma_start3A_55 = arith.constant 0 : i32
        %dma_start3A_56 = tpu.memref_slice %arg8[%dma_start3A_54, %dma_start3A_55] : memref<200x64xf32, #tpu.memory_space<vmem>> -> memref<16x64xf32, #tpu.memory_space<vmem>>
        tpu.enqueue_dma source(%dma_start3A_56 : memref<16x64xf32, #tpu.memory_space<vmem>>) target(%dma_start3A_53 : memref<16x64xf32, #tpu.memory_space<vmem_shared>>) target_semaphore(%run_scoped3A : memref<!tpu.dma_semaphore, #tpu.memory_space<semaphore_mem>>)
        %dma_wait3A = arith.constant 0 : i32
        %dma_wait3A_57 = arith.constant 0 : i32
        %dma_wait3A_58 = tpu.memref_slice %arg8[%dma_wait3A, %dma_wait3A_57] : memref<200x64xf32, #tpu.memory_space<vmem>> -> memref<16x64xf32, #tpu.memory_space<vmem>>
        %dma_wait3A_59 = arith.constant 9984 : i32
        %dma_wait3A_60 = arith.constant 0 : i32
        %dma_wait3A_61 = tpu.memref_slice %arg10[%dma_wait3A_59, %dma_wait3A_60] : memref<10000x64xf32, #tpu.memory_space<vmem_shared>> -> memref<16x64xf32, #tpu.memory_space<vmem_shared>>
        %dma_wait3A_62 = arith.constant 9984 : i32
        %dma_wait3A_63 = arith.constant 0 : i32
        %dma_wait3A_64 = tpu.memref_slice %arg10[%dma_wait3A_62, %dma_wait3A_63] : memref<10000x64xf32, #tpu.memory_space<vmem_shared>> -> memref<16x64xf32, #tpu.memory_space<vmem_shared>>
        %dma_wait3A_65 = arith.constant 0 : i32
        %dma_wait3A_66 = arith.constant 0 : i32
        %dma_wait3A_67 = tpu.memref_slice %arg8[%dma_wait3A_65, %dma_wait3A_66] : memref<200x64xf32, #tpu.memory_space<vmem>> -> memref<16x64xf32, #tpu.memory_space<vmem>>
        tpu.wait_dma2 semaphore(%run_scoped3A : memref<!tpu.dma_semaphore, #tpu.memory_space<semaphore_mem>>) src(%dma_wait3A_67 : memref<16x64xf32, #tpu.memory_space<vmem>>) dst(%dma_wait3A_64 : memref<16x64xf32, #tpu.memory_space<vmem_shared>>)
        tpu.yield
      }) : () -> ()
    } else {
    }
    "tpu.region"() ({
      %run_scoped3A = tpu.sem_alloc : memref<!tpu.dma_semaphore, #tpu.memory_space<semaphore_mem>>
      %dma_start3A_45 = arith.constant 0 : i32
      %dma_start3A_46 = tpu.memref_slice %arg11[%mul3A_9, %dma_start3A_45] : memref<10000x64xf32, #tpu.memory_space<vmem_shared>> -> memref<624x64xf32, #tpu.memory_space<vmem_shared>>
      %dma_start3A_47 = arith.constant 0 : i32
      %dma_start3A_48 = tpu.memref_slice %arg2[%mul3A_9, %dma_start3A_47] : memref<10000x64xf32, #tpu.memory_space<hbm>> -> memref<624x64xf32, #tpu.memory_space<hbm>>
      tpu.enqueue_dma source(%dma_start3A_48 : memref<624x64xf32, #tpu.memory_space<hbm>>) target(%dma_start3A_46 : memref<624x64xf32, #tpu.memory_space<vmem_shared>>) target_semaphore(%run_scoped3A : memref<!tpu.dma_semaphore, #tpu.memory_space<semaphore_mem>>)
      %dma_wait3A = arith.constant 0 : i32
      %dma_wait3A_49 = tpu.memref_slice %arg11[%mul3A_9, %dma_wait3A] : memref<10000x64xf32, #tpu.memory_space<vmem_shared>> -> memref<624x64xf32, #tpu.memory_space<vmem_shared>>
      %dma_wait3A_50 = arith.constant 0 : i32
      %dma_wait3A_51 = tpu.memref_slice %arg2[%mul3A_9, %dma_wait3A_50] : memref<10000x64xf32, #tpu.memory_space<hbm>> -> memref<624x64xf32, #tpu.memory_space<hbm>>
      tpu.wait_dma2 semaphore(%run_scoped3A : memref<!tpu.dma_semaphore, #tpu.memory_space<semaphore_mem>>) src(%dma_wait3A_51 : memref<624x64xf32, #tpu.memory_space<hbm>>) dst(%dma_wait3A_49 : memref<624x64xf32, #tpu.memory_space<vmem_shared>>)
      tpu.yield
    }) : () -> ()
    %eq3A_21 = arith.constant 15 : i32
    %eq3A_22 = arith.cmpi eq, %arg1, %eq3A_21 : i32
    %convert_element_type3A_23 = arith.extui %eq3A_22 : i1 to i32
    %cond3A_24 = arith.constant 0 : i32
    %cond3A_25 = arith.cmpi ne, %convert_element_type3A_23, %cond3A_24 : i32
    scf.if %cond3A_25 {
      "tpu.region"() ({
        %run_scoped3A = tpu.sem_alloc : memref<!tpu.dma_semaphore, #tpu.memory_space<semaphore_mem>>
        %dma_start3A_45 = arith.constant 9984 : i32
        %dma_start3A_46 = arith.constant 0 : i32
        %dma_start3A_47 = tpu.memref_slice %arg11[%dma_start3A_45, %dma_start3A_46] : memref<10000x64xf32, #tpu.memory_space<vmem_shared>> -> memref<16x64xf32, #tpu.memory_space<vmem_shared>>
        %dma_start3A_48 = arith.constant 9984 : i32
        %dma_start3A_49 = arith.constant 0 : i32
        %dma_start3A_50 = tpu.memref_slice %arg2[%dma_start3A_48, %dma_start3A_49] : memref<10000x64xf32, #tpu.memory_space<hbm>> -> memref<16x64xf32, #tpu.memory_space<hbm>>
        tpu.enqueue_dma source(%dma_start3A_50 : memref<16x64xf32, #tpu.memory_space<hbm>>) target(%dma_start3A_47 : memref<16x64xf32, #tpu.memory_space<vmem_shared>>) target_semaphore(%run_scoped3A : memref<!tpu.dma_semaphore, #tpu.memory_space<semaphore_mem>>)
        %dma_wait3A = arith.constant 9984 : i32
        %dma_wait3A_51 = arith.constant 0 : i32
        %dma_wait3A_52 = tpu.memref_slice %arg11[%dma_wait3A, %dma_wait3A_51] : memref<10000x64xf32, #tpu.memory_space<vmem_shared>> -> memref<16x64xf32, #tpu.memory_space<vmem_shared>>
        %dma_wait3A_53 = arith.constant 9984 : i32
        %dma_wait3A_54 = arith.constant 0 : i32
        %dma_wait3A_55 = tpu.memref_slice %arg2[%dma_wait3A_53, %dma_wait3A_54] : memref<10000x64xf32, #tpu.memory_space<hbm>> -> memref<16x64xf32, #tpu.memory_space<hbm>>
        tpu.wait_dma2 semaphore(%run_scoped3A : memref<!tpu.dma_semaphore, #tpu.memory_space<semaphore_mem>>) src(%dma_wait3A_55 : memref<16x64xf32, #tpu.memory_space<hbm>>) dst(%dma_wait3A_52 : memref<16x64xf32, #tpu.memory_space<vmem_shared>>)
        tpu.yield
      }) : () -> ()
    } else {
    }
    %barrier3A = arith.constant 0 : index
    tpu.barrier barrier_id(%barrier3A)
    "tpu.region"() ({
      %run_scoped3A = tpu.sem_alloc : memref<!tpu.dma_semaphore, #tpu.memory_space<semaphore_mem>>
      %dma_start3A_45 = arith.constant 0 : i32
      %dma_start3A_46 = arith.constant 0 : i32
      %dma_start3A_47 = tpu.memref_slice %arg3[%add3A, %dma_start3A_45, %dma_start3A_46] : memref<32x50x200xi32, #tpu.memory_space<hbm>> -> memref<1x50x200xi32, #tpu.memory_space<hbm>>
      %dma_start3A_48 = tpu.memref_squeeze %dma_start3A_47 : memref<1x50x200xi32, #tpu.memory_space<hbm>> -> memref<50x200xi32, #tpu.memory_space<hbm>>
      %dma_start3A_49 = arith.constant 0 : i32
      %dma_start3A_50 = arith.constant 0 : i32
      %dma_start3A_51 = tpu.memref_slice %arg3[%add3A, %dma_start3A_49, %dma_start3A_50] : memref<32x50x200xi32, #tpu.memory_space<hbm>> -> memref<1x50x200xi32, #tpu.memory_space<hbm>>
      %dma_start3A_52 = tpu.memref_squeeze %dma_start3A_51 : memref<1x50x200xi32, #tpu.memory_space<hbm>> -> memref<50x200xi32, #tpu.memory_space<hbm>>
      tpu.enqueue_dma source(%dma_start3A_52 : memref<50x200xi32, #tpu.memory_space<hbm>>) target(%arg6 : memref<50x200xi32, #tpu.memory_space<vmem>>) target_semaphore(%run_scoped3A : memref<!tpu.dma_semaphore, #tpu.memory_space<semaphore_mem>>)
      %dma_wait3A = arith.constant 0 : i32
      %dma_wait3A_53 = arith.constant 0 : i32
      %dma_wait3A_54 = tpu.memref_slice %arg3[%add3A, %dma_wait3A, %dma_wait3A_53] : memref<32x50x200xi32, #tpu.memory_space<hbm>> -> memref<1x50x200xi32, #tpu.memory_space<hbm>>
      %dma_wait3A_55 = tpu.memref_squeeze %dma_wait3A_54 : memref<1x50x200xi32, #tpu.memory_space<hbm>> -> memref<50x200xi32, #tpu.memory_space<hbm>>
      %dma_wait3A_56 = arith.constant 0 : i32
      %dma_wait3A_57 = arith.constant 0 : i32
      %dma_wait3A_58 = tpu.memref_slice %arg3[%add3A, %dma_wait3A_56, %dma_wait3A_57] : memref<32x50x200xi32, #tpu.memory_space<hbm>> -> memref<1x50x200xi32, #tpu.memory_space<hbm>>
      %dma_wait3A_59 = tpu.memref_squeeze %dma_wait3A_58 : memref<1x50x200xi32, #tpu.memory_space<hbm>> -> memref<50x200xi32, #tpu.memory_space<hbm>>
      tpu.wait_dma2 semaphore(%run_scoped3A : memref<!tpu.dma_semaphore, #tpu.memory_space<semaphore_mem>>) src(%dma_wait3A_59 : memref<50x200xi32, #tpu.memory_space<hbm>>) dst(%arg6 : memref<50x200xi32, #tpu.memory_space<vmem>>)
      tpu.yield
    }) : () -> ()
    "tpu.region"() ({
      %run_scoped3A = tpu.sem_alloc : memref<!tpu.dma_semaphore, #tpu.memory_space<semaphore_mem>>
      %dma_start3A_45 = arith.constant 0 : i32
      %dma_start3A_46 = arith.constant 0 : i32
      %dma_start3A_47 = tpu.memref_slice %arg4[%add3A, %dma_start3A_45, %dma_start3A_46] : memref<32x50x200xi32, #tpu.memory_space<hbm>> -> memref<1x50x200xi32, #tpu.memory_space<hbm>>
      %dma_start3A_48 = tpu.memref_squeeze %dma_start3A_47 : memref<1x50x200xi32, #tpu.memory_space<hbm>> -> memref<50x200xi32, #tpu.memory_space<hbm>>
      %dma_start3A_49 = arith.constant 0 : i32
      %dma_start3A_50 = arith.constant 0 : i32
      %dma_start3A_51 = tpu.memref_slice %arg4[%add3A, %dma_start3A_49, %dma_start3A_50] : memref<32x50x200xi32, #tpu.memory_space<hbm>> -> memref<1x50x200xi32, #tpu.memory_space<hbm>>
      %dma_start3A_52 = tpu.memref_squeeze %dma_start3A_51 : memref<1x50x200xi32, #tpu.memory_space<hbm>> -> memref<50x200xi32, #tpu.memory_space<hbm>>
      tpu.enqueue_dma source(%dma_start3A_52 : memref<50x200xi32, #tpu.memory_space<hbm>>) target(%arg7 : memref<50x200xi32, #tpu.memory_space<vmem>>) target_semaphore(%run_scoped3A : memref<!tpu.dma_semaphore, #tpu.memory_space<semaphore_mem>>)
      %dma_wait3A = arith.constant 0 : i32
      %dma_wait3A_53 = arith.constant 0 : i32
      %dma_wait3A_54 = tpu.memref_slice %arg4[%add3A, %dma_wait3A, %dma_wait3A_53] : memref<32x50x200xi32, #tpu.memory_space<hbm>> -> memref<1x50x200xi32, #tpu.memory_space<hbm>>
      %dma_wait3A_55 = tpu.memref_squeeze %dma_wait3A_54 : memref<1x50x200xi32, #tpu.memory_space<hbm>> -> memref<50x200xi32, #tpu.memory_space<hbm>>
      %dma_wait3A_56 = arith.constant 0 : i32
      %dma_wait3A_57 = arith.constant 0 : i32
      %dma_wait3A_58 = tpu.memref_slice %arg4[%add3A, %dma_wait3A_56, %dma_wait3A_57] : memref<32x50x200xi32, #tpu.memory_space<hbm>> -> memref<1x50x200xi32, #tpu.memory_space<hbm>>
      %dma_wait3A_59 = tpu.memref_squeeze %dma_wait3A_58 : memref<1x50x200xi32, #tpu.memory_space<hbm>> -> memref<50x200xi32, #tpu.memory_space<hbm>>
      tpu.wait_dma2 semaphore(%run_scoped3A : memref<!tpu.dma_semaphore, #tpu.memory_space<semaphore_mem>>) src(%dma_wait3A_59 : memref<50x200xi32, #tpu.memory_space<hbm>>) dst(%arg7 : memref<50x200xi32, #tpu.memory_space<vmem>>)
      tpu.yield
    }) : () -> ()
    %dma_start3A = arith.constant 0 : i32
    %dma_start3A_26 = arith.constant 0 : i32
    %dma_start3A_27 = tpu.memref_slice %arg6[%dma_start3A, %dma_start3A_26] : memref<50x200xi32, #tpu.memory_space<vmem>> -> memref<1x200xi32, #tpu.memory_space<vmem>>
    %dma_start3A_28 = tpu.memref_squeeze %dma_start3A_27 : memref<1x200xi32, #tpu.memory_space<vmem>> -> memref<200xi32, #tpu.memory_space<vmem>>
    %dma_start3A_29 = arith.constant 0 : i32
    %dma_start3A_30 = arith.constant 0 : i32
    %dma_start3A_31 = tpu.memref_slice %arg11[%dma_start3A_29, %dma_start3A_30] : memref<10000x64xf32, #tpu.memory_space<vmem_shared>> -> memref<10000x64xf32, #tpu.memory_space<vmem_shared>>
    tpu.enqueue_indirect_dma source(%dma_start3A_31 : memref<10000x64xf32, #tpu.memory_space<vmem_shared>>) target(%arg8 : memref<200x64xf32, #tpu.memory_space<vmem>>) offsets(%dma_start3A_28 : memref<200xi32, #tpu.memory_space<vmem>>) semaphore(%arg12 : memref<!tpu.dma_semaphore, #tpu.memory_space<semaphore_mem>>)
    %scan3A_32 = arith.constant 0 : i32
    %scan3A_33 = arith.constant 0 : i32
    %scan3A_34 = arith.constant 25 : i32
    %scan3A_35 = arith.addi %scan3A_33, %scan3A_34 : i32
    %scan3A_36 = arith.constant 1 : i32
    %scan3A_37 = scf.for %scan3A_45 = %scan3A_33 to %scan3A_35 step %scan3A_36 iter_args(%scan3A_46 = %scan3A_32) -> (i32)  : i32 {
      %mul3A_47 = arith.constant 2 : i32
      %mul3A_48 = arith.muli %mul3A_47, %scan3A_45 : i32
      %dma_wait3A = arith.constant 0 : i32
      %dma_wait3A_49 = tpu.memref_slice %arg6[%mul3A_48, %dma_wait3A] : memref<50x200xi32, #tpu.memory_space<vmem>> -> memref<1x200xi32, #tpu.memory_space<vmem>>
      %dma_wait3A_50 = tpu.memref_squeeze %dma_wait3A_49 : memref<1x200xi32, #tpu.memory_space<vmem>> -> memref<200xi32, #tpu.memory_space<vmem>>
      %dma_wait3A_51 = arith.constant 0 : i32
      %dma_wait3A_52 = arith.constant 0 : i32
      %dma_wait3A_53 = tpu.memref_slice %arg11[%dma_wait3A_51, %dma_wait3A_52] : memref<10000x64xf32, #tpu.memory_space<vmem_shared>> -> memref<10000x64xf32, #tpu.memory_space<vmem_shared>>
      tpu.wait_indirect_dma semaphore(%arg12 : memref<!tpu.dma_semaphore, #tpu.memory_space<semaphore_mem>>) src(%dma_wait3A_53 : memref<10000x64xf32, #tpu.memory_space<vmem_shared>>) dst(%arg8 : memref<200x64xf32, #tpu.memory_space<vmem>>)
      %add3A_54 = arith.constant 1 : i32
      %add3A_55 = arith.addi %mul3A_48, %add3A_54 : i32
      %dma_start3A_56 = arith.constant 0 : i32
      %dma_start3A_57 = tpu.memref_slice %arg6[%add3A_55, %dma_start3A_56] : memref<50x200xi32, #tpu.memory_space<vmem>> -> memref<1x200xi32, #tpu.memory_space<vmem>>
      %dma_start3A_58 = tpu.memref_squeeze %dma_start3A_57 : memref<1x200xi32, #tpu.memory_space<vmem>> -> memref<200xi32, #tpu.memory_space<vmem>>
      %dma_start3A_59 = arith.constant 0 : i32
      %dma_start3A_60 = arith.constant 0 : i32
      %dma_start3A_61 = tpu.memref_slice %arg11[%dma_start3A_59, %dma_start3A_60] : memref<10000x64xf32, #tpu.memory_space<vmem_shared>> -> memref<10000x64xf32, #tpu.memory_space<vmem_shared>>
      tpu.enqueue_indirect_dma source(%dma_start3A_61 : memref<10000x64xf32, #tpu.memory_space<vmem_shared>>) target(%arg9 : memref<200x64xf32, #tpu.memory_space<vmem>>) offsets(%dma_start3A_58 : memref<200xi32, #tpu.memory_space<vmem>>) semaphore(%arg13 : memref<!tpu.dma_semaphore, #tpu.memory_space<semaphore_mem>>)
      "tpu.region"() ({
        %run_scoped3A = tpu.sem_alloc : memref<!tpu.dma_semaphore, #tpu.memory_space<semaphore_mem>>
        %dma_start3A_77 = arith.constant 0 : i32
        %dma_start3A_78 = tpu.memref_slice %arg7[%mul3A_48, %dma_start3A_77] : memref<50x200xi32, #tpu.memory_space<vmem>> -> memref<1x200xi32, #tpu.memory_space<vmem>>
        %dma_start3A_79 = tpu.memref_squeeze %dma_start3A_78 : memref<1x200xi32, #tpu.memory_space<vmem>> -> memref<200xi32, #tpu.memory_space<vmem>>
        %dma_start3A_80 = arith.constant 0 : i32
        %dma_start3A_81 = arith.constant 0 : i32
        %dma_start3A_82 = tpu.memref_slice %arg10[%dma_start3A_80, %dma_start3A_81] : memref<10000x64xf32, #tpu.memory_space<vmem_shared>> -> memref<10000x64xf32, #tpu.memory_space<vmem_shared>>
        tpu.enqueue_indirect_dma source(%arg8 : memref<200x64xf32, #tpu.memory_space<vmem>>) target(%dma_start3A_82 : memref<10000x64xf32, #tpu.memory_space<vmem_shared>>) offsets(%dma_start3A_79 : memref<200xi32, #tpu.memory_space<vmem>>) semaphore(%run_scoped3A : memref<!tpu.dma_semaphore, #tpu.memory_space<semaphore_mem>>) {add = true}
        %dma_wait3A_83 = arith.constant 0 : i32
        %dma_wait3A_84 = tpu.memref_slice %arg7[%mul3A_48, %dma_wait3A_83] : memref<50x200xi32, #tpu.memory_space<vmem>> -> memref<1x200xi32, #tpu.memory_space<vmem>>
        %dma_wait3A_85 = tpu.memref_squeeze %dma_wait3A_84 : memref<1x200xi32, #tpu.memory_space<vmem>> -> memref<200xi32, #tpu.memory_space<vmem>>
        %dma_wait3A_86 = arith.constant 0 : i32
        %dma_wait3A_87 = arith.constant 0 : i32
        %dma_wait3A_88 = tpu.memref_slice %arg10[%dma_wait3A_86, %dma_wait3A_87] : memref<10000x64xf32, #tpu.memory_space<vmem_shared>> -> memref<10000x64xf32, #tpu.memory_space<vmem_shared>>
        tpu.wait_indirect_dma semaphore(%run_scoped3A : memref<!tpu.dma_semaphore, #tpu.memory_space<semaphore_mem>>) src(%arg8 : memref<200x64xf32, #tpu.memory_space<vmem>>) dst(%dma_wait3A_88 : memref<10000x64xf32, #tpu.memory_space<vmem_shared>>)
        tpu.yield
      }) : () -> ()
      %add3A_62 = arith.constant 1 : i32
      %add3A_63 = arith.addi %mul3A_48, %add3A_62 : i32
      %dma_wait3A_64 = arith.constant 0 : i32
      %dma_wait3A_65 = tpu.memref_slice %arg6[%add3A_63, %dma_wait3A_64] : memref<50x200xi32, #tpu.memory_space<vmem>> -> memref<1x200xi32, #tpu.memory_space<vmem>>
      %dma_wait3A_66 = tpu.memref_squeeze %dma_wait3A_65 : memref<1x200xi32, #tpu.memory_space<vmem>> -> memref<200xi32, #tpu.memory_space<vmem>>
      %dma_wait3A_67 = arith.constant 0 : i32
      %dma_wait3A_68 = arith.constant 0 : i32
      %dma_wait3A_69 = tpu.memref_slice %arg11[%dma_wait3A_67, %dma_wait3A_68] : memref<10000x64xf32, #tpu.memory_space<vmem_shared>> -> memref<10000x64xf32, #tpu.memory_space<vmem_shared>>
      tpu.wait_indirect_dma semaphore(%arg13 : memref<!tpu.dma_semaphore, #tpu.memory_space<semaphore_mem>>) src(%dma_wait3A_69 : memref<10000x64xf32, #tpu.memory_space<vmem_shared>>) dst(%arg9 : memref<200x64xf32, #tpu.memory_space<vmem>>)
      %lt3A = arith.constant 24 : i32
      %lt3A_70 = arith.cmpi slt, %scan3A_45, %lt3A : i32
      %convert_element_type3A_71 = arith.extui %lt3A_70 : i1 to i32
      %cond3A_72 = arith.constant 0 : i32
      %cond3A_73 = arith.cmpi ne, %convert_element_type3A_71, %cond3A_72 : i32
      scf.if %cond3A_73 {
        %add3A_77 = arith.constant 2 : i32
        %add3A_78 = arith.addi %mul3A_48, %add3A_77 : i32
        %dma_start3A_79 = arith.constant 0 : i32
        %dma_start3A_80 = tpu.memref_slice %arg6[%add3A_78, %dma_start3A_79] : memref<50x200xi32, #tpu.memory_space<vmem>> -> memref<1x200xi32, #tpu.memory_space<vmem>>
        %dma_start3A_81 = tpu.memref_squeeze %dma_start3A_80 : memref<1x200xi32, #tpu.memory_space<vmem>> -> memref<200xi32, #tpu.memory_space<vmem>>
        %dma_start3A_82 = arith.constant 0 : i32
        %dma_start3A_83 = arith.constant 0 : i32
        %dma_start3A_84 = tpu.memref_slice %arg11[%dma_start3A_82, %dma_start3A_83] : memref<10000x64xf32, #tpu.memory_space<vmem_shared>> -> memref<10000x64xf32, #tpu.memory_space<vmem_shared>>
        tpu.enqueue_indirect_dma source(%dma_start3A_84 : memref<10000x64xf32, #tpu.memory_space<vmem_shared>>) target(%arg8 : memref<200x64xf32, #tpu.memory_space<vmem>>) offsets(%dma_start3A_81 : memref<200xi32, #tpu.memory_space<vmem>>) semaphore(%arg12 : memref<!tpu.dma_semaphore, #tpu.memory_space<semaphore_mem>>)
      } else {
      }
      %add3A_74 = arith.constant 1 : i32
      %add3A_75 = arith.addi %mul3A_48, %add3A_74 : i32
      "tpu.region"() ({
        %run_scoped3A = tpu.sem_alloc : memref<!tpu.dma_semaphore, #tpu.memory_space<semaphore_mem>>
        %dma_start3A_77 = arith.constant 0 : i32
        %dma_start3A_78 = tpu.memref_slice %arg7[%add3A_75, %dma_start3A_77] : memref<50x200xi32, #tpu.memory_space<vmem>> -> memref<1x200xi32, #tpu.memory_space<vmem>>
        %dma_start3A_79 = tpu.memref_squeeze %dma_start3A_78 : memref<1x200xi32, #tpu.memory_space<vmem>> -> memref<200xi32, #tpu.memory_space<vmem>>
        %dma_start3A_80 = arith.constant 0 : i32
        %dma_start3A_81 = arith.constant 0 : i32
        %dma_start3A_82 = tpu.memref_slice %arg10[%dma_start3A_80, %dma_start3A_81] : memref<10000x64xf32, #tpu.memory_space<vmem_shared>> -> memref<10000x64xf32, #tpu.memory_space<vmem_shared>>
        tpu.enqueue_indirect_dma source(%arg9 : memref<200x64xf32, #tpu.memory_space<vmem>>) target(%dma_start3A_82 : memref<10000x64xf32, #tpu.memory_space<vmem_shared>>) offsets(%dma_start3A_79 : memref<200xi32, #tpu.memory_space<vmem>>) semaphore(%run_scoped3A : memref<!tpu.dma_semaphore, #tpu.memory_space<semaphore_mem>>) {add = true}
        %dma_wait3A_83 = arith.constant 0 : i32
        %dma_wait3A_84 = tpu.memref_slice %arg7[%add3A_75, %dma_wait3A_83] : memref<50x200xi32, #tpu.memory_space<vmem>> -> memref<1x200xi32, #tpu.memory_space<vmem>>
        %dma_wait3A_85 = tpu.memref_squeeze %dma_wait3A_84 : memref<1x200xi32, #tpu.memory_space<vmem>> -> memref<200xi32, #tpu.memory_space<vmem>>
        %dma_wait3A_86 = arith.constant 0 : i32
        %dma_wait3A_87 = arith.constant 0 : i32
        %dma_wait3A_88 = tpu.memref_slice %arg10[%dma_wait3A_86, %dma_wait3A_87] : memref<10000x64xf32, #tpu.memory_space<vmem_shared>> -> memref<10000x64xf32, #tpu.memory_space<vmem_shared>>
        tpu.wait_indirect_dma semaphore(%run_scoped3A : memref<!tpu.dma_semaphore, #tpu.memory_space<semaphore_mem>>) src(%arg9 : memref<200x64xf32, #tpu.memory_space<vmem>>) dst(%dma_wait3A_88 : memref<10000x64xf32, #tpu.memory_space<vmem_shared>>)
        tpu.yield
      }) : () -> ()
      %scan3A_76 = arith.constant 0 : i32
      scf.yield %scan3A_76 : i32
    }
    %scan3A_38 = arith.constant 25 : i32
    %barrier3A_39 = arith.constant 0 : index
    tpu.barrier barrier_id(%barrier3A_39)
    "tpu.region"() ({
      %run_scoped3A = tpu.sem_alloc : memref<!tpu.dma_semaphore, #tpu.memory_space<semaphore_mem>>
      %dma_start3A_45 = arith.constant 0 : i32
      %dma_start3A_46 = arith.constant 0 : i32
      %dma_start3A_47 = tpu.memref_slice %arg5[%arg0, %dma_start3A_45, %dma_start3A_46] : memref<2x10000x64xf32, #tpu.memory_space<hbm>> -> memref<1x10000x64xf32, #tpu.memory_space<hbm>>
      %dma_start3A_48 = tpu.memref_squeeze %dma_start3A_47 : memref<1x10000x64xf32, #tpu.memory_space<hbm>> -> memref<10000x64xf32, #tpu.memory_space<hbm>>
      %dma_start3A_49 = arith.constant 0 : i32
      %dma_start3A_50 = tpu.memref_slice %dma_start3A_48[%mul3A_9, %dma_start3A_49] : memref<10000x64xf32, #tpu.memory_space<hbm>> -> memref<624x64xf32, #tpu.memory_space<hbm>>
      %dma_start3A_51 = arith.constant 0 : i32
      %dma_start3A_52 = tpu.memref_slice %arg10[%mul3A_9, %dma_start3A_51] : memref<10000x64xf32, #tpu.memory_space<vmem_shared>> -> memref<624x64xf32, #tpu.memory_space<vmem_shared>>
      tpu.enqueue_dma source(%dma_start3A_52 : memref<624x64xf32, #tpu.memory_space<vmem_shared>>) target(%dma_start3A_50 : memref<624x64xf32, #tpu.memory_space<hbm>>) target_semaphore(%run_scoped3A : memref<!tpu.dma_semaphore, #tpu.memory_space<semaphore_mem>>)
      %dma_wait3A = arith.constant 0 : i32
      %dma_wait3A_53 = arith.constant 0 : i32
      %dma_wait3A_54 = tpu.memref_slice %arg5[%arg0, %dma_wait3A, %dma_wait3A_53] : memref<2x10000x64xf32, #tpu.memory_space<hbm>> -> memref<1x10000x64xf32, #tpu.memory_space<hbm>>
      %dma_wait3A_55 = tpu.memref_squeeze %dma_wait3A_54 : memref<1x10000x64xf32, #tpu.memory_space<hbm>> -> memref<10000x64xf32, #tpu.memory_space<hbm>>
      %dma_wait3A_56 = arith.constant 0 : i32
      %dma_wait3A_57 = tpu.memref_slice %dma_wait3A_55[%mul3A_9, %dma_wait3A_56] : memref<10000x64xf32, #tpu.memory_space<hbm>> -> memref<624x64xf32, #tpu.memory_space<hbm>>
      %dma_wait3A_58 = arith.constant 0 : i32
      %dma_wait3A_59 = tpu.memref_slice %arg10[%mul3A_9, %dma_wait3A_58] : memref<10000x64xf32, #tpu.memory_space<vmem_shared>> -> memref<624x64xf32, #tpu.memory_space<vmem_shared>>
      tpu.wait_dma2 semaphore(%run_scoped3A : memref<!tpu.dma_semaphore, #tpu.memory_space<semaphore_mem>>) src(%dma_wait3A_59 : memref<624x64xf32, #tpu.memory_space<vmem_shared>>) dst(%dma_wait3A_57 : memref<624x64xf32, #tpu.memory_space<hbm>>)
      tpu.yield
    }) : () -> ()
    %eq3A_40 = arith.constant 15 : i32
    %eq3A_41 = arith.cmpi eq, %arg1, %eq3A_40 : i32
    %convert_element_type3A_42 = arith.extui %eq3A_41 : i1 to i32
    %cond3A_43 = arith.constant 0 : i32
    %cond3A_44 = arith.cmpi ne, %convert_element_type3A_42, %cond3A_43 : i32
    scf.if %cond3A_44 {
      "tpu.region"() ({
        %run_scoped3A = tpu.sem_alloc : memref<!tpu.dma_semaphore, #tpu.memory_space<semaphore_mem>>
        %dma_start3A_45 = arith.constant 0 : i32
        %dma_start3A_46 = arith.constant 0 : i32
        %dma_start3A_47 = tpu.memref_slice %arg5[%arg0, %dma_start3A_45, %dma_start3A_46] : memref<2x10000x64xf32, #tpu.memory_space<hbm>> -> memref<1x10000x64xf32, #tpu.memory_space<hbm>>
        %dma_start3A_48 = tpu.memref_squeeze %dma_start3A_47 : memref<1x10000x64xf32, #tpu.memory_space<hbm>> -> memref<10000x64xf32, #tpu.memory_space<hbm>>
        %dma_start3A_49 = arith.constant 9984 : i32
        %dma_start3A_50 = arith.constant 0 : i32
        %dma_start3A_51 = tpu.memref_slice %dma_start3A_48[%dma_start3A_49, %dma_start3A_50] : memref<10000x64xf32, #tpu.memory_space<hbm>> -> memref<16x64xf32, #tpu.memory_space<hbm>>
        %dma_start3A_52 = arith.constant 9984 : i32
        %dma_start3A_53 = arith.constant 0 : i32
        %dma_start3A_54 = tpu.memref_slice %arg10[%dma_start3A_52, %dma_start3A_53] : memref<10000x64xf32, #tpu.memory_space<vmem_shared>> -> memref<16x64xf32, #tpu.memory_space<vmem_shared>>
        tpu.enqueue_dma source(%dma_start3A_54 : memref<16x64xf32, #tpu.memory_space<vmem_shared>>) target(%dma_start3A_51 : memref<16x64xf32, #tpu.memory_space<hbm>>) target_semaphore(%run_scoped3A : memref<!tpu.dma_semaphore, #tpu.memory_space<semaphore_mem>>)
        %dma_wait3A = arith.constant 0 : i32
        %dma_wait3A_55 = arith.constant 0 : i32
        %dma_wait3A_56 = tpu.memref_slice %arg5[%arg0, %dma_wait3A, %dma_wait3A_55] : memref<2x10000x64xf32, #tpu.memory_space<hbm>> -> memref<1x10000x64xf32, #tpu.memory_space<hbm>>
        %dma_wait3A_57 = tpu.memref_squeeze %dma_wait3A_56 : memref<1x10000x64xf32, #tpu.memory_space<hbm>> -> memref<10000x64xf32, #tpu.memory_space<hbm>>
        %dma_wait3A_58 = arith.constant 9984 : i32
        %dma_wait3A_59 = arith.constant 0 : i32
        %dma_wait3A_60 = tpu.memref_slice %dma_wait3A_57[%dma_wait3A_58, %dma_wait3A_59] : memref<10000x64xf32, #tpu.memory_space<hbm>> -> memref<16x64xf32, #tpu.memory_space<hbm>>
        %dma_wait3A_61 = arith.constant 9984 : i32
        %dma_wait3A_62 = arith.constant 0 : i32
        %dma_wait3A_63 = tpu.memref_slice %arg10[%dma_wait3A_61, %dma_wait3A_62] : memref<10000x64xf32, #tpu.memory_space<vmem_shared>> -> memref<16x64xf32, #tpu.memory_space<vmem_shared>>
        tpu.wait_dma2 semaphore(%run_scoped3A : memref<!tpu.dma_semaphore, #tpu.memory_space<semaphore_mem>>) src(%dma_wait3A_63 : memref<16x64xf32, #tpu.memory_space<vmem_shared>>) dst(%dma_wait3A_60 : memref<16x64xf32, #tpu.memory_space<hbm>>)
        tpu.yield
      }) : () -> ()
    } else {
    }
    return
  }
}

#map = affine_map<(d0, d1) -> (0, 0)>
#map1 = affine_map<(d0, d1) -> (0, 0, 0)>
module attributes {stable_mosaic.version = 14 : i64} {
  func.func @_seg_sum_body(%arg0: i32, %arg1: i32, %arg2: memref<10000x128xf32, #tpu.memory_space<hbm>>, %arg3: memref<32x100x100xi32, #tpu.memory_space<hbm>>, %arg4: memref<32x100x100xi32, #tpu.memory_space<hbm>>, %arg5: memref<2x10000x128xf32, #tpu.memory_space<hbm>>, %arg6: memref<100x100xi32, #tpu.memory_space<vmem>>, %arg7: memref<100x100xi32, #tpu.memory_space<vmem>>, %arg8: memref<100x128xf32, #tpu.memory_space<vmem>>, %arg9: memref<100x128xf32, #tpu.memory_space<vmem>>, %arg10: memref<10000x128xf32, #tpu.memory_space<vmem_shared>>, %arg11: memref<!tpu.dma_semaphore, #tpu.memory_space<semaphore_mem>>, %arg12: memref<!tpu.dma_semaphore, #tpu.memory_space<semaphore_mem>>) attributes {dimension_semantics = [#tpu.dimension_semantics<core_parallel>, #tpu.dimension_semantics<subcore_parallel>], iteration_bounds = array<i64: 2, 16>, scalar_prefetch = 0 : i64, scratch_operands = 7 : i64, tpu.core_type = #tpu.core_type<sc_vector_subcore>, window_params = [{transform_indices = #map}, {transform_indices = #map1}, {transform_indices = #map1}, {transform_indices = #map1}]} {
    %mul3A = arith.constant 16 : i32
    %mul3A_0 = arith.muli %arg0, %mul3A : i32
    %add3A = arith.addi %mul3A_0, %arg1 : i32
    %broadcast_in_dim3A = arith.constant 0.000000e+00 : f32
    %broadcast_in_dim3A_1 = vector.broadcast %broadcast_in_dim3A : f32 to vector<16xf32>
    %scan3A = arith.constant 0 : i32
    %scan3A_2 = arith.constant 0 : i32
    %scan3A_3 = arith.constant 100 : i32
    %scan3A_4 = arith.addi %scan3A_2, %scan3A_3 : i32
    %scan3A_5 = arith.constant 1 : i32
    %scan3A_6 = scf.for %scan3A_46 = %scan3A_2 to %scan3A_4 step %scan3A_5 iter_args(%scan3A_47 = %scan3A) -> (i32)  : i32 {
      %swap3A = arith.index_cast %scan3A_46 : i32 to index
      %swap3A_48 = arith.constant 0 : index
      %swap3A_49 = tpu.vector_load %arg8[%swap3A, %swap3A_48] {strides = array<i32>} : memref<100x128xf32, #tpu.memory_space<vmem>>, vector<1x16xf32>,
      %swap3A_50 = vector.shape_cast %swap3A_49 : vector<1x16xf32> to vector<16xf32>
      %swap3A_51 = vector.shape_cast %broadcast_in_dim3A_1 : vector<16xf32> to vector<1x16xf32>
      tpu.vector_store %arg8[%swap3A, %swap3A_48], %swap3A_51 {strides = array<i32>} : memref<100x128xf32, #tpu.memory_space<vmem>>, vector<1x16xf32>,
      %swap3A_52 = arith.index_cast %scan3A_46 : i32 to index
      %swap3A_53 = arith.constant 16 : index
      %swap3A_54 = tpu.vector_load %arg8[%swap3A_52, %swap3A_53] {strides = array<i32>} : memref<100x128xf32, #tpu.memory_space<vmem>>, vector<1x16xf32>,
      %swap3A_55 = vector.shape_cast %swap3A_54 : vector<1x16xf32> to vector<16xf32>
      %swap3A_56 = vector.shape_cast %broadcast_in_dim3A_1 : vector<16xf32> to vector<1x16xf32>
      tpu.vector_store %arg8[%swap3A_52, %swap3A_53], %swap3A_56 {strides = array<i32>} : memref<100x128xf32, #tpu.memory_space<vmem>>, vector<1x16xf32>,
      %swap3A_57 = arith.index_cast %scan3A_46 : i32 to index
      %swap3A_58 = arith.constant 32 : index
      %swap3A_59 = tpu.vector_load %arg8[%swap3A_57, %swap3A_58] {strides = array<i32>} : memref<100x128xf32, #tpu.memory_space<vmem>>, vector<1x16xf32>,
      %swap3A_60 = vector.shape_cast %swap3A_59 : vector<1x16xf32> to vector<16xf32>
      %swap3A_61 = vector.shape_cast %broadcast_in_dim3A_1 : vector<16xf32> to vector<1x16xf32>
      tpu.vector_store %arg8[%swap3A_57, %swap3A_58], %swap3A_61 {strides = array<i32>} : memref<100x128xf32, #tpu.memory_space<vmem>>, vector<1x16xf32>,
      %swap3A_62 = arith.index_cast %scan3A_46 : i32 to index
      %swap3A_63 = arith.constant 48 : index
      %swap3A_64 = tpu.vector_load %arg8[%swap3A_62, %swap3A_63] {strides = array<i32>} : memref<100x128xf32, #tpu.memory_space<vmem>>, vector<1x16xf32>,
      %swap3A_65 = vector.shape_cast %swap3A_64 : vector<1x16xf32> to vector<16xf32>
      %swap3A_66 = vector.shape_cast %broadcast_in_dim3A_1 : vector<16xf32> to vector<1x16xf32>
      tpu.vector_store %arg8[%swap3A_62, %swap3A_63], %swap3A_66 {strides = array<i32>} : memref<100x128xf32, #tpu.memory_space<vmem>>, vector<1x16xf32>,
      %swap3A_67 = arith.index_cast %scan3A_46 : i32 to index
      %swap3A_68 = arith.constant 64 : index
      %swap3A_69 = tpu.vector_load %arg8[%swap3A_67, %swap3A_68] {strides = array<i32>} : memref<100x128xf32, #tpu.memory_space<vmem>>, vector<1x16xf32>,
      %swap3A_70 = vector.shape_cast %swap3A_69 : vector<1x16xf32> to vector<16xf32>
      %swap3A_71 = vector.shape_cast %broadcast_in_dim3A_1 : vector<16xf32> to vector<1x16xf32>
      tpu.vector_store %arg8[%swap3A_67, %swap3A_68], %swap3A_71 {strides = array<i32>} : memref<100x128xf32, #tpu.memory_space<vmem>>, vector<1x16xf32>,
      %swap3A_72 = arith.index_cast %scan3A_46 : i32 to index
      %swap3A_73 = arith.constant 80 : index
      %swap3A_74 = tpu.vector_load %arg8[%swap3A_72, %swap3A_73] {strides = array<i32>} : memref<100x128xf32, #tpu.memory_space<vmem>>, vector<1x16xf32>,
      %swap3A_75 = vector.shape_cast %swap3A_74 : vector<1x16xf32> to vector<16xf32>
      %swap3A_76 = vector.shape_cast %broadcast_in_dim3A_1 : vector<16xf32> to vector<1x16xf32>
      tpu.vector_store %arg8[%swap3A_72, %swap3A_73], %swap3A_76 {strides = array<i32>} : memref<100x128xf32, #tpu.memory_space<vmem>>, vector<1x16xf32>,
      %swap3A_77 = arith.index_cast %scan3A_46 : i32 to index
      %swap3A_78 = arith.constant 96 : index
      %swap3A_79 = tpu.vector_load %arg8[%swap3A_77, %swap3A_78] {strides = array<i32>} : memref<100x128xf32, #tpu.memory_space<vmem>>, vector<1x16xf32>,
      %swap3A_80 = vector.shape_cast %swap3A_79 : vector<1x16xf32> to vector<16xf32>
      %swap3A_81 = vector.shape_cast %broadcast_in_dim3A_1 : vector<16xf32> to vector<1x16xf32>
      tpu.vector_store %arg8[%swap3A_77, %swap3A_78], %swap3A_81 {strides = array<i32>} : memref<100x128xf32, #tpu.memory_space<vmem>>, vector<1x16xf32>,
      %swap3A_82 = arith.index_cast %scan3A_46 : i32 to index
      %swap3A_83 = arith.constant 112 : index
      %swap3A_84 = tpu.vector_load %arg8[%swap3A_82, %swap3A_83] {strides = array<i32>} : memref<100x128xf32, #tpu.memory_space<vmem>>, vector<1x16xf32>,
      %swap3A_85 = vector.shape_cast %swap3A_84 : vector<1x16xf32> to vector<16xf32>
      %swap3A_86 = vector.shape_cast %broadcast_in_dim3A_1 : vector<16xf32> to vector<1x16xf32>
      tpu.vector_store %arg8[%swap3A_82, %swap3A_83], %swap3A_86 {strides = array<i32>} : memref<100x128xf32, #tpu.memory_space<vmem>>, vector<1x16xf32>,
      %scan3A_87 = arith.constant 0 : i32
      scf.yield %scan3A_87 : i32
    }
    %scan3A_7 = arith.constant 100 : i32
    %mul3A_8 = arith.constant 624 : i32
    %mul3A_9 = arith.muli %arg1, %mul3A_8 : i32
    %add3A_10 = arith.constant 0 : i32
    %add3A_11 = arith.addi %mul3A_9, %add3A_10 : i32
    "tpu.region"() ({
      %run_scoped3A = tpu.sem_alloc : memref<!tpu.dma_semaphore, #tpu.memory_space<semaphore_mem>>
      %dma_start3A_46 = arith.constant 0 : i32
      %dma_start3A_47 = tpu.memref_slice %arg10[%add3A_11, %dma_start3A_46] : memref<10000x128xf32, #tpu.memory_space<vmem_shared>> -> memref<100x128xf32, #tpu.memory_space<vmem_shared>>
      %dma_start3A_48 = arith.constant 0 : i32
      %dma_start3A_49 = tpu.memref_slice %arg10[%add3A_11, %dma_start3A_48] : memref<10000x128xf32, #tpu.memory_space<vmem_shared>> -> memref<100x128xf32, #tpu.memory_space<vmem_shared>>
      tpu.enqueue_dma source(%arg8 : memref<100x128xf32, #tpu.memory_space<vmem>>) target(%dma_start3A_49 : memref<100x128xf32, #tpu.memory_space<vmem_shared>>) target_semaphore(%run_scoped3A : memref<!tpu.dma_semaphore, #tpu.memory_space<semaphore_mem>>)
      %dma_wait3A = arith.constant 0 : i32
      %dma_wait3A_50 = tpu.memref_slice %arg10[%add3A_11, %dma_wait3A] : memref<10000x128xf32, #tpu.memory_space<vmem_shared>> -> memref<100x128xf32, #tpu.memory_space<vmem_shared>>
      %dma_wait3A_51 = arith.constant 0 : i32
      %dma_wait3A_52 = tpu.memref_slice %arg10[%add3A_11, %dma_wait3A_51] : memref<10000x128xf32, #tpu.memory_space<vmem_shared>> -> memref<100x128xf32, #tpu.memory_space<vmem_shared>>
      tpu.wait_dma2 semaphore(%run_scoped3A : memref<!tpu.dma_semaphore, #tpu.memory_space<semaphore_mem>>) src(%arg8 : memref<100x128xf32, #tpu.memory_space<vmem>>) dst(%dma_wait3A_52 : memref<100x128xf32, #tpu.memory_space<vmem_shared>>)
      tpu.yield
    }) : () -> ()
    %add3A_12 = arith.constant 100 : i32
    %add3A_13 = arith.addi %mul3A_9, %add3A_12 : i32
    "tpu.region"() ({
      %run_scoped3A = tpu.sem_alloc : memref<!tpu.dma_semaphore, #tpu.memory_space<semaphore_mem>>
      %dma_start3A_46 = arith.constant 0 : i32
      %dma_start3A_47 = tpu.memref_slice %arg10[%add3A_13, %dma_start3A_46] : memref<10000x128xf32, #tpu.memory_space<vmem_shared>> -> memref<100x128xf32, #tpu.memory_space<vmem_shared>>
      %dma_start3A_48 = arith.constant 0 : i32
      %dma_start3A_49 = tpu.memref_slice %arg10[%add3A_13, %dma_start3A_48] : memref<10000x128xf32, #tpu.memory_space<vmem_shared>> -> memref<100x128xf32, #tpu.memory_space<vmem_shared>>
      tpu.enqueue_dma source(%arg8 : memref<100x128xf32, #tpu.memory_space<vmem>>) target(%dma_start3A_49 : memref<100x128xf32, #tpu.memory_space<vmem_shared>>) target_semaphore(%run_scoped3A : memref<!tpu.dma_semaphore, #tpu.memory_space<semaphore_mem>>)
      %dma_wait3A = arith.constant 0 : i32
      %dma_wait3A_50 = tpu.memref_slice %arg10[%add3A_13, %dma_wait3A] : memref<10000x128xf32, #tpu.memory_space<vmem_shared>> -> memref<100x128xf32, #tpu.memory_space<vmem_shared>>
      %dma_wait3A_51 = arith.constant 0 : i32
      %dma_wait3A_52 = tpu.memref_slice %arg10[%add3A_13, %dma_wait3A_51] : memref<10000x128xf32, #tpu.memory_space<vmem_shared>> -> memref<100x128xf32, #tpu.memory_space<vmem_shared>>
      tpu.wait_dma2 semaphore(%run_scoped3A : memref<!tpu.dma_semaphore, #tpu.memory_space<semaphore_mem>>) src(%arg8 : memref<100x128xf32, #tpu.memory_space<vmem>>) dst(%dma_wait3A_52 : memref<100x128xf32, #tpu.memory_space<vmem_shared>>)
      tpu.yield
    }) : () -> ()
    %add3A_14 = arith.constant 200 : i32
    %add3A_15 = arith.addi %mul3A_9, %add3A_14 : i32
    "tpu.region"() ({
      %run_scoped3A = tpu.sem_alloc : memref<!tpu.dma_semaphore, #tpu.memory_space<semaphore_mem>>
      %dma_start3A_46 = arith.constant 0 : i32
      %dma_start3A_47 = tpu.memref_slice %arg10[%add3A_15, %dma_start3A_46] : memref<10000x128xf32, #tpu.memory_space<vmem_shared>> -> memref<100x128xf32, #tpu.memory_space<vmem_shared>>
      %dma_start3A_48 = arith.constant 0 : i32
      %dma_start3A_49 = tpu.memref_slice %arg10[%add3A_15, %dma_start3A_48] : memref<10000x128xf32, #tpu.memory_space<vmem_shared>> -> memref<100x128xf32, #tpu.memory_space<vmem_shared>>
      tpu.enqueue_dma source(%arg8 : memref<100x128xf32, #tpu.memory_space<vmem>>) target(%dma_start3A_49 : memref<100x128xf32, #tpu.memory_space<vmem_shared>>) target_semaphore(%run_scoped3A : memref<!tpu.dma_semaphore, #tpu.memory_space<semaphore_mem>>)
      %dma_wait3A = arith.constant 0 : i32
      %dma_wait3A_50 = tpu.memref_slice %arg10[%add3A_15, %dma_wait3A] : memref<10000x128xf32, #tpu.memory_space<vmem_shared>> -> memref<100x128xf32, #tpu.memory_space<vmem_shared>>
      %dma_wait3A_51 = arith.constant 0 : i32
      %dma_wait3A_52 = tpu.memref_slice %arg10[%add3A_15, %dma_wait3A_51] : memref<10000x128xf32, #tpu.memory_space<vmem_shared>> -> memref<100x128xf32, #tpu.memory_space<vmem_shared>>
      tpu.wait_dma2 semaphore(%run_scoped3A : memref<!tpu.dma_semaphore, #tpu.memory_space<semaphore_mem>>) src(%arg8 : memref<100x128xf32, #tpu.memory_space<vmem>>) dst(%dma_wait3A_52 : memref<100x128xf32, #tpu.memory_space<vmem_shared>>)
      tpu.yield
    }) : () -> ()
    %add3A_16 = arith.constant 300 : i32
    %add3A_17 = arith.addi %mul3A_9, %add3A_16 : i32
    "tpu.region"() ({
      %run_scoped3A = tpu.sem_alloc : memref<!tpu.dma_semaphore, #tpu.memory_space<semaphore_mem>>
      %dma_start3A_46 = arith.constant 0 : i32
      %dma_start3A_47 = tpu.memref_slice %arg10[%add3A_17, %dma_start3A_46] : memref<10000x128xf32, #tpu.memory_space<vmem_shared>> -> memref<100x128xf32, #tpu.memory_space<vmem_shared>>
      %dma_start3A_48 = arith.constant 0 : i32
      %dma_start3A_49 = tpu.memref_slice %arg10[%add3A_17, %dma_start3A_48] : memref<10000x128xf32, #tpu.memory_space<vmem_shared>> -> memref<100x128xf32, #tpu.memory_space<vmem_shared>>
      tpu.enqueue_dma source(%arg8 : memref<100x128xf32, #tpu.memory_space<vmem>>) target(%dma_start3A_49 : memref<100x128xf32, #tpu.memory_space<vmem_shared>>) target_semaphore(%run_scoped3A : memref<!tpu.dma_semaphore, #tpu.memory_space<semaphore_mem>>)
      %dma_wait3A = arith.constant 0 : i32
      %dma_wait3A_50 = tpu.memref_slice %arg10[%add3A_17, %dma_wait3A] : memref<10000x128xf32, #tpu.memory_space<vmem_shared>> -> memref<100x128xf32, #tpu.memory_space<vmem_shared>>
      %dma_wait3A_51 = arith.constant 0 : i32
      %dma_wait3A_52 = tpu.memref_slice %arg10[%add3A_17, %dma_wait3A_51] : memref<10000x128xf32, #tpu.memory_space<vmem_shared>> -> memref<100x128xf32, #tpu.memory_space<vmem_shared>>
      tpu.wait_dma2 semaphore(%run_scoped3A : memref<!tpu.dma_semaphore, #tpu.memory_space<semaphore_mem>>) src(%arg8 : memref<100x128xf32, #tpu.memory_space<vmem>>) dst(%dma_wait3A_52 : memref<100x128xf32, #tpu.memory_space<vmem_shared>>)
      tpu.yield
    }) : () -> ()
    %add3A_18 = arith.constant 400 : i32
    %add3A_19 = arith.addi %mul3A_9, %add3A_18 : i32
    "tpu.region"() ({
      %run_scoped3A = tpu.sem_alloc : memref<!tpu.dma_semaphore, #tpu.memory_space<semaphore_mem>>
      %dma_start3A_46 = arith.constant 0 : i32
      %dma_start3A_47 = tpu.memref_slice %arg10[%add3A_19, %dma_start3A_46] : memref<10000x128xf32, #tpu.memory_space<vmem_shared>> -> memref<100x128xf32, #tpu.memory_space<vmem_shared>>
      %dma_start3A_48 = arith.constant 0 : i32
      %dma_start3A_49 = tpu.memref_slice %arg10[%add3A_19, %dma_start3A_48] : memref<10000x128xf32, #tpu.memory_space<vmem_shared>> -> memref<100x128xf32, #tpu.memory_space<vmem_shared>>
      tpu.enqueue_dma source(%arg8 : memref<100x128xf32, #tpu.memory_space<vmem>>) target(%dma_start3A_49 : memref<100x128xf32, #tpu.memory_space<vmem_shared>>) target_semaphore(%run_scoped3A : memref<!tpu.dma_semaphore, #tpu.memory_space<semaphore_mem>>)
      %dma_wait3A = arith.constant 0 : i32
      %dma_wait3A_50 = tpu.memref_slice %arg10[%add3A_19, %dma_wait3A] : memref<10000x128xf32, #tpu.memory_space<vmem_shared>> -> memref<100x128xf32, #tpu.memory_space<vmem_shared>>
      %dma_wait3A_51 = arith.constant 0 : i32
      %dma_wait3A_52 = tpu.memref_slice %arg10[%add3A_19, %dma_wait3A_51] : memref<10000x128xf32, #tpu.memory_space<vmem_shared>> -> memref<100x128xf32, #tpu.memory_space<vmem_shared>>
      tpu.wait_dma2 semaphore(%run_scoped3A : memref<!tpu.dma_semaphore, #tpu.memory_space<semaphore_mem>>) src(%arg8 : memref<100x128xf32, #tpu.memory_space<vmem>>) dst(%dma_wait3A_52 : memref<100x128xf32, #tpu.memory_space<vmem_shared>>)
      tpu.yield
    }) : () -> ()
    %add3A_20 = arith.constant 500 : i32
    %add3A_21 = arith.addi %mul3A_9, %add3A_20 : i32
    "tpu.region"() ({
      %run_scoped3A = tpu.sem_alloc : memref<!tpu.dma_semaphore, #tpu.memory_space<semaphore_mem>>
      %dma_start3A_46 = arith.constant 0 : i32
      %dma_start3A_47 = tpu.memref_slice %arg10[%add3A_21, %dma_start3A_46] : memref<10000x128xf32, #tpu.memory_space<vmem_shared>> -> memref<100x128xf32, #tpu.memory_space<vmem_shared>>
      %dma_start3A_48 = arith.constant 0 : i32
      %dma_start3A_49 = tpu.memref_slice %arg10[%add3A_21, %dma_start3A_48] : memref<10000x128xf32, #tpu.memory_space<vmem_shared>> -> memref<100x128xf32, #tpu.memory_space<vmem_shared>>
      tpu.enqueue_dma source(%arg8 : memref<100x128xf32, #tpu.memory_space<vmem>>) target(%dma_start3A_49 : memref<100x128xf32, #tpu.memory_space<vmem_shared>>) target_semaphore(%run_scoped3A : memref<!tpu.dma_semaphore, #tpu.memory_space<semaphore_mem>>)
      %dma_wait3A = arith.constant 0 : i32
      %dma_wait3A_50 = tpu.memref_slice %arg10[%add3A_21, %dma_wait3A] : memref<10000x128xf32, #tpu.memory_space<vmem_shared>> -> memref<100x128xf32, #tpu.memory_space<vmem_shared>>
      %dma_wait3A_51 = arith.constant 0 : i32
      %dma_wait3A_52 = tpu.memref_slice %arg10[%add3A_21, %dma_wait3A_51] : memref<10000x128xf32, #tpu.memory_space<vmem_shared>> -> memref<100x128xf32, #tpu.memory_space<vmem_shared>>
      tpu.wait_dma2 semaphore(%run_scoped3A : memref<!tpu.dma_semaphore, #tpu.memory_space<semaphore_mem>>) src(%arg8 : memref<100x128xf32, #tpu.memory_space<vmem>>) dst(%dma_wait3A_52 : memref<100x128xf32, #tpu.memory_space<vmem_shared>>)
      tpu.yield
    }) : () -> ()
    %add3A_22 = arith.constant 624 : i32
    %add3A_23 = arith.addi %mul3A_9, %add3A_22 : i32
    %sub3A = arith.constant 24 : i32
    %sub3A_24 = arith.subi %add3A_23, %sub3A : i32
    "tpu.region"() ({
      %run_scoped3A = tpu.sem_alloc : memref<!tpu.dma_semaphore, #tpu.memory_space<semaphore_mem>>
      %dma_start3A_46 = arith.constant 0 : i32
      %dma_start3A_47 = arith.constant 0 : i32
      %dma_start3A_48 = tpu.memref_slice %arg8[%dma_start3A_46, %dma_start3A_47] : memref<100x128xf32, #tpu.memory_space<vmem>> -> memref<24x128xf32, #tpu.memory_space<vmem>>
      %dma_start3A_49 = arith.constant 0 : i32
      %dma_start3A_50 = tpu.memref_slice %arg10[%sub3A_24, %dma_start3A_49] : memref<10000x128xf32, #tpu.memory_space<vmem_shared>> -> memref<24x128xf32, #tpu.memory_space<vmem_shared>>
      %dma_start3A_51 = arith.constant 0 : i32
      %dma_start3A_52 = tpu.memref_slice %arg10[%sub3A_24, %dma_start3A_51] : memref<10000x128xf32, #tpu.memory_space<vmem_shared>> -> memref<24x128xf32, #tpu.memory_space<vmem_shared>>
      %dma_start3A_53 = arith.constant 0 : i32
      %dma_start3A_54 = arith.constant 0 : i32
      %dma_start3A_55 = tpu.memref_slice %arg8[%dma_start3A_53, %dma_start3A_54] : memref<100x128xf32, #tpu.memory_space<vmem>> -> memref<24x128xf32, #tpu.memory_space<vmem>>
      tpu.enqueue_dma source(%dma_start3A_55 : memref<24x128xf32, #tpu.memory_space<vmem>>) target(%dma_start3A_52 : memref<24x128xf32, #tpu.memory_space<vmem_shared>>) target_semaphore(%run_scoped3A : memref<!tpu.dma_semaphore, #tpu.memory_space<semaphore_mem>>)
      %dma_wait3A = arith.constant 0 : i32
      %dma_wait3A_56 = arith.constant 0 : i32
      %dma_wait3A_57 = tpu.memref_slice %arg8[%dma_wait3A, %dma_wait3A_56] : memref<100x128xf32, #tpu.memory_space<vmem>> -> memref<24x128xf32, #tpu.memory_space<vmem>>
      %dma_wait3A_58 = arith.constant 0 : i32
      %dma_wait3A_59 = tpu.memref_slice %arg10[%sub3A_24, %dma_wait3A_58] : memref<10000x128xf32, #tpu.memory_space<vmem_shared>> -> memref<24x128xf32, #tpu.memory_space<vmem_shared>>
      %dma_wait3A_60 = arith.constant 0 : i32
      %dma_wait3A_61 = tpu.memref_slice %arg10[%sub3A_24, %dma_wait3A_60] : memref<10000x128xf32, #tpu.memory_space<vmem_shared>> -> memref<24x128xf32, #tpu.memory_space<vmem_shared>>
      %dma_wait3A_62 = arith.constant 0 : i32
      %dma_wait3A_63 = arith.constant 0 : i32
      %dma_wait3A_64 = tpu.memref_slice %arg8[%dma_wait3A_62, %dma_wait3A_63] : memref<100x128xf32, #tpu.memory_space<vmem>> -> memref<24x128xf32, #tpu.memory_space<vmem>>
      tpu.wait_dma2 semaphore(%run_scoped3A : memref<!tpu.dma_semaphore, #tpu.memory_space<semaphore_mem>>) src(%dma_wait3A_64 : memref<24x128xf32, #tpu.memory_space<vmem>>) dst(%dma_wait3A_61 : memref<24x128xf32, #tpu.memory_space<vmem_shared>>)
      tpu.yield
    }) : () -> ()
    %eq3A = arith.constant 15 : i32
    %eq3A_25 = arith.cmpi eq, %arg1, %eq3A : i32
    %convert_element_type3A = arith.extui %eq3A_25 : i1 to i32
    %cond3A = arith.constant 0 : i32
    %cond3A_26 = arith.cmpi ne, %convert_element_type3A, %cond3A : i32
    scf.if %cond3A_26 {
      "tpu.region"() ({
        %run_scoped3A = tpu.sem_alloc : memref<!tpu.dma_semaphore, #tpu.memory_space<semaphore_mem>>
        %dma_start3A_46 = arith.constant 0 : i32
        %dma_start3A_47 = arith.constant 0 : i32
        %dma_start3A_48 = tpu.memref_slice %arg8[%dma_start3A_46, %dma_start3A_47] : memref<100x128xf32, #tpu.memory_space<vmem>> -> memref<16x128xf32, #tpu.memory_space<vmem>>
        %dma_start3A_49 = arith.constant 9984 : i32
        %dma_start3A_50 = arith.constant 0 : i32
        %dma_start3A_51 = tpu.memref_slice %arg10[%dma_start3A_49, %dma_start3A_50] : memref<10000x128xf32, #tpu.memory_space<vmem_shared>> -> memref<16x128xf32, #tpu.memory_space<vmem_shared>>
        %dma_start3A_52 = arith.constant 9984 : i32
        %dma_start3A_53 = arith.constant 0 : i32
        %dma_start3A_54 = tpu.memref_slice %arg10[%dma_start3A_52, %dma_start3A_53] : memref<10000x128xf32, #tpu.memory_space<vmem_shared>> -> memref<16x128xf32, #tpu.memory_space<vmem_shared>>
        %dma_start3A_55 = arith.constant 0 : i32
        %dma_start3A_56 = arith.constant 0 : i32
        %dma_start3A_57 = tpu.memref_slice %arg8[%dma_start3A_55, %dma_start3A_56] : memref<100x128xf32, #tpu.memory_space<vmem>> -> memref<16x128xf32, #tpu.memory_space<vmem>>
        tpu.enqueue_dma source(%dma_start3A_57 : memref<16x128xf32, #tpu.memory_space<vmem>>) target(%dma_start3A_54 : memref<16x128xf32, #tpu.memory_space<vmem_shared>>) target_semaphore(%run_scoped3A : memref<!tpu.dma_semaphore, #tpu.memory_space<semaphore_mem>>)
        %dma_wait3A = arith.constant 0 : i32
        %dma_wait3A_58 = arith.constant 0 : i32
        %dma_wait3A_59 = tpu.memref_slice %arg8[%dma_wait3A, %dma_wait3A_58] : memref<100x128xf32, #tpu.memory_space<vmem>> -> memref<16x128xf32, #tpu.memory_space<vmem>>
        %dma_wait3A_60 = arith.constant 9984 : i32
        %dma_wait3A_61 = arith.constant 0 : i32
        %dma_wait3A_62 = tpu.memref_slice %arg10[%dma_wait3A_60, %dma_wait3A_61] : memref<10000x128xf32, #tpu.memory_space<vmem_shared>> -> memref<16x128xf32, #tpu.memory_space<vmem_shared>>
        %dma_wait3A_63 = arith.constant 9984 : i32
        %dma_wait3A_64 = arith.constant 0 : i32
        %dma_wait3A_65 = tpu.memref_slice %arg10[%dma_wait3A_63, %dma_wait3A_64] : memref<10000x128xf32, #tpu.memory_space<vmem_shared>> -> memref<16x128xf32, #tpu.memory_space<vmem_shared>>
        %dma_wait3A_66 = arith.constant 0 : i32
        %dma_wait3A_67 = arith.constant 0 : i32
        %dma_wait3A_68 = tpu.memref_slice %arg8[%dma_wait3A_66, %dma_wait3A_67] : memref<100x128xf32, #tpu.memory_space<vmem>> -> memref<16x128xf32, #tpu.memory_space<vmem>>
        tpu.wait_dma2 semaphore(%run_scoped3A : memref<!tpu.dma_semaphore, #tpu.memory_space<semaphore_mem>>) src(%dma_wait3A_68 : memref<16x128xf32, #tpu.memory_space<vmem>>) dst(%dma_wait3A_65 : memref<16x128xf32, #tpu.memory_space<vmem_shared>>)
        tpu.yield
      }) : () -> ()
    } else {
    }
    %barrier3A = arith.constant 0 : index
    tpu.barrier barrier_id(%barrier3A)
    "tpu.region"() ({
      %run_scoped3A = tpu.sem_alloc : memref<!tpu.dma_semaphore, #tpu.memory_space<semaphore_mem>>
      %dma_start3A_46 = arith.constant 0 : i32
      %dma_start3A_47 = arith.constant 0 : i32
      %dma_start3A_48 = tpu.memref_slice %arg3[%add3A, %dma_start3A_46, %dma_start3A_47] : memref<32x100x100xi32, #tpu.memory_space<hbm>> -> memref<1x100x100xi32, #tpu.memory_space<hbm>>
      %dma_start3A_49 = tpu.memref_squeeze %dma_start3A_48 : memref<1x100x100xi32, #tpu.memory_space<hbm>> -> memref<100x100xi32, #tpu.memory_space<hbm>>
      %dma_start3A_50 = arith.constant 0 : i32
      %dma_start3A_51 = arith.constant 0 : i32
      %dma_start3A_52 = tpu.memref_slice %arg3[%add3A, %dma_start3A_50, %dma_start3A_51] : memref<32x100x100xi32, #tpu.memory_space<hbm>> -> memref<1x100x100xi32, #tpu.memory_space<hbm>>
      %dma_start3A_53 = tpu.memref_squeeze %dma_start3A_52 : memref<1x100x100xi32, #tpu.memory_space<hbm>> -> memref<100x100xi32, #tpu.memory_space<hbm>>
      tpu.enqueue_dma source(%dma_start3A_53 : memref<100x100xi32, #tpu.memory_space<hbm>>) target(%arg6 : memref<100x100xi32, #tpu.memory_space<vmem>>) target_semaphore(%run_scoped3A : memref<!tpu.dma_semaphore, #tpu.memory_space<semaphore_mem>>)
      %dma_wait3A = arith.constant 0 : i32
      %dma_wait3A_54 = arith.constant 0 : i32
      %dma_wait3A_55 = tpu.memref_slice %arg3[%add3A, %dma_wait3A, %dma_wait3A_54] : memref<32x100x100xi32, #tpu.memory_space<hbm>> -> memref<1x100x100xi32, #tpu.memory_space<hbm>>
      %dma_wait3A_56 = tpu.memref_squeeze %dma_wait3A_55 : memref<1x100x100xi32, #tpu.memory_space<hbm>> -> memref<100x100xi32, #tpu.memory_space<hbm>>
      %dma_wait3A_57 = arith.constant 0 : i32
      %dma_wait3A_58 = arith.constant 0 : i32
      %dma_wait3A_59 = tpu.memref_slice %arg3[%add3A, %dma_wait3A_57, %dma_wait3A_58] : memref<32x100x100xi32, #tpu.memory_space<hbm>> -> memref<1x100x100xi32, #tpu.memory_space<hbm>>
      %dma_wait3A_60 = tpu.memref_squeeze %dma_wait3A_59 : memref<1x100x100xi32, #tpu.memory_space<hbm>> -> memref<100x100xi32, #tpu.memory_space<hbm>>
      tpu.wait_dma2 semaphore(%run_scoped3A : memref<!tpu.dma_semaphore, #tpu.memory_space<semaphore_mem>>) src(%dma_wait3A_60 : memref<100x100xi32, #tpu.memory_space<hbm>>) dst(%arg6 : memref<100x100xi32, #tpu.memory_space<vmem>>)
      tpu.yield
    }) : () -> ()
    "tpu.region"() ({
      %run_scoped3A = tpu.sem_alloc : memref<!tpu.dma_semaphore, #tpu.memory_space<semaphore_mem>>
      %dma_start3A_46 = arith.constant 0 : i32
      %dma_start3A_47 = arith.constant 0 : i32
      %dma_start3A_48 = tpu.memref_slice %arg4[%add3A, %dma_start3A_46, %dma_start3A_47] : memref<32x100x100xi32, #tpu.memory_space<hbm>> -> memref<1x100x100xi32, #tpu.memory_space<hbm>>
      %dma_start3A_49 = tpu.memref_squeeze %dma_start3A_48 : memref<1x100x100xi32, #tpu.memory_space<hbm>> -> memref<100x100xi32, #tpu.memory_space<hbm>>
      %dma_start3A_50 = arith.constant 0 : i32
      %dma_start3A_51 = arith.constant 0 : i32
      %dma_start3A_52 = tpu.memref_slice %arg4[%add3A, %dma_start3A_50, %dma_start3A_51] : memref<32x100x100xi32, #tpu.memory_space<hbm>> -> memref<1x100x100xi32, #tpu.memory_space<hbm>>
      %dma_start3A_53 = tpu.memref_squeeze %dma_start3A_52 : memref<1x100x100xi32, #tpu.memory_space<hbm>> -> memref<100x100xi32, #tpu.memory_space<hbm>>
      tpu.enqueue_dma source(%dma_start3A_53 : memref<100x100xi32, #tpu.memory_space<hbm>>) target(%arg7 : memref<100x100xi32, #tpu.memory_space<vmem>>) target_semaphore(%run_scoped3A : memref<!tpu.dma_semaphore, #tpu.memory_space<semaphore_mem>>)
      %dma_wait3A = arith.constant 0 : i32
      %dma_wait3A_54 = arith.constant 0 : i32
      %dma_wait3A_55 = tpu.memref_slice %arg4[%add3A, %dma_wait3A, %dma_wait3A_54] : memref<32x100x100xi32, #tpu.memory_space<hbm>> -> memref<1x100x100xi32, #tpu.memory_space<hbm>>
      %dma_wait3A_56 = tpu.memref_squeeze %dma_wait3A_55 : memref<1x100x100xi32, #tpu.memory_space<hbm>> -> memref<100x100xi32, #tpu.memory_space<hbm>>
      %dma_wait3A_57 = arith.constant 0 : i32
      %dma_wait3A_58 = arith.constant 0 : i32
      %dma_wait3A_59 = tpu.memref_slice %arg4[%add3A, %dma_wait3A_57, %dma_wait3A_58] : memref<32x100x100xi32, #tpu.memory_space<hbm>> -> memref<1x100x100xi32, #tpu.memory_space<hbm>>
      %dma_wait3A_60 = tpu.memref_squeeze %dma_wait3A_59 : memref<1x100x100xi32, #tpu.memory_space<hbm>> -> memref<100x100xi32, #tpu.memory_space<hbm>>
      tpu.wait_dma2 semaphore(%run_scoped3A : memref<!tpu.dma_semaphore, #tpu.memory_space<semaphore_mem>>) src(%dma_wait3A_60 : memref<100x100xi32, #tpu.memory_space<hbm>>) dst(%arg7 : memref<100x100xi32, #tpu.memory_space<vmem>>)
      tpu.yield
    }) : () -> ()
    %dma_start3A = arith.constant 0 : i32
    %dma_start3A_27 = arith.constant 0 : i32
    %dma_start3A_28 = tpu.memref_slice %arg6[%dma_start3A, %dma_start3A_27] : memref<100x100xi32, #tpu.memory_space<vmem>> -> memref<1x100xi32, #tpu.memory_space<vmem>>
    %dma_start3A_29 = tpu.memref_squeeze %dma_start3A_28 : memref<1x100xi32, #tpu.memory_space<vmem>> -> memref<100xi32, #tpu.memory_space<vmem>>
    %dma_start3A_30 = arith.constant 0 : i32
    %dma_start3A_31 = arith.constant 0 : i32
    %dma_start3A_32 = tpu.memref_slice %arg2[%dma_start3A_30, %dma_start3A_31] : memref<10000x128xf32, #tpu.memory_space<hbm>> -> memref<10000x128xf32, #tpu.memory_space<hbm>>
    tpu.enqueue_indirect_dma source(%dma_start3A_32 : memref<10000x128xf32, #tpu.memory_space<hbm>>) target(%arg8 : memref<100x128xf32, #tpu.memory_space<vmem>>) offsets(%dma_start3A_29 : memref<100xi32, #tpu.memory_space<vmem>>) semaphore(%arg11 : memref<!tpu.dma_semaphore, #tpu.memory_space<semaphore_mem>>)
    %scan3A_33 = arith.constant 0 : i32
    %scan3A_34 = arith.constant 0 : i32
    %scan3A_35 = arith.constant 50 : i32
    %scan3A_36 = arith.addi %scan3A_34, %scan3A_35 : i32
    %scan3A_37 = arith.constant 1 : i32
    %scan3A_38 = scf.for %scan3A_46 = %scan3A_34 to %scan3A_36 step %scan3A_37 iter_args(%scan3A_47 = %scan3A_33) -> (i32)  : i32 {
      %mul3A_48 = arith.constant 2 : i32
      %mul3A_49 = arith.muli %mul3A_48, %scan3A_46 : i32
      %dma_wait3A = arith.constant 0 : i32
      %dma_wait3A_50 = tpu.memref_slice %arg6[%mul3A_49, %dma_wait3A] : memref<100x100xi32, #tpu.memory_space<vmem>> -> memref<1x100xi32, #tpu.memory_space<vmem>>
      %dma_wait3A_51 = tpu.memref_squeeze %dma_wait3A_50 : memref<1x100xi32, #tpu.memory_space<vmem>> -> memref<100xi32, #tpu.memory_space<vmem>>
      %dma_wait3A_52 = arith.constant 0 : i32
      %dma_wait3A_53 = arith.constant 0 : i32
      %dma_wait3A_54 = tpu.memref_slice %arg2[%dma_wait3A_52, %dma_wait3A_53] : memref<10000x128xf32, #tpu.memory_space<hbm>> -> memref<10000x128xf32, #tpu.memory_space<hbm>>
      tpu.wait_indirect_dma semaphore(%arg11 : memref<!tpu.dma_semaphore, #tpu.memory_space<semaphore_mem>>) src(%dma_wait3A_54 : memref<10000x128xf32, #tpu.memory_space<hbm>>) dst(%arg8 : memref<100x128xf32, #tpu.memory_space<vmem>>)
      %add3A_55 = arith.constant 1 : i32
      %add3A_56 = arith.addi %mul3A_49, %add3A_55 : i32
      %dma_start3A_57 = arith.constant 0 : i32
      %dma_start3A_58 = tpu.memref_slice %arg6[%add3A_56, %dma_start3A_57] : memref<100x100xi32, #tpu.memory_space<vmem>> -> memref<1x100xi32, #tpu.memory_space<vmem>>
      %dma_start3A_59 = tpu.memref_squeeze %dma_start3A_58 : memref<1x100xi32, #tpu.memory_space<vmem>> -> memref<100xi32, #tpu.memory_space<vmem>>
      %dma_start3A_60 = arith.constant 0 : i32
      %dma_start3A_61 = arith.constant 0 : i32
      %dma_start3A_62 = tpu.memref_slice %arg2[%dma_start3A_60, %dma_start3A_61] : memref<10000x128xf32, #tpu.memory_space<hbm>> -> memref<10000x128xf32, #tpu.memory_space<hbm>>
      tpu.enqueue_indirect_dma source(%dma_start3A_62 : memref<10000x128xf32, #tpu.memory_space<hbm>>) target(%arg9 : memref<100x128xf32, #tpu.memory_space<vmem>>) offsets(%dma_start3A_59 : memref<100xi32, #tpu.memory_space<vmem>>) semaphore(%arg12 : memref<!tpu.dma_semaphore, #tpu.memory_space<semaphore_mem>>)
      "tpu.region"() ({
        %run_scoped3A = tpu.sem_alloc : memref<!tpu.dma_semaphore, #tpu.memory_space<semaphore_mem>>
        %dma_start3A_78 = arith.constant 0 : i32
        %dma_start3A_79 = tpu.memref_slice %arg7[%mul3A_49, %dma_start3A_78] : memref<100x100xi32, #tpu.memory_space<vmem>> -> memref<1x100xi32, #tpu.memory_space<vmem>>
        %dma_start3A_80 = tpu.memref_squeeze %dma_start3A_79 : memref<1x100xi32, #tpu.memory_space<vmem>> -> memref<100xi32, #tpu.memory_space<vmem>>
        %dma_start3A_81 = arith.constant 0 : i32
        %dma_start3A_82 = arith.constant 0 : i32
        %dma_start3A_83 = tpu.memref_slice %arg10[%dma_start3A_81, %dma_start3A_82] : memref<10000x128xf32, #tpu.memory_space<vmem_shared>> -> memref<10000x128xf32, #tpu.memory_space<vmem_shared>>
        tpu.enqueue_indirect_dma source(%arg8 : memref<100x128xf32, #tpu.memory_space<vmem>>) target(%dma_start3A_83 : memref<10000x128xf32, #tpu.memory_space<vmem_shared>>) offsets(%dma_start3A_80 : memref<100xi32, #tpu.memory_space<vmem>>) semaphore(%run_scoped3A : memref<!tpu.dma_semaphore, #tpu.memory_space<semaphore_mem>>) {add = true}
        %dma_wait3A_84 = arith.constant 0 : i32
        %dma_wait3A_85 = tpu.memref_slice %arg7[%mul3A_49, %dma_wait3A_84] : memref<100x100xi32, #tpu.memory_space<vmem>> -> memref<1x100xi32, #tpu.memory_space<vmem>>
        %dma_wait3A_86 = tpu.memref_squeeze %dma_wait3A_85 : memref<1x100xi32, #tpu.memory_space<vmem>> -> memref<100xi32, #tpu.memory_space<vmem>>
        %dma_wait3A_87 = arith.constant 0 : i32
        %dma_wait3A_88 = arith.constant 0 : i32
        %dma_wait3A_89 = tpu.memref_slice %arg10[%dma_wait3A_87, %dma_wait3A_88] : memref<10000x128xf32, #tpu.memory_space<vmem_shared>> -> memref<10000x128xf32, #tpu.memory_space<vmem_shared>>
        tpu.wait_indirect_dma semaphore(%run_scoped3A : memref<!tpu.dma_semaphore, #tpu.memory_space<semaphore_mem>>) src(%arg8 : memref<100x128xf32, #tpu.memory_space<vmem>>) dst(%dma_wait3A_89 : memref<10000x128xf32, #tpu.memory_space<vmem_shared>>)
        tpu.yield
      }) : () -> ()
      %add3A_63 = arith.constant 1 : i32
      %add3A_64 = arith.addi %mul3A_49, %add3A_63 : i32
      %dma_wait3A_65 = arith.constant 0 : i32
      %dma_wait3A_66 = tpu.memref_slice %arg6[%add3A_64, %dma_wait3A_65] : memref<100x100xi32, #tpu.memory_space<vmem>> -> memref<1x100xi32, #tpu.memory_space<vmem>>
      %dma_wait3A_67 = tpu.memref_squeeze %dma_wait3A_66 : memref<1x100xi32, #tpu.memory_space<vmem>> -> memref<100xi32, #tpu.memory_space<vmem>>
      %dma_wait3A_68 = arith.constant 0 : i32
      %dma_wait3A_69 = arith.constant 0 : i32
      %dma_wait3A_70 = tpu.memref_slice %arg2[%dma_wait3A_68, %dma_wait3A_69] : memref<10000x128xf32, #tpu.memory_space<hbm>> -> memref<10000x128xf32, #tpu.memory_space<hbm>>
      tpu.wait_indirect_dma semaphore(%arg12 : memref<!tpu.dma_semaphore, #tpu.memory_space<semaphore_mem>>) src(%dma_wait3A_70 : memref<10000x128xf32, #tpu.memory_space<hbm>>) dst(%arg9 : memref<100x128xf32, #tpu.memory_space<vmem>>)
      %lt3A = arith.constant 49 : i32
      %lt3A_71 = arith.cmpi slt, %scan3A_46, %lt3A : i32
      %convert_element_type3A_72 = arith.extui %lt3A_71 : i1 to i32
      %cond3A_73 = arith.constant 0 : i32
      %cond3A_74 = arith.cmpi ne, %convert_element_type3A_72, %cond3A_73 : i32
      scf.if %cond3A_74 {
        %add3A_78 = arith.constant 2 : i32
        %add3A_79 = arith.addi %mul3A_49, %add3A_78 : i32
        %dma_start3A_80 = arith.constant 0 : i32
        %dma_start3A_81 = tpu.memref_slice %arg6[%add3A_79, %dma_start3A_80] : memref<100x100xi32, #tpu.memory_space<vmem>> -> memref<1x100xi32, #tpu.memory_space<vmem>>
        %dma_start3A_82 = tpu.memref_squeeze %dma_start3A_81 : memref<1x100xi32, #tpu.memory_space<vmem>> -> memref<100xi32, #tpu.memory_space<vmem>>
        %dma_start3A_83 = arith.constant 0 : i32
        %dma_start3A_84 = arith.constant 0 : i32
        %dma_start3A_85 = tpu.memref_slice %arg2[%dma_start3A_83, %dma_start3A_84] : memref<10000x128xf32, #tpu.memory_space<hbm>> -> memref<10000x128xf32, #tpu.memory_space<hbm>>
        tpu.enqueue_indirect_dma source(%dma_start3A_85 : memref<10000x128xf32, #tpu.memory_space<hbm>>) target(%arg8 : memref<100x128xf32, #tpu.memory_space<vmem>>) offsets(%dma_start3A_82 : memref<100xi32, #tpu.memory_space<vmem>>) semaphore(%arg11 : memref<!tpu.dma_semaphore, #tpu.memory_space<semaphore_mem>>)
      } else {
      }
      %add3A_75 = arith.constant 1 : i32
      %add3A_76 = arith.addi %mul3A_49, %add3A_75 : i32
      "tpu.region"() ({
        %run_scoped3A = tpu.sem_alloc : memref<!tpu.dma_semaphore, #tpu.memory_space<semaphore_mem>>
        %dma_start3A_78 = arith.constant 0 : i32
        %dma_start3A_79 = tpu.memref_slice %arg7[%add3A_76, %dma_start3A_78] : memref<100x100xi32, #tpu.memory_space<vmem>> -> memref<1x100xi32, #tpu.memory_space<vmem>>
        %dma_start3A_80 = tpu.memref_squeeze %dma_start3A_79 : memref<1x100xi32, #tpu.memory_space<vmem>> -> memref<100xi32, #tpu.memory_space<vmem>>
        %dma_start3A_81 = arith.constant 0 : i32
        %dma_start3A_82 = arith.constant 0 : i32
        %dma_start3A_83 = tpu.memref_slice %arg10[%dma_start3A_81, %dma_start3A_82] : memref<10000x128xf32, #tpu.memory_space<vmem_shared>> -> memref<10000x128xf32, #tpu.memory_space<vmem_shared>>
        tpu.enqueue_indirect_dma source(%arg9 : memref<100x128xf32, #tpu.memory_space<vmem>>) target(%dma_start3A_83 : memref<10000x128xf32, #tpu.memory_space<vmem_shared>>) offsets(%dma_start3A_80 : memref<100xi32, #tpu.memory_space<vmem>>) semaphore(%run_scoped3A : memref<!tpu.dma_semaphore, #tpu.memory_space<semaphore_mem>>) {add = true}
        %dma_wait3A_84 = arith.constant 0 : i32
        %dma_wait3A_85 = tpu.memref_slice %arg7[%add3A_76, %dma_wait3A_84] : memref<100x100xi32, #tpu.memory_space<vmem>> -> memref<1x100xi32, #tpu.memory_space<vmem>>
        %dma_wait3A_86 = tpu.memref_squeeze %dma_wait3A_85 : memref<1x100xi32, #tpu.memory_space<vmem>> -> memref<100xi32, #tpu.memory_space<vmem>>
        %dma_wait3A_87 = arith.constant 0 : i32
        %dma_wait3A_88 = arith.constant 0 : i32
        %dma_wait3A_89 = tpu.memref_slice %arg10[%dma_wait3A_87, %dma_wait3A_88] : memref<10000x128xf32, #tpu.memory_space<vmem_shared>> -> memref<10000x128xf32, #tpu.memory_space<vmem_shared>>
        tpu.wait_indirect_dma semaphore(%run_scoped3A : memref<!tpu.dma_semaphore, #tpu.memory_space<semaphore_mem>>) src(%arg9 : memref<100x128xf32, #tpu.memory_space<vmem>>) dst(%dma_wait3A_89 : memref<10000x128xf32, #tpu.memory_space<vmem_shared>>)
        tpu.yield
      }) : () -> ()
      %scan3A_77 = arith.constant 0 : i32
      scf.yield %scan3A_77 : i32
    }
    %scan3A_39 = arith.constant 50 : i32
    %barrier3A_40 = arith.constant 0 : index
    tpu.barrier barrier_id(%barrier3A_40)
    "tpu.region"() ({
      %run_scoped3A = tpu.sem_alloc : memref<!tpu.dma_semaphore, #tpu.memory_space<semaphore_mem>>
      %dma_start3A_46 = arith.constant 0 : i32
      %dma_start3A_47 = arith.constant 0 : i32
      %dma_start3A_48 = tpu.memref_slice %arg5[%arg0, %dma_start3A_46, %dma_start3A_47] : memref<2x10000x128xf32, #tpu.memory_space<hbm>> -> memref<1x10000x128xf32, #tpu.memory_space<hbm>>
      %dma_start3A_49 = tpu.memref_squeeze %dma_start3A_48 : memref<1x10000x128xf32, #tpu.memory_space<hbm>> -> memref<10000x128xf32, #tpu.memory_space<hbm>>
      %dma_start3A_50 = arith.constant 0 : i32
      %dma_start3A_51 = tpu.memref_slice %dma_start3A_49[%mul3A_9, %dma_start3A_50] : memref<10000x128xf32, #tpu.memory_space<hbm>> -> memref<624x128xf32, #tpu.memory_space<hbm>>
      %dma_start3A_52 = arith.constant 0 : i32
      %dma_start3A_53 = tpu.memref_slice %arg10[%mul3A_9, %dma_start3A_52] : memref<10000x128xf32, #tpu.memory_space<vmem_shared>> -> memref<624x128xf32, #tpu.memory_space<vmem_shared>>
      tpu.enqueue_dma source(%dma_start3A_53 : memref<624x128xf32, #tpu.memory_space<vmem_shared>>) target(%dma_start3A_51 : memref<624x128xf32, #tpu.memory_space<hbm>>) target_semaphore(%run_scoped3A : memref<!tpu.dma_semaphore, #tpu.memory_space<semaphore_mem>>)
      %dma_wait3A = arith.constant 0 : i32
      %dma_wait3A_54 = arith.constant 0 : i32
      %dma_wait3A_55 = tpu.memref_slice %arg5[%arg0, %dma_wait3A, %dma_wait3A_54] : memref<2x10000x128xf32, #tpu.memory_space<hbm>> -> memref<1x10000x128xf32, #tpu.memory_space<hbm>>
      %dma_wait3A_56 = tpu.memref_squeeze %dma_wait3A_55 : memref<1x10000x128xf32, #tpu.memory_space<hbm>> -> memref<10000x128xf32, #tpu.memory_space<hbm>>
      %dma_wait3A_57 = arith.constant 0 : i32
      %dma_wait3A_58 = tpu.memref_slice %dma_wait3A_56[%mul3A_9, %dma_wait3A_57] : memref<10000x128xf32, #tpu.memory_space<hbm>> -> memref<624x128xf32, #tpu.memory_space<hbm>>
      %dma_wait3A_59 = arith.constant 0 : i32
      %dma_wait3A_60 = tpu.memref_slice %arg10[%mul3A_9, %dma_wait3A_59] : memref<10000x128xf32, #tpu.memory_space<vmem_shared>> -> memref<624x128xf32, #tpu.memory_space<vmem_shared>>
      tpu.wait_dma2 semaphore(%run_scoped3A : memref<!tpu.dma_semaphore, #tpu.memory_space<semaphore_mem>>) src(%dma_wait3A_60 : memref<624x128xf32, #tpu.memory_space<vmem_shared>>) dst(%dma_wait3A_58 : memref<624x128xf32, #tpu.memory_space<hbm>>)
      tpu.yield
    }) : () -> ()
    %eq3A_41 = arith.constant 15 : i32
    %eq3A_42 = arith.cmpi eq, %arg1, %eq3A_41 : i32
    %convert_element_type3A_43 = arith.extui %eq3A_42 : i1 to i32
    %cond3A_44 = arith.constant 0 : i32
    %cond3A_45 = arith.cmpi ne, %convert_element_type3A_43, %cond3A_44 : i32
    scf.if %cond3A_45 {
      "tpu.region"() ({
        %run_scoped3A = tpu.sem_alloc : memref<!tpu.dma_semaphore, #tpu.memory_space<semaphore_mem>>
        %dma_start3A_46 = arith.constant 0 : i32
        %dma_start3A_47 = arith.constant 0 : i32
        %dma_start3A_48 = tpu.memref_slice %arg5[%arg0, %dma_start3A_46, %dma_start3A_47] : memref<2x10000x128xf32, #tpu.memory_space<hbm>> -> memref<1x10000x128xf32, #tpu.memory_space<hbm>>
        %dma_start3A_49 = tpu.memref_squeeze %dma_start3A_48 : memref<1x10000x128xf32, #tpu.memory_space<hbm>> -> memref<10000x128xf32, #tpu.memory_space<hbm>>
        %dma_start3A_50 = arith.constant 9984 : i32
        %dma_start3A_51 = arith.constant 0 : i32
        %dma_start3A_52 = tpu.memref_slice %dma_start3A_49[%dma_start3A_50, %dma_start3A_51] : memref<10000x128xf32, #tpu.memory_space<hbm>> -> memref<16x128xf32, #tpu.memory_space<hbm>>
        %dma_start3A_53 = arith.constant 9984 : i32
        %dma_start3A_54 = arith.constant 0 : i32
        %dma_start3A_55 = tpu.memref_slice %arg10[%dma_start3A_53, %dma_start3A_54] : memref<10000x128xf32, #tpu.memory_space<vmem_shared>> -> memref<16x128xf32, #tpu.memory_space<vmem_shared>>
        tpu.enqueue_dma source(%dma_start3A_55 : memref<16x128xf32, #tpu.memory_space<vmem_shared>>) target(%dma_start3A_52 : memref<16x128xf32, #tpu.memory_space<hbm>>) target_semaphore(%run_scoped3A : memref<!tpu.dma_semaphore, #tpu.memory_space<semaphore_mem>>)
        %dma_wait3A = arith.constant 0 : i32
        %dma_wait3A_56 = arith.constant 0 : i32
        %dma_wait3A_57 = tpu.memref_slice %arg5[%arg0, %dma_wait3A, %dma_wait3A_56] : memref<2x10000x128xf32, #tpu.memory_space<hbm>> -> memref<1x10000x128xf32, #tpu.memory_space<hbm>>
        %dma_wait3A_58 = tpu.memref_squeeze %dma_wait3A_57 : memref<1x10000x128xf32, #tpu.memory_space<hbm>> -> memref<10000x128xf32, #tpu.memory_space<hbm>>
        %dma_wait3A_59 = arith.constant 9984 : i32
        %dma_wait3A_60 = arith.constant 0 : i32
        %dma_wait3A_61 = tpu.memref_slice %dma_wait3A_58[%dma_wait3A_59, %dma_wait3A_60] : memref<10000x128xf32, #tpu.memory_space<hbm>> -> memref<16x128xf32, #tpu.memory_space<hbm>>
        %dma_wait3A_62 = arith.constant 9984 : i32
        %dma_wait3A_63 = arith.constant 0 : i32
        %dma_wait3A_64 = tpu.memref_slice %arg10[%dma_wait3A_62, %dma_wait3A_63] : memref<10000x128xf32, #tpu.memory_space<vmem_shared>> -> memref<16x128xf32, #tpu.memory_space<vmem_shared>>
        tpu.wait_dma2 semaphore(%run_scoped3A : memref<!tpu.dma_semaphore, #tpu.memory_space<semaphore_mem>>) src(%dma_wait3A_64 : memref<16x128xf32, #tpu.memory_space<vmem_shared>>) dst(%dma_wait3A_61 : memref<16x128xf32, #tpu.memory_space<hbm>>)
        tpu.yield
      }) : () -> ()
    } else {
    }
    return
  }
}

module attributes {stable_mosaic.version = 14 : i64} {
  func.func @_layer_body(%arg0: memref<2x10000x128xf32, #tpu.memory_space<vmem>>, %arg1: memref<10000x128xf32, #tpu.memory_space<vmem>>, %arg2: memref<128x64xf32, #tpu.memory_space<vmem>>, %arg3: memref<64xf32, #tpu.memory_space<vmem>>, %arg4: memref<128x64xf32, #tpu.memory_space<vmem>>, %arg5: memref<64x1xf32, #tpu.memory_space<vmem>>, %arg6: memref<100x100xf32, #tpu.memory_space<vmem>>, %arg7: memref<10000x64xf32, #tpu.memory_space<vmem>>, %arg8: memref<100x100xf32, #tpu.memory_space<vmem>>) attributes {dimension_semantics = [], scalar_prefetch = 0 : i64, scratch_operands = 0 : i64, tpu.core_type = #tpu.core_type<tc>} {
    %get3A = arith.constant 0 : index
    %get3A_0 = arith.constant 0 : index
    %get3A_1 = arith.constant 0 : index
    %get3A_2 = vector.load %arg0[%get3A, %get3A_0, %get3A_1] : memref<2x10000x128xf32, #tpu.memory_space<vmem>>, vector<1x10000x128xf32>
    %get3A_3 = vector.shape_cast %get3A_2 : vector<1x10000x128xf32> to vector<10000x128xf32>
    %get3A_4 = arith.constant 1 : index
    %get3A_5 = arith.constant 0 : index
    %get3A_6 = arith.constant 0 : index
    %get3A_7 = vector.load %arg0[%get3A_4, %get3A_5, %get3A_6] : memref<2x10000x128xf32, #tpu.memory_space<vmem>>, vector<1x10000x128xf32>
    %get3A_8 = vector.shape_cast %get3A_7 : vector<1x10000x128xf32> to vector<10000x128xf32>
    %add3A = arith.addf %get3A_3, %get3A_8 : vector<10000x128xf32>
    %get3A_9 = arith.constant 0 : index
    %get3A_10 = arith.constant 0 : index
    %get3A_11 = vector.load %arg2[%get3A_9, %get3A_10] : memref<128x64xf32, #tpu.memory_space<vmem>>, vector<128x64xf32>
    %dot_general3A = arith.constant dense<0.000000e+00> : vector<10000x64xf32>
    %dot_general3A_12 = tpu.matmul %add3A, %get3A_11, %dot_general3A {dimension_numbers = #tpu.dot_dimension_numbers<[1], [0], [0], [1], [0, 0, 1, 1], [], []>, transpose_lhs_hint = false} : vector<10000x128xf32>, vector<128x64xf32>, vector<10000x64xf32> -> vector<10000x64xf32>
    %get3A_13 = arith.constant 0 : index
    %get3A_14 = vector.load %arg3[%get3A_13] : memref<64xf32, #tpu.memory_space<vmem>>, vector<64xf32>
    %broadcast_in_dim3A = vector.shape_cast %get3A_14 : vector<64xf32> to vector<1x64xf32>
    %add3A_15 = vector.broadcast %broadcast_in_dim3A : vector<1x64xf32> to vector<10000x64xf32>
    %add3A_16 = arith.addf %dot_general3A_12, %add3A_15 : vector<10000x64xf32>
    %get3A_17 = arith.constant 0 : index
    %get3A_18 = arith.constant 0 : index
    %get3A_19 = vector.load %arg1[%get3A_17, %get3A_18] : memref<10000x128xf32, #tpu.memory_space<vmem>>, vector<10000x128xf32>
    %get3A_20 = arith.constant 0 : index
    %get3A_21 = arith.constant 0 : index
    %get3A_22 = vector.load %arg4[%get3A_20, %get3A_21] : memref<128x64xf32, #tpu.memory_space<vmem>>, vector<128x64xf32>
    %dot_general3A_23 = arith.constant dense<0.000000e+00> : vector<10000x64xf32>
    %dot_general3A_24 = tpu.matmul %get3A_19, %get3A_22, %dot_general3A_23 {dimension_numbers = #tpu.dot_dimension_numbers<[1], [0], [0], [1], [0, 0, 1, 1], [], []>, transpose_lhs_hint = false} : vector<10000x128xf32>, vector<128x64xf32>, vector<10000x64xf32> -> vector<10000x64xf32>
    %add3A_25 = arith.addf %add3A_16, %dot_general3A_24 : vector<10000x64xf32>
    %max3A = arith.constant 0.000000e+00 : f32
    %max3A_26 = vector.broadcast %max3A : f32 to vector<10000x64xf32>
    %max3A_27 = arith.maximumf %add3A_25, %max3A_26 : vector<10000x64xf32>
    %get3A_28 = arith.constant 0 : index
    %get3A_29 = arith.constant 0 : index
    %get3A_30 = vector.load %arg5[%get3A_28, %get3A_29] : memref<64x1xf32, #tpu.memory_space<vmem>>, vector<64x1xf32>
    %dot_general3A_31 = arith.constant dense<0.000000e+00> : vector<10000x1xf32>
    %dot_general3A_32 = tpu.matmul %max3A_27, %get3A_30, %dot_general3A_31 {dimension_numbers = #tpu.dot_dimension_numbers<[1], [0], [0], [1], [0, 0, 1, 1], [], []>, transpose_lhs_hint = false} : vector<10000x64xf32>, vector<64x1xf32>, vector<10000x1xf32> -> vector<10000x1xf32>
    %squeeze3A = vector.shape_cast %get3A_30 : vector<64x1xf32> to vector<64xf32>
    %squeeze3A_33 = vector.shape_cast %get3A_30 : vector<64x1xf32> to vector<64xf32>
    %mul3A = arith.mulf %squeeze3A, %squeeze3A_33 : vector<64xf32>
    %reduce_sum3A = vector.shape_cast %mul3A : vector<64xf32> to vector<1x64xf32>
    %reduce_sum3A_34 = arith.constant dense<0.000000e+00> : vector<1xf32>
    %reduce_sum3A_35 = vector.multi_reduction <add>, %reduce_sum3A, %reduce_sum3A_34 [1] : vector<1x64xf32> to vector<1xf32>
    %reduce_sum3A_36 = vector.shape_cast %reduce_sum3A_35 : vector<1xf32> to vector<1x1xf32>
    %reduce_sum3A_37 = vector.extract %reduce_sum3A_36[0, 0] : f32 from vector<1x1xf32>
    %sqrt3A = math.sqrt %reduce_sum3A_37 : f32
    %div3A = vector.broadcast %sqrt3A : f32 to vector<10000x1xf32>
    %div3A_38 = arith.divf %dot_general3A_32, %div3A : vector<10000x1xf32>
    %get3A_39 = arith.constant 0 : index
    %get3A_40 = arith.constant 0 : index
    %get3A_41 = vector.load %arg6[%get3A_39, %get3A_40] : memref<100x100xf32, #tpu.memory_space<vmem>>, vector<100x100xf32>
    %gt3A = arith.constant 0.000000e+00 : f32
    %gt3A_42 = vector.broadcast %gt3A : f32 to vector<100x100xf32>
    %gt3A_43 = arith.cmpf ogt, %get3A_41, %gt3A_42 : vector<100x100xf32>
    %reshape3A = vector.shape_cast %div3A_38 : vector<10000x1xf32> to vector<100x100xf32>
    %jit3A = arith.constant -1.000000e+30 : f32
    %broadcast_in_dim3A_44 = vector.broadcast %jit3A : f32 to vector<100x100xf32>
    %select_n3A = arith.select %gt3A_43, %reshape3A, %broadcast_in_dim3A_44 : vector<100x100xi1>, vector<100x100xf32>
    %broadcast_in_dim3A_45 = vector.shape_cast %select_n3A : vector<100x100xf32> to vector<100x1x100xf32>
    %broadcast_in_dim3A_46 = vector.shape_cast %select_n3A : vector<100x100xf32> to vector<100x100x1xf32>
    %gt3A_47 = vector.broadcast %broadcast_in_dim3A_45 : vector<100x1x100xf32> to vector<100x100x100xf32>
    %gt3A_48 = vector.broadcast %broadcast_in_dim3A_46 : vector<100x100x1xf32> to vector<100x100x100xf32>
    %gt3A_49 = arith.cmpf ogt, %gt3A_47, %gt3A_48 : vector<100x100x100xf32>
    %convert_element_type3A = arith.extui %gt3A_49 : vector<100x100x100xi1> to vector<100x100x100xi32>
    %convert_element_type3A_50 = arith.sitofp %convert_element_type3A : vector<100x100x100xi32> to vector<100x100x100xf32>
    %broadcast_in_dim3A_51 = vector.shape_cast %select_n3A : vector<100x100xf32> to vector<100x1x100xf32>
    %broadcast_in_dim3A_52 = vector.shape_cast %select_n3A : vector<100x100xf32> to vector<100x100x1xf32>
    %eq3A = vector.broadcast %broadcast_in_dim3A_51 : vector<100x1x100xf32> to vector<100x100x100xf32>
    %eq3A_53 = vector.broadcast %broadcast_in_dim3A_52 : vector<100x100x1xf32> to vector<100x100x100xf32>
    %eq3A_54 = arith.cmpf oeq, %eq3A, %eq3A_53 : vector<100x100x100xf32>
    %iota3A = tpu.iota {dimensions = array<i32: 2>} : vector<1x100x100xi32>
    %iota3A_55 = tpu.iota {dimensions = array<i32: 1>} : vector<1x100x100xi32>
    %lt3A = arith.cmpi slt, %iota3A, %iota3A_55 : vector<1x100x100xi32>
    %and3A = vector.broadcast %lt3A : vector<1x100x100xi1> to vector<100x100x100xi1>
    %and3A_56 = arith.andi %eq3A_54, %and3A : vector<100x100x100xi1>
    %jit3A_57 = arith.constant 1.000000e+00 : f32
    %jit3A_58 = arith.constant 0.000000e+00 : f32
    %broadcast_in_dim3A_59 = vector.broadcast %jit3A_57 : f32 to vector<100x100x100xf32>
    %broadcast_in_dim3A_60 = vector.broadcast %jit3A_58 : f32 to vector<100x100x100xf32>
    %select_n3A_61 = arith.select %and3A_56, %broadcast_in_dim3A_59, %broadcast_in_dim3A_60 : vector<100x100x100xi1>, vector<100x100x100xf32>
    %add3A_62 = arith.addf %convert_element_type3A_50, %select_n3A_61 : vector<100x100x100xf32>
    %reduce_sum3A_63 = arith.constant dense<0.000000e+00> : vector<100x100xf32>
    %reduce_sum3A_64 = vector.multi_reduction <add>, %add3A_62, %reduce_sum3A_63 [2] : vector<100x100x100xf32> to vector<100x100xf32>
    %lt3A_65 = arith.constant 8.000000e+01 : f32
    %lt3A_66 = vector.broadcast %lt3A_65 : f32 to vector<100x100xf32>
    %lt3A_67 = arith.cmpf olt, %reduce_sum3A_64, %lt3A_66 : vector<100x100xf32>
    %convert_element_type3A_68 = arith.extui %lt3A_67 : vector<100x100xi1> to vector<100x100xi32>
    %convert_element_type3A_69 = arith.sitofp %convert_element_type3A_68 : vector<100x100xi32> to vector<100x100xf32>
    %tanh3A = math.tanh %div3A_38 : vector<10000x1xf32>
    %reshape3A_70 = vector.shape_cast %convert_element_type3A_69 : vector<100x100xf32> to vector<10000x1xf32>
    %mul3A_71 = arith.mulf %tanh3A, %reshape3A_70 : vector<10000x1xf32>
    %mul3A_72 = vector.broadcast %mul3A_71 : vector<10000x1xf32> to vector<10000x64xf32>
    %mul3A_73 = arith.mulf %max3A_27, %mul3A_72 : vector<10000x64xf32>
    %swap3A = arith.constant 0 : index
    %swap3A_74 = arith.constant 0 : index
    %swap3A_75 = vector.load %arg8[%swap3A, %swap3A_74] : memref<100x100xf32, #tpu.memory_space<vmem>>, vector<100x100xf32>
    tpu.vector_store %arg8[%swap3A, %swap3A_74], %convert_element_type3A_69 {strides = array<i32>} : memref<100x100xf32, #tpu.memory_space<vmem>>, vector<100x100xf32>,
    %swap3A_76 = arith.constant 0 : index
    %swap3A_77 = arith.constant 0 : index
    %swap3A_78 = vector.load %arg7[%swap3A_76, %swap3A_77] : memref<10000x64xf32, #tpu.memory_space<vmem>>, vector<10000x64xf32>
    tpu.vector_store %arg7[%swap3A_76, %swap3A_77], %mul3A_73 {strides = array<i32>} : memref<10000x64xf32, #tpu.memory_space<vmem>>, vector<10000x64xf32>,
    return
  }
}

module attributes {stable_mosaic.version = 14 : i64} {
  func.func @_layer_body(%arg0: memref<2x10000x64xf32, #tpu.memory_space<vmem>>, %arg1: memref<10000x64xf32, #tpu.memory_space<vmem>>, %arg2: memref<64x64xf32, #tpu.memory_space<vmem>>, %arg3: memref<64xf32, #tpu.memory_space<vmem>>, %arg4: memref<64x64xf32, #tpu.memory_space<vmem>>, %arg5: memref<64x1xf32, #tpu.memory_space<vmem>>, %arg6: memref<100x100xf32, #tpu.memory_space<vmem>>, %arg7: memref<10000x64xf32, #tpu.memory_space<vmem>>, %arg8: memref<100x100xf32, #tpu.memory_space<vmem>>) attributes {dimension_semantics = [], scalar_prefetch = 0 : i64, scratch_operands = 0 : i64, tpu.core_type = #tpu.core_type<tc>} {
    %get3A = arith.constant 0 : index
    %get3A_0 = arith.constant 0 : index
    %get3A_1 = arith.constant 0 : index
    %get3A_2 = vector.load %arg0[%get3A, %get3A_0, %get3A_1] : memref<2x10000x64xf32, #tpu.memory_space<vmem>>, vector<1x10000x64xf32>
    %get3A_3 = vector.shape_cast %get3A_2 : vector<1x10000x64xf32> to vector<10000x64xf32>
    %get3A_4 = arith.constant 1 : index
    %get3A_5 = arith.constant 0 : index
    %get3A_6 = arith.constant 0 : index
    %get3A_7 = vector.load %arg0[%get3A_4, %get3A_5, %get3A_6] : memref<2x10000x64xf32, #tpu.memory_space<vmem>>, vector<1x10000x64xf32>
    %get3A_8 = vector.shape_cast %get3A_7 : vector<1x10000x64xf32> to vector<10000x64xf32>
    %add3A = arith.addf %get3A_3, %get3A_8 : vector<10000x64xf32>
    %get3A_9 = arith.constant 0 : index
    %get3A_10 = arith.constant 0 : index
    %get3A_11 = vector.load %arg2[%get3A_9, %get3A_10] : memref<64x64xf32, #tpu.memory_space<vmem>>, vector<64x64xf32>
    %dot_general3A = arith.constant dense<0.000000e+00> : vector<10000x64xf32>
    %dot_general3A_12 = tpu.matmul %add3A, %get3A_11, %dot_general3A {dimension_numbers = #tpu.dot_dimension_numbers<[1], [0], [0], [1], [0, 0, 1, 1], [], []>, transpose_lhs_hint = false} : vector<10000x64xf32>, vector<64x64xf32>, vector<10000x64xf32> -> vector<10000x64xf32>
    %get3A_13 = arith.constant 0 : index
    %get3A_14 = vector.load %arg3[%get3A_13] : memref<64xf32, #tpu.memory_space<vmem>>, vector<64xf32>
    %broadcast_in_dim3A = vector.shape_cast %get3A_14 : vector<64xf32> to vector<1x64xf32>
    %add3A_15 = vector.broadcast %broadcast_in_dim3A : vector<1x64xf32> to vector<10000x64xf32>
    %add3A_16 = arith.addf %dot_general3A_12, %add3A_15 : vector<10000x64xf32>
    %get3A_17 = arith.constant 0 : index
    %get3A_18 = arith.constant 0 : index
    %get3A_19 = vector.load %arg1[%get3A_17, %get3A_18] : memref<10000x64xf32, #tpu.memory_space<vmem>>, vector<10000x64xf32>
    %get3A_20 = arith.constant 0 : index
    %get3A_21 = arith.constant 0 : index
    %get3A_22 = vector.load %arg4[%get3A_20, %get3A_21] : memref<64x64xf32, #tpu.memory_space<vmem>>, vector<64x64xf32>
    %dot_general3A_23 = arith.constant dense<0.000000e+00> : vector<10000x64xf32>
    %dot_general3A_24 = tpu.matmul %get3A_19, %get3A_22, %dot_general3A_23 {dimension_numbers = #tpu.dot_dimension_numbers<[1], [0], [0], [1], [0, 0, 1, 1], [], []>, transpose_lhs_hint = false} : vector<10000x64xf32>, vector<64x64xf32>, vector<10000x64xf32> -> vector<10000x64xf32>
    %add3A_25 = arith.addf %add3A_16, %dot_general3A_24 : vector<10000x64xf32>
    %max3A = arith.constant 0.000000e+00 : f32
    %max3A_26 = vector.broadcast %max3A : f32 to vector<10000x64xf32>
    %max3A_27 = arith.maximumf %add3A_25, %max3A_26 : vector<10000x64xf32>
    %get3A_28 = arith.constant 0 : index
    %get3A_29 = arith.constant 0 : index
    %get3A_30 = vector.load %arg5[%get3A_28, %get3A_29] : memref<64x1xf32, #tpu.memory_space<vmem>>, vector<64x1xf32>
    %dot_general3A_31 = arith.constant dense<0.000000e+00> : vector<10000x1xf32>
    %dot_general3A_32 = tpu.matmul %max3A_27, %get3A_30, %dot_general3A_31 {dimension_numbers = #tpu.dot_dimension_numbers<[1], [0], [0], [1], [0, 0, 1, 1], [], []>, transpose_lhs_hint = false} : vector<10000x64xf32>, vector<64x1xf32>, vector<10000x1xf32> -> vector<10000x1xf32>
    %squeeze3A = vector.shape_cast %get3A_30 : vector<64x1xf32> to vector<64xf32>
    %squeeze3A_33 = vector.shape_cast %get3A_30 : vector<64x1xf32> to vector<64xf32>
    %mul3A = arith.mulf %squeeze3A, %squeeze3A_33 : vector<64xf32>
    %reduce_sum3A = vector.shape_cast %mul3A : vector<64xf32> to vector<1x64xf32>
    %reduce_sum3A_34 = arith.constant dense<0.000000e+00> : vector<1xf32>
    %reduce_sum3A_35 = vector.multi_reduction <add>, %reduce_sum3A, %reduce_sum3A_34 [1] : vector<1x64xf32> to vector<1xf32>
    %reduce_sum3A_36 = vector.shape_cast %reduce_sum3A_35 : vector<1xf32> to vector<1x1xf32>
    %reduce_sum3A_37 = vector.extract %reduce_sum3A_36[0, 0] : f32 from vector<1x1xf32>
    %sqrt3A = math.sqrt %reduce_sum3A_37 : f32
    %div3A = vector.broadcast %sqrt3A : f32 to vector<10000x1xf32>
    %div3A_38 = arith.divf %dot_general3A_32, %div3A : vector<10000x1xf32>
    %get3A_39 = arith.constant 0 : index
    %get3A_40 = arith.constant 0 : index
    %get3A_41 = vector.load %arg6[%get3A_39, %get3A_40] : memref<100x100xf32, #tpu.memory_space<vmem>>, vector<100x100xf32>
    %gt3A = arith.constant 0.000000e+00 : f32
    %gt3A_42 = vector.broadcast %gt3A : f32 to vector<100x100xf32>
    %gt3A_43 = arith.cmpf ogt, %get3A_41, %gt3A_42 : vector<100x100xf32>
    %reshape3A = vector.shape_cast %div3A_38 : vector<10000x1xf32> to vector<100x100xf32>
    %jit3A = arith.constant -1.000000e+30 : f32
    %broadcast_in_dim3A_44 = vector.broadcast %jit3A : f32 to vector<100x100xf32>
    %select_n3A = arith.select %gt3A_43, %reshape3A, %broadcast_in_dim3A_44 : vector<100x100xi1>, vector<100x100xf32>
    %broadcast_in_dim3A_45 = vector.shape_cast %select_n3A : vector<100x100xf32> to vector<100x1x100xf32>
    %broadcast_in_dim3A_46 = vector.shape_cast %select_n3A : vector<100x100xf32> to vector<100x100x1xf32>
    %gt3A_47 = vector.broadcast %broadcast_in_dim3A_45 : vector<100x1x100xf32> to vector<100x100x100xf32>
    %gt3A_48 = vector.broadcast %broadcast_in_dim3A_46 : vector<100x100x1xf32> to vector<100x100x100xf32>
    %gt3A_49 = arith.cmpf ogt, %gt3A_47, %gt3A_48 : vector<100x100x100xf32>
    %convert_element_type3A = arith.extui %gt3A_49 : vector<100x100x100xi1> to vector<100x100x100xi32>
    %convert_element_type3A_50 = arith.sitofp %convert_element_type3A : vector<100x100x100xi32> to vector<100x100x100xf32>
    %broadcast_in_dim3A_51 = vector.shape_cast %select_n3A : vector<100x100xf32> to vector<100x1x100xf32>
    %broadcast_in_dim3A_52 = vector.shape_cast %select_n3A : vector<100x100xf32> to vector<100x100x1xf32>
    %eq3A = vector.broadcast %broadcast_in_dim3A_51 : vector<100x1x100xf32> to vector<100x100x100xf32>
    %eq3A_53 = vector.broadcast %broadcast_in_dim3A_52 : vector<100x100x1xf32> to vector<100x100x100xf32>
    %eq3A_54 = arith.cmpf oeq, %eq3A, %eq3A_53 : vector<100x100x100xf32>
    %iota3A = tpu.iota {dimensions = array<i32: 2>} : vector<1x100x100xi32>
    %iota3A_55 = tpu.iota {dimensions = array<i32: 1>} : vector<1x100x100xi32>
    %lt3A = arith.cmpi slt, %iota3A, %iota3A_55 : vector<1x100x100xi32>
    %and3A = vector.broadcast %lt3A : vector<1x100x100xi1> to vector<100x100x100xi1>
    %and3A_56 = arith.andi %eq3A_54, %and3A : vector<100x100x100xi1>
    %jit3A_57 = arith.constant 1.000000e+00 : f32
    %jit3A_58 = arith.constant 0.000000e+00 : f32
    %broadcast_in_dim3A_59 = vector.broadcast %jit3A_57 : f32 to vector<100x100x100xf32>
    %broadcast_in_dim3A_60 = vector.broadcast %jit3A_58 : f32 to vector<100x100x100xf32>
    %select_n3A_61 = arith.select %and3A_56, %broadcast_in_dim3A_59, %broadcast_in_dim3A_60 : vector<100x100x100xi1>, vector<100x100x100xf32>
    %add3A_62 = arith.addf %convert_element_type3A_50, %select_n3A_61 : vector<100x100x100xf32>
    %reduce_sum3A_63 = arith.constant dense<0.000000e+00> : vector<100x100xf32>
    %reduce_sum3A_64 = vector.multi_reduction <add>, %add3A_62, %reduce_sum3A_63 [2] : vector<100x100x100xf32> to vector<100x100xf32>
    %lt3A_65 = arith.constant 6.400000e+01 : f32
    %lt3A_66 = vector.broadcast %lt3A_65 : f32 to vector<100x100xf32>
    %lt3A_67 = arith.cmpf olt, %reduce_sum3A_64, %lt3A_66 : vector<100x100xf32>
    %convert_element_type3A_68 = arith.extui %lt3A_67 : vector<100x100xi1> to vector<100x100xi32>
    %convert_element_type3A_69 = arith.sitofp %convert_element_type3A_68 : vector<100x100xi32> to vector<100x100xf32>
    %tanh3A = math.tanh %div3A_38 : vector<10000x1xf32>
    %reshape3A_70 = vector.shape_cast %convert_element_type3A_69 : vector<100x100xf32> to vector<10000x1xf32>
    %mul3A_71 = arith.mulf %tanh3A, %reshape3A_70 : vector<10000x1xf32>
    %mul3A_72 = vector.broadcast %mul3A_71 : vector<10000x1xf32> to vector<10000x64xf32>
    %mul3A_73 = arith.mulf %max3A_27, %mul3A_72 : vector<10000x64xf32>
    %swap3A = arith.constant 0 : index
    %swap3A_74 = arith.constant 0 : index
    %swap3A_75 = vector.load %arg8[%swap3A, %swap3A_74] : memref<100x100xf32, #tpu.memory_space<vmem>>, vector<100x100xf32>
    tpu.vector_store %arg8[%swap3A, %swap3A_74], %convert_element_type3A_69 {strides = array<i32>} : memref<100x100xf32, #tpu.memory_space<vmem>>, vector<100x100xf32>,
    %swap3A_76 = arith.constant 0 : index
    %swap3A_77 = arith.constant 0 : index
    %swap3A_78 = vector.load %arg7[%swap3A_76, %swap3A_77] : memref<10000x64xf32, #tpu.memory_space<vmem>>, vector<10000x64xf32>
    tpu.vector_store %arg7[%swap3A_76, %swap3A_77], %mul3A_73 {strides = array<i32>} : memref<10000x64xf32, #tpu.memory_space<vmem>>, vector<10000x64xf32>,
    return
  }
}

module attributes {stable_mosaic.version = 14 : i64} {
  func.func @_layer3_head_body(%arg0: memref<2x10000x64xf32, #tpu.memory_space<vmem>>, %arg1: memref<10000x64xf32, #tpu.memory_space<vmem>>, %arg2: memref<64x64xf32, #tpu.memory_space<vmem>>, %arg3: memref<64xf32, #tpu.memory_space<vmem>>, %arg4: memref<64x64xf32, #tpu.memory_space<vmem>>, %arg5: memref<64x1xf32, #tpu.memory_space<vmem>>, %arg6: memref<100x100xf32, #tpu.memory_space<vmem>>, %arg7: memref<128x64xf32, #tpu.memory_space<vmem>>, %arg8: memref<64xf32, #tpu.memory_space<vmem>>, %arg9: memref<64x64xf32, #tpu.memory_space<vmem>>, %arg10: memref<64xf32, #tpu.memory_space<vmem>>, %arg11: memref<64x10xf32, #tpu.memory_space<vmem>>, %arg12: memref<10xf32, #tpu.memory_space<vmem>>, %arg13: memref<100x10xf32, #tpu.memory_space<vmem>>) attributes {dimension_semantics = [], scalar_prefetch = 0 : i64, scratch_operands = 0 : i64, tpu.core_type = #tpu.core_type<tc>} {
    %get3A = arith.constant 0 : index
    %get3A_0 = arith.constant 0 : index
    %get3A_1 = arith.constant 0 : index
    %get3A_2 = vector.load %arg0[%get3A, %get3A_0, %get3A_1] : memref<2x10000x64xf32, #tpu.memory_space<vmem>>, vector<1x10000x64xf32>
    %get3A_3 = vector.shape_cast %get3A_2 : vector<1x10000x64xf32> to vector<10000x64xf32>
    %get3A_4 = arith.constant 1 : index
    %get3A_5 = arith.constant 0 : index
    %get3A_6 = arith.constant 0 : index
    %get3A_7 = vector.load %arg0[%get3A_4, %get3A_5, %get3A_6] : memref<2x10000x64xf32, #tpu.memory_space<vmem>>, vector<1x10000x64xf32>
    %get3A_8 = vector.shape_cast %get3A_7 : vector<1x10000x64xf32> to vector<10000x64xf32>
    %add3A = arith.addf %get3A_3, %get3A_8 : vector<10000x64xf32>
    %get3A_9 = arith.constant 0 : index
    %get3A_10 = arith.constant 0 : index
    %get3A_11 = vector.load %arg2[%get3A_9, %get3A_10] : memref<64x64xf32, #tpu.memory_space<vmem>>, vector<64x64xf32>
    %dot_general3A = arith.constant dense<0.000000e+00> : vector<10000x64xf32>
    %dot_general3A_12 = tpu.matmul %add3A, %get3A_11, %dot_general3A {dimension_numbers = #tpu.dot_dimension_numbers<[1], [0], [0], [1], [0, 0, 1, 1], [], []>, transpose_lhs_hint = false} : vector<10000x64xf32>, vector<64x64xf32>, vector<10000x64xf32> -> vector<10000x64xf32>
    %get3A_13 = arith.constant 0 : index
    %get3A_14 = vector.load %arg3[%get3A_13] : memref<64xf32, #tpu.memory_space<vmem>>, vector<64xf32>
    %broadcast_in_dim3A = vector.shape_cast %get3A_14 : vector<64xf32> to vector<1x64xf32>
    %add3A_15 = vector.broadcast %broadcast_in_dim3A : vector<1x64xf32> to vector<10000x64xf32>
    %add3A_16 = arith.addf %dot_general3A_12, %add3A_15 : vector<10000x64xf32>
    %get3A_17 = arith.constant 0 : index
    %get3A_18 = arith.constant 0 : index
    %get3A_19 = vector.load %arg1[%get3A_17, %get3A_18] : memref<10000x64xf32, #tpu.memory_space<vmem>>, vector<10000x64xf32>
    %get3A_20 = arith.constant 0 : index
    %get3A_21 = arith.constant 0 : index
    %get3A_22 = vector.load %arg4[%get3A_20, %get3A_21] : memref<64x64xf32, #tpu.memory_space<vmem>>, vector<64x64xf32>
    %dot_general3A_23 = arith.constant dense<0.000000e+00> : vector<10000x64xf32>
    %dot_general3A_24 = tpu.matmul %get3A_19, %get3A_22, %dot_general3A_23 {dimension_numbers = #tpu.dot_dimension_numbers<[1], [0], [0], [1], [0, 0, 1, 1], [], []>, transpose_lhs_hint = false} : vector<10000x64xf32>, vector<64x64xf32>, vector<10000x64xf32> -> vector<10000x64xf32>
    %add3A_25 = arith.addf %add3A_16, %dot_general3A_24 : vector<10000x64xf32>
    %max3A = arith.constant 0.000000e+00 : f32
    %max3A_26 = vector.broadcast %max3A : f32 to vector<10000x64xf32>
    %max3A_27 = arith.maximumf %add3A_25, %max3A_26 : vector<10000x64xf32>
    %get3A_28 = arith.constant 0 : index
    %get3A_29 = arith.constant 0 : index
    %get3A_30 = vector.load %arg5[%get3A_28, %get3A_29] : memref<64x1xf32, #tpu.memory_space<vmem>>, vector<64x1xf32>
    %dot_general3A_31 = arith.constant dense<0.000000e+00> : vector<10000x1xf32>
    %dot_general3A_32 = tpu.matmul %max3A_27, %get3A_30, %dot_general3A_31 {dimension_numbers = #tpu.dot_dimension_numbers<[1], [0], [0], [1], [0, 0, 1, 1], [], []>, transpose_lhs_hint = false} : vector<10000x64xf32>, vector<64x1xf32>, vector<10000x1xf32> -> vector<10000x1xf32>
    %squeeze3A = vector.shape_cast %get3A_30 : vector<64x1xf32> to vector<64xf32>
    %squeeze3A_33 = vector.shape_cast %get3A_30 : vector<64x1xf32> to vector<64xf32>
    %mul3A = arith.mulf %squeeze3A, %squeeze3A_33 : vector<64xf32>
    %reduce_sum3A = vector.shape_cast %mul3A : vector<64xf32> to vector<1x64xf32>
    %reduce_sum3A_34 = arith.constant dense<0.000000e+00> : vector<1xf32>
    %reduce_sum3A_35 = vector.multi_reduction <add>, %reduce_sum3A, %reduce_sum3A_34 [1] : vector<1x64xf32> to vector<1xf32>
    %reduce_sum3A_36 = vector.shape_cast %reduce_sum3A_35 : vector<1xf32> to vector<1x1xf32>
    %reduce_sum3A_37 = vector.extract %reduce_sum3A_36[0, 0] : f32 from vector<1x1xf32>
    %sqrt3A = math.sqrt %reduce_sum3A_37 : f32
    %div3A = vector.broadcast %sqrt3A : f32 to vector<10000x1xf32>
    %div3A_38 = arith.divf %dot_general3A_32, %div3A : vector<10000x1xf32>
    %get3A_39 = arith.constant 0 : index
    %get3A_40 = arith.constant 0 : index
    %get3A_41 = vector.load %arg6[%get3A_39, %get3A_40] : memref<100x100xf32, #tpu.memory_space<vmem>>, vector<100x100xf32>
    %gt3A = arith.constant 0.000000e+00 : f32
    %gt3A_42 = vector.broadcast %gt3A : f32 to vector<100x100xf32>
    %gt3A_43 = arith.cmpf ogt, %get3A_41, %gt3A_42 : vector<100x100xf32>
    %reshape3A = vector.shape_cast %div3A_38 : vector<10000x1xf32> to vector<100x100xf32>
    %jit3A = arith.constant -1.000000e+30 : f32
    %broadcast_in_dim3A_44 = vector.broadcast %jit3A : f32 to vector<100x100xf32>
    %select_n3A = arith.select %gt3A_43, %reshape3A, %broadcast_in_dim3A_44 : vector<100x100xi1>, vector<100x100xf32>
    %broadcast_in_dim3A_45 = vector.shape_cast %select_n3A : vector<100x100xf32> to vector<100x1x100xf32>
    %broadcast_in_dim3A_46 = vector.shape_cast %select_n3A : vector<100x100xf32> to vector<100x100x1xf32>
    %gt3A_47 = vector.broadcast %broadcast_in_dim3A_45 : vector<100x1x100xf32> to vector<100x100x100xf32>
    %gt3A_48 = vector.broadcast %broadcast_in_dim3A_46 : vector<100x100x1xf32> to vector<100x100x100xf32>
    %gt3A_49 = arith.cmpf ogt, %gt3A_47, %gt3A_48 : vector<100x100x100xf32>
    %convert_element_type3A = arith.extui %gt3A_49 : vector<100x100x100xi1> to vector<100x100x100xi32>
    %convert_element_type3A_50 = arith.sitofp %convert_element_type3A : vector<100x100x100xi32> to vector<100x100x100xf32>
    %broadcast_in_dim3A_51 = vector.shape_cast %select_n3A : vector<100x100xf32> to vector<100x1x100xf32>
    %broadcast_in_dim3A_52 = vector.shape_cast %select_n3A : vector<100x100xf32> to vector<100x100x1xf32>
    %eq3A = vector.broadcast %broadcast_in_dim3A_51 : vector<100x1x100xf32> to vector<100x100x100xf32>
    %eq3A_53 = vector.broadcast %broadcast_in_dim3A_52 : vector<100x100x1xf32> to vector<100x100x100xf32>
    %eq3A_54 = arith.cmpf oeq, %eq3A, %eq3A_53 : vector<100x100x100xf32>
    %iota3A = tpu.iota {dimensions = array<i32: 2>} : vector<1x100x100xi32>
    %iota3A_55 = tpu.iota {dimensions = array<i32: 1>} : vector<1x100x100xi32>
    %lt3A = arith.cmpi slt, %iota3A, %iota3A_55 : vector<1x100x100xi32>
    %and3A = vector.broadcast %lt3A : vector<1x100x100xi1> to vector<100x100x100xi1>
    %and3A_56 = arith.andi %eq3A_54, %and3A : vector<100x100x100xi1>
    %jit3A_57 = arith.constant 1.000000e+00 : f32
    %jit3A_58 = arith.constant 0.000000e+00 : f32
    %broadcast_in_dim3A_59 = vector.broadcast %jit3A_57 : f32 to vector<100x100x100xf32>
    %broadcast_in_dim3A_60 = vector.broadcast %jit3A_58 : f32 to vector<100x100x100xf32>
    %select_n3A_61 = arith.select %and3A_56, %broadcast_in_dim3A_59, %broadcast_in_dim3A_60 : vector<100x100x100xi1>, vector<100x100x100xf32>
    %add3A_62 = arith.addf %convert_element_type3A_50, %select_n3A_61 : vector<100x100x100xf32>
    %reduce_sum3A_63 = arith.constant dense<0.000000e+00> : vector<100x100xf32>
    %reduce_sum3A_64 = vector.multi_reduction <add>, %add3A_62, %reduce_sum3A_63 [2] : vector<100x100x100xf32> to vector<100x100xf32>
    %lt3A_65 = arith.constant 5.200000e+01 : f32
    %lt3A_66 = vector.broadcast %lt3A_65 : f32 to vector<100x100xf32>
    %lt3A_67 = arith.cmpf olt, %reduce_sum3A_64, %lt3A_66 : vector<100x100xf32>
    %convert_element_type3A_68 = arith.extui %lt3A_67 : vector<100x100xi1> to vector<100x100xi32>
    %convert_element_type3A_69 = arith.sitofp %convert_element_type3A_68 : vector<100x100xi32> to vector<100x100xf32>
    %tanh3A = math.tanh %div3A_38 : vector<10000x1xf32>
    %reshape3A_70 = vector.shape_cast %convert_element_type3A_69 : vector<100x100xf32> to vector<10000x1xf32>
    %mul3A_71 = arith.mulf %tanh3A, %reshape3A_70 : vector<10000x1xf32>
    %mul3A_72 = vector.broadcast %mul3A_71 : vector<10000x1xf32> to vector<10000x64xf32>
    %mul3A_73 = arith.mulf %max3A_27, %mul3A_72 : vector<10000x64xf32>
    %reshape3A_74 = vector.shape_cast %mul3A_73 : vector<10000x64xf32> to vector<100x100x64xf32>
    %reshape3A_75 = vector.shape_cast %convert_element_type3A_69 : vector<100x100xf32> to vector<100x100x1xf32>
    %reduce_sum3A_76 = arith.constant dense<0.000000e+00> : vector<100x64xf32>
    %reduce_sum3A_77 = vector.multi_reduction <add>, %reshape3A_74, %reduce_sum3A_76 [1] : vector<100x100x64xf32> to vector<100x64xf32>
    %div3A_78 = arith.constant 5.200000e+01 : f32
    %div3A_79 = vector.broadcast %div3A_78 : f32 to vector<100x64xf32>
    %div3A_80 = arith.divf %reduce_sum3A_77, %div3A_79 : vector<100x64xf32>
    %gt3A_81 = arith.constant 0.000000e+00 : f32
    %gt3A_82 = vector.broadcast %gt3A_81 : f32 to vector<100x100x1xf32>
    %gt3A_83 = arith.cmpf ogt, %reshape3A_75, %gt3A_82 : vector<100x100x1xf32>
    %jit3A_84 = arith.constant -1.000000e+30 : f32
    %broadcast_in_dim3A_85 = vector.shape_cast %gt3A_83 : vector<100x100x1xi1> to vector<100x100x1xi1>
    %broadcast_in_dim3A_86 = vector.broadcast %broadcast_in_dim3A_85 : vector<100x100x1xi1> to vector<100x100x64xi1>
    %broadcast_in_dim3A_87 = vector.broadcast %jit3A_84 : f32 to vector<100x100x64xf32>
    %select_n3A_88 = arith.select %broadcast_in_dim3A_86, %reshape3A_74, %broadcast_in_dim3A_87 : vector<100x100x64xi1>, vector<100x100x64xf32>
    %reduce_max3A = arith.constant dense<0xFF800000> : vector<100x64xf32>
    %reduce_max3A_89 = vector.multi_reduction <maximumf>, %select_n3A_88, %reduce_max3A [1] : vector<100x100x64xf32> to vector<100x64xf32>
    %concatenate3A = tpu.concatenate %div3A_80, %reduce_max3A_89 in 1 : vector<100x64xf32>, vector<100x64xf32> -> vector<100x128xf32>
    %get3A_90 = arith.constant 0 : index
    %get3A_91 = arith.constant 0 : index
    %get3A_92 = vector.load %arg7[%get3A_90, %get3A_91] : memref<128x64xf32, #tpu.memory_space<vmem>>, vector<128x64xf32>
    %dot_general3A_93 = arith.constant dense<0.000000e+00> : vector<100x64xf32>
    %dot_general3A_94 = tpu.matmul %concatenate3A, %get3A_92, %dot_general3A_93 {dimension_numbers = #tpu.dot_dimension_numbers<[1], [0], [0], [1], [0, 0, 1, 1], [], []>, transpose_lhs_hint = false} : vector<100x128xf32>, vector<128x64xf32>, vector<100x64xf32> -> vector<100x64xf32>
    %get3A_95 = arith.constant 0 : index
    %get3A_96 = vector.load %arg8[%get3A_95] : memref<64xf32, #tpu.memory_space<vmem>>, vector<64xf32>
    %broadcast_in_dim3A_97 = vector.shape_cast %get3A_96 : vector<64xf32> to vector<1x64xf32>
    %add3A_98 = vector.broadcast %broadcast_in_dim3A_97 : vector<1x64xf32> to vector<100x64xf32>
    %add3A_99 = arith.addf %dot_general3A_94, %add3A_98 : vector<100x64xf32>
    %max3A_100 = arith.constant 0.000000e+00 : f32
    %max3A_101 = vector.broadcast %max3A_100 : f32 to vector<100x64xf32>
    %max3A_102 = arith.maximumf %add3A_99, %max3A_101 : vector<100x64xf32>
    %get3A_103 = arith.constant 0 : index
    %get3A_104 = arith.constant 0 : index
    %get3A_105 = vector.load %arg9[%get3A_103, %get3A_104] : memref<64x64xf32, #tpu.memory_space<vmem>>, vector<64x64xf32>
    %dot_general3A_106 = arith.constant dense<0.000000e+00> : vector<100x64xf32>
    %dot_general3A_107 = tpu.matmul %max3A_102, %get3A_105, %dot_general3A_106 {dimension_numbers = #tpu.dot_dimension_numbers<[1], [0], [0], [1], [0, 0, 1, 1], [], []>, transpose_lhs_hint = false} : vector<100x64xf32>, vector<64x64xf32>, vector<100x64xf32> -> vector<100x64xf32>
    %get3A_108 = arith.constant 0 : index
    %get3A_109 = vector.load %arg10[%get3A_108] : memref<64xf32, #tpu.memory_space<vmem>>, vector<64xf32>
    %broadcast_in_dim3A_110 = vector.shape_cast %get3A_109 : vector<64xf32> to vector<1x64xf32>
    %add3A_111 = vector.broadcast %broadcast_in_dim3A_110 : vector<1x64xf32> to vector<100x64xf32>
    %add3A_112 = arith.addf %dot_general3A_107, %add3A_111 : vector<100x64xf32>
    %max3A_113 = arith.constant 0.000000e+00 : f32
    %max3A_114 = vector.broadcast %max3A_113 : f32 to vector<100x64xf32>
    %max3A_115 = arith.maximumf %add3A_112, %max3A_114 : vector<100x64xf32>
    %get3A_116 = arith.constant 0 : index
    %get3A_117 = arith.constant 0 : index
    %get3A_118 = vector.load %arg11[%get3A_116, %get3A_117] : memref<64x10xf32, #tpu.memory_space<vmem>>, vector<64x10xf32>
    %dot_general3A_119 = arith.constant dense<0.000000e+00> : vector<100x10xf32>
    %dot_general3A_120 = tpu.matmul %max3A_115, %get3A_118, %dot_general3A_119 {dimension_numbers = #tpu.dot_dimension_numbers<[1], [0], [0], [1], [0, 0, 1, 1], [], []>, transpose_lhs_hint = false} : vector<100x64xf32>, vector<64x10xf32>, vector<100x10xf32> -> vector<100x10xf32>
    %get3A_121 = arith.constant 0 : index
    %get3A_122 = vector.load %arg12[%get3A_121] : memref<10xf32, #tpu.memory_space<vmem>>, vector<10xf32>
    %broadcast_in_dim3A_123 = vector.shape_cast %get3A_122 : vector<10xf32> to vector<1x10xf32>
    %add3A_124 = vector.broadcast %broadcast_in_dim3A_123 : vector<1x10xf32> to vector<100x10xf32>
    %add3A_125 = arith.addf %dot_general3A_120, %add3A_124 : vector<100x10xf32>
    %reduce_max3A_126 = arith.constant dense<0xFF800000> : vector<100xf32>
    %reduce_max3A_127 = vector.multi_reduction <maximumf>, %add3A_125, %reduce_max3A_126 [1] : vector<100x10xf32> to vector<100xf32>
    %broadcast_in_dim3A_128 = vector.shape_cast %reduce_max3A_127 : vector<100xf32> to vector<100x1xf32>
    %sub3A = vector.broadcast %broadcast_in_dim3A_128 : vector<100x1xf32> to vector<100x10xf32>
    %sub3A_129 = arith.subf %add3A_125, %sub3A : vector<100x10xf32>
    %exp3A = math.exp %sub3A_129 : vector<100x10xf32>
    %sub3A_130 = vector.broadcast %broadcast_in_dim3A_128 : vector<100x1xf32> to vector<100x10xf32>
    %sub3A_131 = arith.subf %add3A_125, %sub3A_130 : vector<100x10xf32>
    %reduce_sum3A_132 = arith.constant dense<0.000000e+00> : vector<100xf32>
    %reduce_sum3A_133 = vector.multi_reduction <add>, %exp3A, %reduce_sum3A_132 [1] : vector<100x10xf32> to vector<100xf32>
    %broadcast_in_dim3A_134 = vector.shape_cast %reduce_sum3A_133 : vector<100xf32> to vector<100x1xf32>
    %log3A = math.log %broadcast_in_dim3A_134 : vector<100x1xf32>
    %sub3A_135 = vector.broadcast %log3A : vector<100x1xf32> to vector<100x10xf32>
    %sub3A_136 = arith.subf %sub3A_131, %sub3A_135 : vector<100x10xf32>
    %swap3A = arith.constant 0 : index
    %swap3A_137 = arith.constant 0 : index
    %swap3A_138 = vector.load %arg13[%swap3A, %swap3A_137] : memref<100x10xf32, #tpu.memory_space<vmem>>, vector<100x10xf32>
    tpu.vector_store %arg13[%swap3A, %swap3A_137], %sub3A_136 {strides = array<i32>} : memref<100x10xf32, #tpu.memory_space<vmem>>, vector<100x10xf32>,
    return
  }
}

</mosaic_0001>

<sc_bundles>
// kernel: kernel.11.cloned.1.call-start
scs
__scs_entry_jumppad:
0x0: {  	(pc) =	sbr.rel $0x88, $3  }
0x1: {  	(tag) =	ssettag $0x0;
	lr =	simm.s32 $0x1  }
0x2: {  	[smem:$0x3F8D] =	sst lr;
	_ =	strace $0xD0000000  }
0x3: {  	_ = 	snop  }
0x4: {  	_ = 	snop  }
0x5: {  	_ = 	snop  }
0x6: {  	_ = 	snop  }
0x7: {  	_ = 	snop  }
__scs_overlays_trampoline_lowered:
0x8: {  	[smem:$0x3F9C] =	sst s0  }
0x9: {  	[smem:$0x3F9D] =	sst s1  }
0xa: {  	[smem:$0x3F9E] =	sst s2  }
0xb: {  	[smem:$0x3F9F] =	sst s3  }
0xc: {  	[smem:$0x3FA0] =	sst s4  }
0xd: {  	[smem:$0x3FA1] =	sst s5  }
0xe: {  	[smem:$0x3FA2] =	sst s6  }
0xf: {  	[smem:$0x3FA3] =	sst s7  }
0x10: {  	[smem:$0x3FA4] =	sst s8  }
0x11: {  	[smem:$0x3FA5] =	sst s9;
	s0 =	simm.s32 @!p0 $0x0  }
0x12: {  	s1 =	sld [smem:$0x3F8B];
	s0 =	simm.s32 @p0 $0x1  }
0x13: {  	[smem:$0x3FA6] =	sst s0;
	s0 =	simm.s32 @!p1 $0x0  }
0x14: {  	s2 =	sld [smem:$0x3F8A];
	s0 =	simm.s32 @p1 $0x1  }
0x15: {  	[smem:$0x3FA7] =	sst s0;
	s0 =	simm.s32 @!p2 $0x0  }
0x16: {  	s3 =	sld [smem:$0x3FDB];
	s0 =	simm.s32 @p2 $0x1  }
0x17: {  	s4 =	simm.s32 $0x1BF5;
	[smem:$0x3FA9] =	sst s0  }
0x18: {  	s0 =	sld [smem:$0x3F8C];
	_ =	swait.ge [sflag:s4], $0x0  }
0x19: {  	s7 =	sld [smem:$0x3F8D]  }
0x1a: {  	s8 =	sadd.s32 $0xFFFFE003, lr  }
0x1b: {  	s9 =	sadd.s32 $0xFFFFFEF7, lr;
	s5 =	simm.s32 $0xFFFFFFFF;
	p2 =	slt.u32 s8, $0xFFFFF086  }
0x1c: {  	p1 =	slt.u32 s9, $0xF7A;
	s5 =	simm.s32 @!p2 $0x0  }
0x1d: {  	s5 =	simm.s32 @p1 $0x1;
	p0 =	seq.s32 s7, s2  }
0x1e: {  	s7 =	smul.u32 @!p0 $0xF7A, s2;
	p2 =	seq.s32 @!p0 s5, $0x0  }
0x1f: {  	s9 =	smul.u32 $0xF7A, s1;
	s8 =	simm.s32 @!p0 $0x1BF5;
	p2 =	por !p2, p0  }
0x20: {  	[sflag:s8] =	ssyncset.s32 @!p0 $0xFFFFF086;
	s6 =	sadd.s32 @!p0 s3, s7;
	s7 =	simm.s32 @!p0 $0x108  }
0x21: {  	s3 =	sadd.s32 s3, s9;
	s6 =	sadd.s32 @!p0 $0x88, s6;
	s7 =	simm.s32 @p2 $0x1082  }
0x22: {  	[simem:s7], [sflag:s8] =	dma.local @!p0 [hbm:s6], $0xF7A  }
0x23: {  	s9 =	sor.u32 $0xD0000000, s2;
	s6 =	simm.s32 $0x108;
	_ =	swait.ge @!p0 [sflag:s8], $0x0  }
0x24: {  	s3 =	sadd.s32 $0x88, s3;
	s6 =	simm.s32 @!p1 $0x1082;
	[sflag:s4] =	ssyncset.s32 $0xFFFFF086  }
0x25: {  	[simem:s6], [sflag:s4] =	dma.local [hbm:s3], $0xF7A  }
0x26: {  	[smem:$0x3F8D] =	sst s1;
	(tag) =	ssettag s2;
	_ =	strace s9  }
0x27: {  	s1 =	sld [smem:$0x3F9D]  }
0x28: {  	s2 =	sld [smem:$0x3F9E]  }
0x29: {  	s4 =	sld [smem:$0x3FA0]  }
0x2a: {  	p0 =	seq.s32 s5, $0x0;
	s5 =	sld [smem:$0x3FA1]  }
0x2b: {  	s6 =	sld [smem:$0x3FA2]  }
0x2c: {  	s7 =	sld [smem:$0x3FA3]  }
0x2d: {  	s3 =	simm.s32 $0x108;
	s8 =	sld [smem:$0x3FA4]  }
0x2e: {  	s3 =	simm.s32 @!p0 $0x1082;
	s9 =	sld [smem:$0x3FA5]  }
0x2f: {  	lr =	sadd.s32 s0, s3;
	s0 =	sld [smem:$0x3F9C]  }
0x30: {  	s3 =	sld [smem:$0x3F9F]  }
0x31: {  	[smem:$0x3FA8] =	sst s10  }
0x32: {  	s10 =	sld [smem:$0x3FA6];
	_ =	sdelay $0x3  }
0x33: {  	p0 =	seq.s32 s10, $0x1;
	s10 =	sld [smem:$0x3FA8];
	_ =	sdelay $0x3  }
0x34: {  	[smem:$0x3FA8] =	sst s10  }
0x35: {  	s10 =	sld [smem:$0x3FA7];
	_ =	sdelay $0x3  }
0x36: {  	p1 =	seq.s32 s10, $0x1;
	s10 =	sld [smem:$0x3FA8];
	_ =	sdelay $0x3  }
0x37: {  	[smem:$0x3FA8] =	sst s10  }
0x38: {  	s10 =	sld [smem:$0x3FA9]  }
0x39: {  	_ = 	snop;
	(pc) =	sbr.ind lr, $3  }
0x3a: {  	_ = 	snop  }
0x3b: {  	_ = 	snop  }
0x3c: {  	p2 =	seq.s32 s10, $0x1;
	s10 =	sld [smem:$0x3FA8]  }
0x3d: {  	_ =	shalt  }
0x3e: {  	_ =	shalt  }
0x3f: {  	_ =	shalt  }
0x40: {  	_ =	shalt  }
0x41: {  	_ =	shalt  }
0x42: {  	_ =	shalt  }
0x43: {  	_ =	shalt  }
0x44: {  	_ =	shalt  }
0x45: {  	_ =	shalt  }
0x46: {  	_ =	shalt  }
0x47: {  	_ =	shalt  }
0x48: {  	_ =	shalt  }
0x49: {  	_ =	shalt  }
0x4a: {  	_ =	shalt  }
0x4b: {  	_ =	shalt  }
0x4c: {  	_ =	shalt  }
0x4d: {  	_ =	shalt  }
0x4e: {  	_ =	shalt  }
0x4f: {  	_ =	shalt  }
0x50: {  	_ =	shalt  }
0x51: {  	_ =	shalt  }
0x52: {  	_ =	shalt  }
0x53: {  	_ =	shalt  }
0x54: {  	_ =	shalt  }
0x55: {  	_ =	shalt  }
0x56: {  	_ =	shalt  }
0x57: {  	_ =	shalt  }
0x58: {  	_ =	shalt  }
0x59: {  	_ =	shalt  }
0x5a: {  	_ =	shalt  }
0x5b: {  	_ =	shalt  }
0x5c: {  	_ =	shalt  }
0x5d: {  	_ =	shalt  }
0x5e: {  	_ =	shalt  }
0x5f: {  	_ =	shalt  }
0x60: {  	_ =	shalt  }
0x61: {  	_ =	shalt  }
0x62: {  	_ =	shalt  }
0x63: {  	_ =	shalt  }
0x64: {  	_ =	shalt  }
0x65: {  	_ =	shalt  }
0x66: {  	_ =	shalt  }
0x67: {  	_ =	shalt  }
0x68: {  	_ =	shalt  }
0x69: {  	_ =	shalt  }
0x6a: {  	_ =	shalt  }
0x6b: {  	_ =	shalt  }
0x6c: {  	_ =	shalt  }
0x6d: {  	_ =	shalt  }
0x6e: {  	_ =	shalt  }
0x6f: {  	_ =	shalt  }
0x70: {  	_ =	shalt  }
0x71: {  	_ =	shalt  }
0x72: {  	_ =	shalt  }
0x73: {  	_ =	shalt  }
0x74: {  	_ =	shalt  }
0x75: {  	_ =	shalt  }
0x76: {  	_ =	shalt  }
0x77: {  	_ =	shalt  }
0x78: {  	_ =	shalt  }
0x79: {  	_ =	shalt  }
0x7a: {  	_ =	shalt  }
0x7b: {  	_ =	shalt  }
0x7c: {  	_ =	shalt  }
0x7d: {  	_ =	shalt  }
0x7e: {  	_ =	shalt  }
0x7f: {  	_ =	shalt  }
0x80: {  	_ =	shalt  }
0x81: {  	_ =	shalt  }
0x82: {  	_ =	shalt  }
0x83: {  	_ =	shalt  }
0x84: {  	_ =	shalt  }
0x85: {  	_ =	shalt  }
0x86: {  	_ =	shalt  }
0x87: {  	_ =	shalt  }
.Lfunc_end0:
.L_simem_size_0:
called_computation.1_lowered:
.L_overlay_start_0:
0x88: {  	s2 =	sld [smem:$0x3FD9]  }
0x89: {  	s3 =	sld [smem:$0x3FFE];
	_ =	sdelay $0x1  }
0x8a: {  	s1 =	srdreg.scid  }
0x8b: {  	s0 =	sand.u32 $0x1, s1  }
0x8c: {  	s16 =	sshll.u32 s0, $0xA;
	s2 =	sadd.s32 s3, s2  }
0x8d: {  	s2 =	sadd.s32 s2, s16  }
0x8e: {  	[smem:$0x3FB4] =	sst s2  }
0x8f: {  	_ = 	snop  }
0x90: {  	(tm) =	ssettm $0x1  }
0x91: {  	s17 =	sld [smem:$0x3FFB];
	_ =	sdelay $0x3  }
0x92: {  	_ =	strace s17  }
0x93: {  	s2 =	sld [smem:$0x3FFC];
	_ =	sdelay $0x3  }
0x94: {  	_ =	strace s2  }
0x95: {  	s2 =	sld [smem:$0x3FFD];
	_ =	sdelay $0x3  }
0x96: {  	_ =	strace s2  }
0x97: {  	_ =	strace $0x8FFFFFFF  }
0x98: {  	s18 =	sld [smem:$0x3FDB];
	_ =	sdelay $0x1  }
0x99: {  	s19 =	simm.s32 $_scs_section_size  }
0x9a: {  	s4 =	simm.s32 $_size__tile_overlayer_lowered;
	s5 =	simm.s32 $_tile_overlayer_lowered  }
0x9b: {  	s22 =	simm.s32 $0x1BFF;
	s21 =	sshll.u32 s5, $0x1;
	s2 =	sadd.s32 s19, s18  }
0x9c: {  	s6 =	simm.s32 $0x0;
	s20 =	sshll.u32 s4, $0x1;
	s4 =	sadd.s32 s21, s2  }
0x9d: {  	[timem:s6], [sflag:s22] =	dma.local [hbm:s4], s20  }
0x9e: {  	_ =	swait.ge [sflag:s22], s20  }
0x9f: {  	s3 =	ssub.s32 $0x0, s20;
	[sflag:s22] =	ssyncset.done $0x0  }
0xa0: {  	[sflag:s22] =	ssyncadd.s32 s3;
	_ =	sdelay $0x1  }
0xa1: {  	s23 =	simm.s32 $0x1B8B  }
0xa2: {  	_ =	swait.ge [sflag:s23], $0x1  }
0xa3: {  	[sflag:s23] =	ssyncset.done $0x0  }
0xa4: {  	s25 =	simm.s32 $0x1B8E;
	s24 =	sld [smem:$0x3FFE];
	[sflag:s23] =	ssyncadd.s32 $0xFFFFFFFF  }
0xa5: {  	s26 =	simm.s32 $execute0_lowered;
	[smem:$0x3FD2] =	sst s25  }
0xa6: {  	s4 =	sshll.u32 s26, $0x1;
	_ =	strace $0x80000049;
	[dreg:$0x1] =	wrdreg $0xFFFFFFFF  }
0xa7: {  	s28 =	simm.s32 $_size_execute0_lowered;
	s2 =	sadd.s32 s2, s4;
	[dreg:$0x0] =	wrdreg $0x0  }
0xa8: {  	s4 =	sshll.u32 s28, $0x1;
	[dreg:$0x2] =	wrdreg s2  }
0xa9: {  	[dreg:$0x3] =	wrdreg s4  }
0xaa: {  	[dreg:$0x4] =	wrdreg $0xC0  }
0xab: {  	_ =	task [dreg:s6], $0x5FFFF  }
0xac: {  	[dreg:$0x1] =	wrdreg $0xFFFFFFFF  }
0xad: {  	[dreg:$0x0] =	wrdreg $0x60  }
0xae: {  	[dreg:$0x2] =	wrdreg s24  }
0xaf: {  	[dreg:$0x3] =	wrdreg $0xB2200  }
0xb0: {  	[dreg:$0x4] =	wrdreg $0x14E600  }
0xb1: {  	[dreg:$0x5] =	wrdreg $0x9  }
0xb2: {  	_ =	task.clear_ibuf [dreg:s6], $0x6FFFF;
	_ =	strace $0x90000049  }
0xb3: {  	s29 =	simm.s32 $0x9;
	_ =	strace $0x8000004B  }
0xb4: {  	_ =	swait.ge [sflag:s29], $0x1  }
0xb5: {  	[sflag:s29] =	ssyncadd.s32 $0xFFFFFFFF  }
0xb6: {  	_ =	strace $0x9000004B  }
0xb7: {  	_ =	sfence  }
0xb8: {  	s30 =	sld [smem:$0x0];
	_ =	sdelay $0x2  }
0xb9: {  	s31 =	sshll.u32 s1, $0xD;
	s1 =	sshrl.u32 s1, $0x2  }
0xba: {  	s3 =	sand.u32 $0x4000, s31;
	s1 =	sadd.s32 s1, s30  }
0xbb: {  	s0 =	sor.u32 s3, s0;
	s1 =	sshll.u32 s1, $0x11  }
0xbc: {  	s0 =	sor.u32 s1, s0  }
0xbd: {  	s0 =	sadd.s32 $0x8F2B, s0  }
0xbe: {  	[sflag:s0] =	ssyncadd.remote.s32 $0x1  }
0xbf: {  	_ =	sfence.sel $0xFFFF  }
0xc0: {  	[dreg:$0x0] =	wrdreg $0xFFFFFFFF;
	(pc) =	sbr.abs _section_cstart, $3  }
0xc1: {  	[dreg:$0x1] =	wrdreg $0xFFFFFFFF  }
0xc2: {  	_ =	task.clear_ibuf [dreg:s6], $0x2FFFF;
	_ =	strace $0x9FFFFFFF  }
0xc3: {  	(tm) =	ssettm $0x7FFFFFFF  }
tec
execute0_lowered:
.L_overlay_start_1:
0x0: {  	(tag) =	ssettag $0x1  }
0x1: {  	s12 =	rddreg [dreg:$0x0]  }
0x2: {  	s0 =	srdreg.scid;
	s2 =	rddreg [dreg:$0x1]  }
0x3: {  	s25 =	stileid.u32;
	s3 =	rddreg [dreg:$0x2]  }
0x4: {  	s4 =	simm.s32 $0x0;
	s17 =	simm.s32 $0x4E20;
	s18 =	simm.s32 $0x3  }
0x5: {  	s21 =	simm.s32 $0x2710;
	s22 =	simm.s32 $0xC8;
	s23 =	simm.s32 $0x1  }
0x6: {  	s24 =	simm.s32 $0x8020;
	s28 =	simm.s32 $0x4C90;
	s29 =	simm.s32 $0x4D58  }
0x7: {  	s6 =	sand.u32 $0x1, s0;
	s11 =	smul.u32 $0x9C00, s25;
	[smem:$0x7FF] =	sst s4  }
0x8: {  	s8 =	smul.u32 $0x27000, s25;
	s10 =	sadd.s32 $0x9C000, s2;
	s20 =	sadd.s32 $0x9C000, s3  }
0x9: {  	p0 =	sne.s32 s25, $0xF;
	s1 =	sshll.u32 s6, $0x4;
	_ =	strace $0x8000004A  }
0xa: {  	s9 =	smul.u32 $0x13880, s6;
	s6 =	ssub.s32 $0x2, s6;
	s20 =	sshrl.u32 @!p0 s20, $0x3  }
0xb: {  	s5 =	sor.u32 s25, s1;
	s26 =	sshrl.u32 s8, $0x2;
	s30 =	sshrl.u32 s6, $0x1  }
0xc: {  	s19 =	sadd.s32 s11, s3;
	s25 =	simm.s32 $0x2;
	s7 =	smul.u32 $0x4E2, s5  }
0xd: {  	s5 =	sshrl.u32 s11, $0x3;
	s15 =	sadd.s32 s9, s12;
	s31 =	sadd.s32 s26, s2  }
0xe: {  	s16 =	ssub.s32 s6, s30;
	s6 =	sadd.s32 s11, s2;
	s19 =	sshrl.u32 s19, $0x3  }
0xf: {  	s26 =	simm.s32 $0x2648;
	s13 =	sadd.s32 s5, s12;
	s8 =	sadd.s32 $0x6400, s31  }
0x10: {  	s9 =	sadd.s32 $0x9600, s31;
	s15 =	sadd.s32 $0x2B000, s15;
	s16 =	smax.u32 s16, $0x1  }
0x11: {  	s14 =	sadd.s32 s7, s12;
	s7 =	sadd.s32 $0x3200, s31;
	s11 =	sadd.s32 $0x17600, s13  }
0x12: {  	v0 =	vimm.f32 $0.0e+00;
	s12 =	sadd.s32 $0x2AE00, s12;
	s13 =	sadd.s32 $0x3A00, s14;
	s14 =	sadd.s32 $0xD800, s14  }
.LBB2_1:
0x13: {  	s31 =	simm.s32 $0x100;
	s30 =	simm.s32 $0x0  }
.LBB2_2:
0x14: {  	p1 =	sne.s32 s31, $0xC700;
	[tilespmem:s30+$0x4E50] =	vst v0;
	s1 =	smov.u32 s31;
	s31 =	sadd.s32 $0x100, s31  }
.Ltmp0:
0x15: {  	[tilespmem:s30+$0x4E40] =	vst v0;
	(pc) =	sbr.rel @p1 .LBB2_2-.Ltmp0, $3  }
0x16: {  	[tilespmem:s30+$0x4E20] =	vst v0  }
0x17: {  	[tilespmem:s30+$0x4E30] =	vst v0;
	_ =	sdelay $0x1  }
0x18: {  	s30 =	sshra.s32 s1, $0x2  }
0x19: {  	[tilespmem:s30+$0x4E50] =	vst v0  }
0x1a: {  	[tilespmem:s30+$0x4E40] =	vst v0  }
0x1b: {  	[tilespmem:s30+$0x4E20] =	vst v0  }
0x1c: {  	[tilespmem:s30+$0x4E30] =	vst v0  }
0x1d: {  	[spmem:s6] =	stream.linear.scatter [tilespmem:s17], [sflag:$0x3], $0x3200, $0x38;
	[tilespmem:$0x1EAA0] =	vst v63  }
0x1e: {  	_ =	swait.ge [sflag:s18], $0x3200  }
0x1f: {  	[sflag:s18] =	ssyncset.done $0x0  }
0x20: {  	[sflag:s18] =	ssyncadd.s32 $0xFFFFCE00  }
0x21: {  	[spmem:s7] =	stream.linear.scatter [tilespmem:s17], [sflag:$0x3], $0x3200, $0x38;
	[tilespmem:$0x1EAA0] =	vst v63  }
0x22: {  	_ =	swait.ge [sflag:s18], $0x3200  }
0x23: {  	[sflag:s18] =	ssyncset.done $0x0  }
0x24: {  	[sflag:s18] =	ssyncadd.s32 $0xFFFFCE00  }
0x25: {  	[spmem:s8] =	stream.linear.scatter [tilespmem:s17], [sflag:$0x3], $0x3200, $0x38;
	[tilespmem:$0x1EAA0] =	vst v63  }
0x26: {  	_ =	swait.ge [sflag:s18], $0x3200  }
0x27: {  	[sflag:s18] =	ssyncset.done $0x0  }
0x28: {  	[sflag:s18] =	ssyncadd.s32 $0xFFFFCE00  }
0x29: {  	[spmem:s9] =	stream.linear.scatter [tilespmem:s17], [sflag:$0x3], $0x600, $0x38;
	[tilespmem:$0x1EAA0] =	vst v63  }
0x2a: {  	_ =	swait.ge [sflag:s18], $0x600  }
0x2b: {  	[sflag:s18] =	ssyncset.done $0x0  }
0x2c: {  	s1 =	simm.s32 @!p0 $0x4E20;
	[sflag:s18] =	ssyncadd.s32 $0xFFFFFA00  }
0x2d: {  	[spmem:s10] =	stream.linear.scatter @!p0 [tilespmem:s1], [sflag:$0x3], $0x400, $0x38;
	[tilespmem:$0x1EAA0] =	vst v63  }
0x2e: {  	s1 =	simm.s32 @!p0 $0x3  }
0x2f: {  	s0 =	stileid.u32;
	_ =	swait.ge @!p0 [sflag:s1], $0x400  }
0x30: {  	s30 =	sshll.u32 s0, $0x6;
	[sflag:s1] =	ssyncset.done @!p0 $0x0  }
0x31: {  	s30 =	sor.u32 $0x1C03, s30;
	[sflag:s1] =	ssyncadd.s32 @!p0 $0xFFFFFC00  }
0x32: {  	[spmem:s19], [sflag:s30] =	dma.local [hbm:s11], $0x1380  }
0x33: {  	_ =	swait.ge [sflag:s18], $0x1380  }
0x34: {  	[sflag:s18] =	ssyncset.done $0x0  }
0x35: {  	[sflag:s18] =	ssyncadd.s32 $0xFFFFEC80  }
0x36: {  	[spmem:s20], [sflag:s30] =	dma.local @!p0 [hbm:s12], $0x80  }
0x37: {  	_ =	swait.ge @!p0 [sflag:s1], $0x80  }
0x38: {  	[sflag:s1] =	ssyncset.done @!p0 $0x0  }
0x39: {  	[sflag:s1] =	ssyncadd.s32 @!p0 $0xFFFFFF80  }
0x3a: {  	s0 =	simm.s32 $0x0;
	[bflag:$0x0] =	sbarrier.arrive $0xFFFF  }
0x3b: {  	[tilespmem:s0], [sflag:$0x3] =	stream.linear.gather [hbm4b:s13+s0], $0x2710, $0x38;
	[tilespmem:$0x1EAA0] =	vst v63  }
0x3c: {  	_ =	swait.ge [sflag:s18], $0x2710  }
0x3d: {  	[sflag:s18] =	ssyncset.done $0x0  }
0x3e: {  	[sflag:s18] =	ssyncadd.s32 $0xFFFFD8F0  }
0x3f: {  	[tilespmem:s21], [sflag:$0x3] =	stream.linear.gather [hbm4b:s14+s0], $0x2710, $0x38;
	[tilespmem:$0x1EAA0] =	vst v63  }
0x40: {  	_ =	swait.ge [sflag:s18], $0x2710  }
0x41: {  	[sflag:s18] =	ssyncset.done $0x0  }
0x42: {  	[sflag:s18] =	ssyncadd.s32 $0xFFFFD8F0  }
0x43: {  	[tilespmem:s17], [sflag:$0x1] =	stream.indirect.gather [spmem:s3], $0x40, s0, s22, $0xb8;
	[tilespmem:$0x1EAA0] =	vst v63  }
0x44: {  	_ =	swait.ge [sflag:s23], $0x3200  }
0x45: {  	[sflag:s23] =	ssyncset.done $0x0  }
0x46: {  	s0 =	simm.s32 $0xC8;
	[sflag:s23] =	ssyncadd.s32 $0xFFFFCE00  }
0x47: {  	[tilespmem:s24], [sflag:$0x2] =	stream.indirect.gather [spmem:s3], $0x40, s0, s22, $0xb8;
	[tilespmem:$0x1EAA0] =	vst v63  }
0x48: {  	s0 =	simm.s32 $0x2710  }
0x49: {  	[spmem:s2] =	stream.indirect.scatter.add.f32 [tilespmem:s17], [sflag:$0x3], $0x40, s0, s22, $0xb8;
	[tilespmem:$0x1EAA0] =	vst v63  }
0x4a: {  	_ =	swait.ge [sflag:s18], $0x3200  }
0x4b: {  	[sflag:s18] =	ssyncset.done $0x0  }
0x4c: {  	[sflag:s18] =	ssyncadd.s32 $0xFFFFCE00  }
0x4d: {  	_ =	swait.ge [sflag:s25], $0x3200  }
0x4e: {  	[sflag:s25] =	ssyncset.done $0x0  }
0x4f: {  	s0 =	simm.s32 $0x190;
	[sflag:s25] =	ssyncadd.s32 $0xFFFFCE00  }
0x50: {  	[tilespmem:s17], [sflag:$0x1] =	stream.indirect.gather [spmem:s3], $0x40, s0, s22, $0xb8;
	[tilespmem:$0x1EAA0] =	vst v63  }
0x51: {  	s0 =	simm.s32 $0x27D8  }
0x52: {  	[spmem:s2] =	stream.indirect.scatter.add.f32 [tilespmem:s24], [sflag:$0x3], $0x40, s0, s22, $0xb8;
	[tilespmem:$0x1EAA0] =	vst v63  }
0x53: {  	_ =	swait.ge [sflag:s18], $0x3200  }
0x54: {  	s31 =	simm.s32 $0x640;
	[sflag:s18] =	ssyncset.done $0x0  }
.LBB2_4:
0x55: {  	p1 =	sne.s32 s31, $0x8FC0  }
0x56: {  	[sflag:s18] =	ssyncadd.s32 $0xFFFFCE00;
	s1 =	smov.u32 s31;
	s31 =	sadd.s32 $0x640, s31  }
0x57: {  	_ = 	snop  }
0x58: {  	_ =	swait.ge [sflag:s23], $0x3200  }
0x59: {  	s1 =	sshra.s32 s1, $0x2;
	[sflag:s23] =	ssyncset.done $0x0  }
0x5a: {  	s0 =	sadd.s32 $0xC8, s1;
	[sflag:s23] =	ssyncadd.s32 $0xFFFFCE00  }
0x5b: {  	[tilespmem:s24], [sflag:$0x2] =	stream.indirect.gather [spmem:s3], $0x40, s0, s22, $0xb8;
	[tilespmem:$0x1EAA0] =	vst v63  }
0x5c: {  	s0 =	sadd.s32 $0x2710, s1  }
0x5d: {  	[spmem:s2] =	stream.indirect.scatter.add.f32 [tilespmem:s17], [sflag:$0x3], $0x40, s0, s22, $0xb8;
	[tilespmem:$0x1EAA0] =	vst v63  }
0x5e: {  	_ =	swait.ge [sflag:s18], $0x3200  }
0x5f: {  	[sflag:s18] =	ssyncset.done $0x0  }
0x60: {  	[sflag:s18] =	ssyncadd.s32 $0xFFFFCE00  }
0x61: {  	_ =	swait.ge [sflag:s25], $0x3200  }
0x62: {  	[sflag:s25] =	ssyncset.done $0x0  }
0x63: {  	s0 =	sadd.s32 $0x190, s1;
	[sflag:s25] =	ssyncadd.s32 $0xFFFFCE00  }
0x64: {  	[tilespmem:s17], [sflag:$0x1] =	stream.indirect.gather [spmem:s3], $0x40, s0, s22, $0xb8;
	[tilespmem:$0x1EAA0] =	vst v63  }
.Ltmp1:
0x65: {  	_ = 	snop;
	(pc) =	sbr.rel @p1 .LBB2_4-.Ltmp1, $4  }
0x66: {  	s0 =	sadd.s32 $0x27D8, s1  }
0x67: {  	[spmem:s2] =	stream.indirect.scatter.add.f32 [tilespmem:s24], [sflag:$0x3], $0x40, s0, s22, $0xb8;
	[tilespmem:$0x1EAA0] =	vst v63  }
0x68: {  	_ =	swait.ge [sflag:s18], $0x3200  }
0x69: {  	[sflag:s18] =	ssyncset.done $0x0  }
0x6a: {  	[sflag:s18] =	ssyncadd.s32 $0xFFFFCE00  }
0x6b: {  	_ =	swait.ge [sflag:s23], $0x3200  }
0x6c: {  	[sflag:s23] =	ssyncset.done $0x0  }
0x6d: {  	[sflag:s23] =	ssyncadd.s32 $0xFFFFCE00  }
0x6e: {  	[tilespmem:s24], [sflag:$0x2] =	stream.indirect.gather [spmem:s3], $0x40, s26, s22, $0xb8;
	[tilespmem:$0x1EAA0] =	vst v63  }
0x6f: {  	_ = 	snop  }
0x70: {  	[spmem:s2] =	stream.indirect.scatter.add.f32 [tilespmem:s17], [sflag:$0x3], $0x40, s28, s22, $0xb8;
	[tilespmem:$0x1EAA0] =	vst v63  }
0x71: {  	_ =	swait.ge [sflag:s18], $0x3200  }
0x72: {  	[sflag:s18] =	ssyncset.done $0x0  }
0x73: {  	[sflag:s18] =	ssyncadd.s32 $0xFFFFCE00  }
0x74: {  	_ =	swait.ge [sflag:s25], $0x3200  }
0x75: {  	[sflag:s25] =	ssyncset.done $0x0  }
0x76: {  	[sflag:s25] =	ssyncadd.s32 $0xFFFFCE00  }
0x77: {  	[spmem:s2] =	stream.indirect.scatter.add.f32 [tilespmem:s24], [sflag:$0x3], $0x40, s29, s22, $0xb8;
	[tilespmem:$0x1EAA0] =	vst v63  }
0x78: {  	_ =	swait.ge [sflag:s18], $0x3200  }
0x79: {  	[sflag:s18] =	ssyncset.done $0x0  }
0x7a: {  	[sflag:s18] =	ssyncadd.s32 $0xFFFFCE00  }
0x7b: {  	s0 =	sadd.s32 s5, s15;
	s1 =	sshrl.u32 s6, $0x3;
	[bflag:$0x0] =	sbarrier.arrive $0xFFFF  }
0x7c: {  	[hbm:s0], [sflag:s30] =	dma.local [spmem:s1], $0x1380  }
0x7d: {  	s4 =	sadd.s32 $0x1, s4;
	_ =	swait.ge [sflag:s18], $0x1380  }
0x7e: {  	p1 =	sne.s32 s4, s16;
	[sflag:s18] =	ssyncset.done $0x0  }
0x7f: {  	s0 =	sadd.s32 @!p0 $0x13800, s15;
	s1 =	sshrl.u32 @!p0 s10, $0x3;
	[sflag:s18] =	ssyncadd.s32 $0xFFFFEC80  }
0x80: {  	[hbm:s0], [sflag:s30] =	dma.local @!p0 [spmem:s1], $0x80  }
.Ltmp2:
0x81: {  	_ = 	snop;
	(pc) =	sbr.rel @p1 .LBB2_1-.Ltmp2, $4  }
0x82: {  	s0 =	simm.s32 @!p0 $0x3  }
0x83: {  	_ =	swait.ge @!p0 [sflag:s0], $0x80  }
0x84: {  	[sflag:s0] =	ssyncset.done @!p0 $0x0  }
0x85: {  	[sflag:s0] =	ssyncadd.s32 @!p0 $0xFFFFFF80  }
0x86: {  	_ =	sfence.sel $0x180000  }
0x87: {  	[bflag:$0x0] =	sbarrier.arrive $0xFFFF  }
0x88: {  	_ =	strace $0x9000004A  }
0x89: {  	s0 =	stileid.u32;
	[bflag:$0x2] =	sbarrier.arrive $0xFFFF  }
0x8a: {  	p0 =	sne.s32 s0, $0x0;
	s0 =	rddreg [dreg:$0x3]  }
0x8b: {  	s0 =	sadd.s32 @!p0 $0x100000, s0  }
0x8c: {  	[sflag:s0] =	ssyncadd.tile.s32 @!p0 $0x1;
	_ =	shalt  }
.Lfunc_end2:
_tile_overlayer_lowered:
.L_overlay_start_2:
0x8d: {  	(tag) =	ssettag $0x2  }
0x8e: {  	s0 =	rddreg [dreg:$0x0];
	s2 =	stileid.u32  }
0x8f: {  	s1 =	rddreg [dreg:$0x1];
	p0 =	sne.s32 s2, $0x0  }
0x90: {  	s3 =	rddreg [dreg:$0x2];
	[bflag:$0x3] =	sbarrier.arrive $0xFFFF;
	s2 =	simm.s32 @!p0 $0x1C03  }
0x91: {  	[timem:s3], [sflag:s2] =	dma.local @!p0 [hbm:s0], s1  }
0x92: {  	s0 =	simm.s32 @!p0 $0x3  }
0x93: {  	_ =	swait.ge @!p0 [sflag:s0], s1  }
0x94: {  	s1 =	ssub.s32 @!p0 $0x0, s1;
	[sflag:s0] =	ssyncset.done @!p0 $0x0  }
0x95: {  	[sflag:s0] =	ssyncadd.s32 @!p0 s1  }
0x96: {  	[bflag:$0x3] =	sbarrier.arrive $0xFFFF  }
0x97: {  	_ =	shalt  }

// kernel: kernel.14.cloned.1.call-start
scs
__scs_entry_jumppad:
0x0: {  	(pc) =	sbr.rel $0x88, $3  }
0x1: {  	(tag) =	ssettag $0x0;
	lr =	simm.s32 $0x1  }
0x2: {  	[smem:$0x3F8D] =	sst lr;
	_ =	strace $0xD0000000  }
0x3: {  	_ = 	snop  }
0x4: {  	_ = 	snop  }
0x5: {  	_ = 	snop  }
0x6: {  	_ = 	snop  }
0x7: {  	_ = 	snop  }
__scs_overlays_trampoline_lowered:
0x8: {  	[smem:$0x3F9C] =	sst s0  }
0x9: {  	[smem:$0x3F9D] =	sst s1  }
0xa: {  	[smem:$0x3F9E] =	sst s2  }
0xb: {  	[smem:$0x3F9F] =	sst s3  }
0xc: {  	[smem:$0x3FA0] =	sst s4  }
0xd: {  	[smem:$0x3FA1] =	sst s5  }
0xe: {  	[smem:$0x3FA2] =	sst s6  }
0xf: {  	[smem:$0x3FA3] =	sst s7  }
0x10: {  	[smem:$0x3FA4] =	sst s8  }
0x11: {  	[smem:$0x3FA5] =	sst s9;
	s0 =	simm.s32 @!p0 $0x0  }
0x12: {  	s1 =	sld [smem:$0x3F8B];
	s0 =	simm.s32 @p0 $0x1  }
0x13: {  	[smem:$0x3FA6] =	sst s0;
	s0 =	simm.s32 @!p1 $0x0  }
0x14: {  	s2 =	sld [smem:$0x3F8A];
	s0 =	simm.s32 @p1 $0x1  }
0x15: {  	[smem:$0x3FA7] =	sst s0;
	s0 =	simm.s32 @!p2 $0x0  }
0x16: {  	s3 =	sld [smem:$0x3FDB];
	s0 =	simm.s32 @p2 $0x1  }
0x17: {  	s4 =	simm.s32 $0x1BF5;
	[smem:$0x3FA9] =	sst s0  }
0x18: {  	s0 =	sld [smem:$0x3F8C];
	_ =	swait.ge [sflag:s4], $0x0  }
0x19: {  	s7 =	sld [smem:$0x3F8D]  }
0x1a: {  	s8 =	sadd.s32 $0xFFFFE003, lr  }
0x1b: {  	s9 =	sadd.s32 $0xFFFFFEF7, lr;
	s5 =	simm.s32 $0xFFFFFFFF;
	p2 =	slt.u32 s8, $0xFFFFF086  }
0x1c: {  	p1 =	slt.u32 s9, $0xF7A;
	s5 =	simm.s32 @!p2 $0x0  }
0x1d: {  	s5 =	simm.s32 @p1 $0x1;
	p0 =	seq.s32 s7, s2  }
0x1e: {  	s7 =	smul.u32 @!p0 $0xF7A, s2;
	p2 =	seq.s32 @!p0 s5, $0x0  }
0x1f: {  	s9 =	smul.u32 $0xF7A, s1;
	s8 =	simm.s32 @!p0 $0x1BF5;
	p2 =	por !p2, p0  }
0x20: {  	[sflag:s8] =	ssyncset.s32 @!p0 $0xFFFFF086;
	s6 =	sadd.s32 @!p0 s3, s7;
	s7 =	simm.s32 @!p0 $0x108  }
0x21: {  	s3 =	sadd.s32 s3, s9;
	s6 =	sadd.s32 @!p0 $0x88, s6;
	s7 =	simm.s32 @p2 $0x1082  }
0x22: {  	[simem:s7], [sflag:s8] =	dma.local @!p0 [hbm:s6], $0xF7A  }
0x23: {  	s9 =	sor.u32 $0xD0000000, s2;
	s6 =	simm.s32 $0x108;
	_ =	swait.ge @!p0 [sflag:s8], $0x0  }
0x24: {  	s3 =	sadd.s32 $0x88, s3;
	s6 =	simm.s32 @!p1 $0x1082;
	[sflag:s4] =	ssyncset.s32 $0xFFFFF086  }
0x25: {  	[simem:s6], [sflag:s4] =	dma.local [hbm:s3], $0xF7A  }
0x26: {  	[smem:$0x3F8D] =	sst s1;
	(tag) =	ssettag s2;
	_ =	strace s9  }
0x27: {  	s1 =	sld [smem:$0x3F9D]  }
0x28: {  	s2 =	sld [smem:$0x3F9E]  }
0x29: {  	s4 =	sld [smem:$0x3FA0]  }
0x2a: {  	p0 =	seq.s32 s5, $0x0;
	s5 =	sld [smem:$0x3FA1]  }
0x2b: {  	s6 =	sld [smem:$0x3FA2]  }
0x2c: {  	s7 =	sld [smem:$0x3FA3]  }
0x2d: {  	s3 =	simm.s32 $0x108;
	s8 =	sld [smem:$0x3FA4]  }
0x2e: {  	s3 =	simm.s32 @!p0 $0x1082;
	s9 =	sld [smem:$0x3FA5]  }
0x2f: {  	lr =	sadd.s32 s0, s3;
	s0 =	sld [smem:$0x3F9C]  }
0x30: {  	s3 =	sld [smem:$0x3F9F]  }
0x31: {  	[smem:$0x3FA8] =	sst s10  }
0x32: {  	s10 =	sld [smem:$0x3FA6];
	_ =	sdelay $0x3  }
0x33: {  	p0 =	seq.s32 s10, $0x1;
	s10 =	sld [smem:$0x3FA8];
	_ =	sdelay $0x3  }
0x34: {  	[smem:$0x3FA8] =	sst s10  }
0x35: {  	s10 =	sld [smem:$0x3FA7];
	_ =	sdelay $0x3  }
0x36: {  	p1 =	seq.s32 s10, $0x1;
	s10 =	sld [smem:$0x3FA8];
	_ =	sdelay $0x3  }
0x37: {  	[smem:$0x3FA8] =	sst s10  }
0x38: {  	s10 =	sld [smem:$0x3FA9]  }
0x39: {  	_ = 	snop;
	(pc) =	sbr.ind lr, $3  }
0x3a: {  	_ = 	snop  }
0x3b: {  	_ = 	snop  }
0x3c: {  	p2 =	seq.s32 s10, $0x1;
	s10 =	sld [smem:$0x3FA8]  }
0x3d: {  	_ =	shalt  }
0x3e: {  	_ =	shalt  }
0x3f: {  	_ =	shalt  }
0x40: {  	_ =	shalt  }
0x41: {  	_ =	shalt  }
0x42: {  	_ =	shalt  }
0x43: {  	_ =	shalt  }
0x44: {  	_ =	shalt  }
0x45: {  	_ =	shalt  }
0x46: {  	_ =	shalt  }
0x47: {  	_ =	shalt  }
0x48: {  	_ =	shalt  }
0x49: {  	_ =	shalt  }
0x4a: {  	_ =	shalt  }
0x4b: {  	_ =	shalt  }
0x4c: {  	_ =	shalt  }
0x4d: {  	_ =	shalt  }
0x4e: {  	_ =	shalt  }
0x4f: {  	_ =	shalt  }
0x50: {  	_ =	shalt  }
0x51: {  	_ =	shalt  }
0x52: {  	_ =	shalt  }
0x53: {  	_ =	shalt  }
0x54: {  	_ =	shalt  }
0x55: {  	_ =	shalt  }
0x56: {  	_ =	shalt  }
0x57: {  	_ =	shalt  }
0x58: {  	_ =	shalt  }
0x59: {  	_ =	shalt  }
0x5a: {  	_ =	shalt  }
0x5b: {  	_ =	shalt  }
0x5c: {  	_ =	shalt  }
0x5d: {  	_ =	shalt  }
0x5e: {  	_ =	shalt  }
0x5f: {  	_ =	shalt  }
0x60: {  	_ =	shalt  }
0x61: {  	_ =	shalt  }
0x62: {  	_ =	shalt  }
0x63: {  	_ =	shalt  }
0x64: {  	_ =	shalt  }
0x65: {  	_ =	shalt  }
0x66: {  	_ =	shalt  }
0x67: {  	_ =	shalt  }
0x68: {  	_ =	shalt  }
0x69: {  	_ =	shalt  }
0x6a: {  	_ =	shalt  }
0x6b: {  	_ =	shalt  }
0x6c: {  	_ =	shalt  }
0x6d: {  	_ =	shalt  }
0x6e: {  	_ =	shalt  }
0x6f: {  	_ =	shalt  }
0x70: {  	_ =	shalt  }
0x71: {  	_ =	shalt  }
0x72: {  	_ =	shalt  }
0x73: {  	_ =	shalt  }
0x74: {  	_ =	shalt  }
0x75: {  	_ =	shalt  }
0x76: {  	_ =	shalt  }
0x77: {  	_ =	shalt  }
0x78: {  	_ =	shalt  }
0x79: {  	_ =	shalt  }
0x7a: {  	_ =	shalt  }
0x7b: {  	_ =	shalt  }
0x7c: {  	_ =	shalt  }
0x7d: {  	_ =	shalt  }
0x7e: {  	_ =	shalt  }
0x7f: {  	_ =	shalt  }
0x80: {  	_ =	shalt  }
0x81: {  	_ =	shalt  }
0x82: {  	_ =	shalt  }
0x83: {  	_ =	shalt  }
0x84: {  	_ =	shalt  }
0x85: {  	_ =	shalt  }
0x86: {  	_ =	shalt  }
0x87: {  	_ =	shalt  }
.Lfunc_end0:
.L_simem_size_0:
called_computation.2_lowered:
.L_overlay_start_0:
0x88: {  	s2 =	sld [smem:$0x3FD9]  }
0x89: {  	s3 =	sld [smem:$0x3FFE];
	_ =	sdelay $0x1  }
0x8a: {  	s1 =	srdreg.scid  }
0x8b: {  	s0 =	sand.u32 $0x1, s1  }
0x8c: {  	s16 =	sshll.u32 s0, $0xA;
	s2 =	sadd.s32 s3, s2  }
0x8d: {  	s2 =	sadd.s32 s2, s16  }
0x8e: {  	[smem:$0x3FB4] =	sst s2  }
0x8f: {  	_ = 	snop  }
0x90: {  	(tm) =	ssettm $0x1  }
0x91: {  	s17 =	sld [smem:$0x3FFB];
	_ =	sdelay $0x3  }
0x92: {  	_ =	strace s17  }
0x93: {  	s2 =	sld [smem:$0x3FFC];
	_ =	sdelay $0x3  }
0x94: {  	_ =	strace s2  }
0x95: {  	s2 =	sld [smem:$0x3FFD];
	_ =	sdelay $0x3  }
0x96: {  	_ =	strace s2  }
0x97: {  	_ =	strace $0x8FFFFFFF  }
0x98: {  	s18 =	sld [smem:$0x3FDB];
	_ =	sdelay $0x1  }
0x99: {  	s19 =	simm.s32 $_scs_section_size  }
0x9a: {  	s4 =	simm.s32 $_size__tile_overlayer_lowered;
	s5 =	simm.s32 $_tile_overlayer_lowered  }
0x9b: {  	s22 =	simm.s32 $0x1BFF;
	s21 =	sshll.u32 s5, $0x1;
	s2 =	sadd.s32 s19, s18  }
0x9c: {  	s6 =	simm.s32 $0x0;
	s20 =	sshll.u32 s4, $0x1;
	s4 =	sadd.s32 s21, s2  }
0x9d: {  	[timem:s6], [sflag:s22] =	dma.local [hbm:s4], s20  }
0x9e: {  	_ =	swait.ge [sflag:s22], s20  }
0x9f: {  	s3 =	ssub.s32 $0x0, s20;
	[sflag:s22] =	ssyncset.done $0x0  }
0xa0: {  	[sflag:s22] =	ssyncadd.s32 s3;
	_ =	sdelay $0x1  }
0xa1: {  	s23 =	simm.s32 $0x1B8B  }
0xa2: {  	_ =	swait.ge [sflag:s23], $0x1  }
0xa3: {  	[sflag:s23] =	ssyncset.done $0x0  }
0xa4: {  	s25 =	simm.s32 $0x1B8E;
	s24 =	sld [smem:$0x3FFE];
	[sflag:s23] =	ssyncadd.s32 $0xFFFFFFFF  }
0xa5: {  	s26 =	simm.s32 $execute0_lowered;
	[smem:$0x3FD2] =	sst s25  }
0xa6: {  	s4 =	sshll.u32 s26, $0x1;
	_ =	strace $0x8000004C;
	[dreg:$0x1] =	wrdreg $0xFFFFFFFF  }
0xa7: {  	s28 =	simm.s32 $_size_execute0_lowered;
	s2 =	sadd.s32 s2, s4;
	[dreg:$0x0] =	wrdreg $0x0  }
0xa8: {  	s4 =	sshll.u32 s28, $0x1;
	[dreg:$0x2] =	wrdreg s2  }
0xa9: {  	[dreg:$0x3] =	wrdreg s4  }
0xaa: {  	[dreg:$0x4] =	wrdreg $0xC0  }
0xab: {  	_ =	task [dreg:s6], $0x5FFFF  }
0xac: {  	[dreg:$0x1] =	wrdreg $0xFFFFFFFF  }
0xad: {  	[dreg:$0x0] =	wrdreg $0x60  }
0xae: {  	[dreg:$0x2] =	wrdreg s24  }
0xaf: {  	[dreg:$0x3] =	wrdreg $0xB2200  }
0xb0: {  	[dreg:$0x4] =	wrdreg $0x14E600  }
0xb1: {  	[dreg:$0x5] =	wrdreg $0x9  }
0xb2: {  	_ =	task.clear_ibuf [dreg:s6], $0x6FFFF;
	_ =	strace $0x9000004C  }
0xb3: {  	s29 =	simm.s32 $0x9;
	_ =	strace $0x8000004E  }
0xb4: {  	_ =	swait.ge [sflag:s29], $0x1  }
0xb5: {  	[sflag:s29] =	ssyncadd.s32 $0xFFFFFFFF  }
0xb6: {  	_ =	strace $0x9000004E  }
0xb7: {  	_ =	sfence  }
0xb8: {  	s30 =	sld [smem:$0x0];
	_ =	sdelay $0x2  }
0xb9: {  	s31 =	sshll.u32 s1, $0xD;
	s1 =	sshrl.u32 s1, $0x2  }
0xba: {  	s3 =	sand.u32 $0x4000, s31;
	s1 =	sadd.s32 s1, s30  }
0xbb: {  	s0 =	sor.u32 s3, s0;
	s1 =	sshll.u32 s1, $0x11  }
0xbc: {  	s0 =	sor.u32 s1, s0  }
0xbd: {  	s0 =	sadd.s32 $0x8F2B, s0  }
0xbe: {  	[sflag:s0] =	ssyncadd.remote.s32 $0x1  }
0xbf: {  	_ =	sfence.sel $0xFFFF  }
0xc0: {  	[dreg:$0x0] =	wrdreg $0xFFFFFFFF;
	(pc) =	sbr.abs _section_cstart, $3  }
0xc1: {  	[dreg:$0x1] =	wrdreg $0xFFFFFFFF  }
0xc2: {  	_ =	task.clear_ibuf [dreg:s6], $0x2FFFF;
	_ =	strace $0x9FFFFFFF  }
0xc3: {  	(tm) =	ssettm $0x7FFFFFFF  }
tec
execute0_lowered:
.L_overlay_start_1:
0x0: {  	(tag) =	ssettag $0x1  }
0x1: {  	s12 =	rddreg [dreg:$0x0]  }
0x2: {  	s0 =	srdreg.scid;
	s2 =	rddreg [dreg:$0x1]  }
0x3: {  	s25 =	stileid.u32;
	s3 =	rddreg [dreg:$0x2]  }
0x4: {  	s4 =	simm.s32 $0x0;
	s17 =	simm.s32 $0x4E20;
	s18 =	simm.s32 $0x3  }
0x5: {  	s21 =	simm.s32 $0x2710;
	s22 =	simm.s32 $0xC8;
	s23 =	simm.s32 $0x1  }
0x6: {  	s24 =	simm.s32 $0x8020;
	s28 =	simm.s32 $0x4C90;
	s29 =	simm.s32 $0x4D58  }
0x7: {  	s6 =	sand.u32 $0x1, s0;
	s11 =	smul.u32 $0x9C00, s25;
	[smem:$0x7FF] =	sst s4  }
0x8: {  	s8 =	smul.u32 $0x27000, s25;
	s10 =	sadd.s32 $0x9C000, s2;
	s20 =	sadd.s32 $0x9C000, s3  }
0x9: {  	p0 =	sne.s32 s25, $0xF;
	s1 =	sshll.u32 s6, $0x4;
	_ =	strace $0x8000004D  }
0xa: {  	s9 =	smul.u32 $0x13880, s6;
	s6 =	ssub.s32 $0x2, s6;
	s20 =	sshrl.u32 @!p0 s20, $0x3  }
0xb: {  	s5 =	sor.u32 s25, s1;
	s26 =	sshrl.u32 s8, $0x2;
	s30 =	sshrl.u32 s6, $0x1  }
0xc: {  	s19 =	sadd.s32 s11, s3;
	s25 =	simm.s32 $0x2;
	s7 =	smul.u32 $0x4E2, s5  }
0xd: {  	s5 =	sshrl.u32 s11, $0x3;
	s15 =	sadd.s32 s9, s12;
	s31 =	sadd.s32 s26, s2  }
0xe: {  	s16 =	ssub.s32 s6, s30;
	s6 =	sadd.s32 s11, s2;
	s19 =	sshrl.u32 s19, $0x3  }
0xf: {  	s26 =	simm.s32 $0x2648;
	s13 =	sadd.s32 s5, s12;
	s8 =	sadd.s32 $0x6400, s31  }
0x10: {  	s9 =	sadd.s32 $0x9600, s31;
	s15 =	sadd.s32 $0x2B000, s15;
	s16 =	smax.u32 s16, $0x1  }
0x11: {  	s14 =	sadd.s32 s7, s12;
	s7 =	sadd.s32 $0x3200, s31;
	s11 =	sadd.s32 $0x17600, s13  }
0x12: {  	v0 =	vimm.f32 $0.0e+00;
	s12 =	sadd.s32 $0x2AE00, s12;
	s13 =	sadd.s32 $0x3A00, s14;
	s14 =	sadd.s32 $0xD800, s14  }
.LBB2_1:
0x13: {  	s31 =	simm.s32 $0x100;
	s30 =	simm.s32 $0x0  }
.LBB2_2:
0x14: {  	p1 =	sne.s32 s31, $0xC700;
	[tilespmem:s30+$0x4E50] =	vst v0;
	s1 =	smov.u32 s31;
	s31 =	sadd.s32 $0x100, s31  }
.Ltmp0:
0x15: {  	[tilespmem:s30+$0x4E40] =	vst v0;
	(pc) =	sbr.rel @p1 .LBB2_2-.Ltmp0, $3  }
0x16: {  	[tilespmem:s30+$0x4E20] =	vst v0  }
0x17: {  	[tilespmem:s30+$0x4E30] =	vst v0;
	_ =	sdelay $0x1  }
0x18: {  	s30 =	sshra.s32 s1, $0x2  }
0x19: {  	[tilespmem:s30+$0x4E50] =	vst v0  }
0x1a: {  	[tilespmem:s30+$0x4E40] =	vst v0  }
0x1b: {  	[tilespmem:s30+$0x4E20] =	vst v0  }
0x1c: {  	[tilespmem:s30+$0x4E30] =	vst v0  }
0x1d: {  	[spmem:s6] =	stream.linear.scatter [tilespmem:s17], [sflag:$0x3], $0x3200, $0x38;
	[tilespmem:$0x1EAA0] =	vst v63  }
0x1e: {  	_ =	swait.ge [sflag:s18], $0x3200  }
0x1f: {  	[sflag:s18] =	ssyncset.done $0x0  }
0x20: {  	[sflag:s18] =	ssyncadd.s32 $0xFFFFCE00  }
0x21: {  	[spmem:s7] =	stream.linear.scatter [tilespmem:s17], [sflag:$0x3], $0x3200, $0x38;
	[tilespmem:$0x1EAA0] =	vst v63  }
0x22: {  	_ =	swait.ge [sflag:s18], $0x3200  }
0x23: {  	[sflag:s18] =	ssyncset.done $0x0  }
0x24: {  	[sflag:s18] =	ssyncadd.s32 $0xFFFFCE00  }
0x25: {  	[spmem:s8] =	stream.linear.scatter [tilespmem:s17], [sflag:$0x3], $0x3200, $0x38;
	[tilespmem:$0x1EAA0] =	vst v63  }
0x26: {  	_ =	swait.ge [sflag:s18], $0x3200  }
0x27: {  	[sflag:s18] =	ssyncset.done $0x0  }
0x28: {  	[sflag:s18] =	ssyncadd.s32 $0xFFFFCE00  }
0x29: {  	[spmem:s9] =	stream.linear.scatter [tilespmem:s17], [sflag:$0x3], $0x600, $0x38;
	[tilespmem:$0x1EAA0] =	vst v63  }
0x2a: {  	_ =	swait.ge [sflag:s18], $0x600  }
0x2b: {  	[sflag:s18] =	ssyncset.done $0x0  }
0x2c: {  	s1 =	simm.s32 @!p0 $0x4E20;
	[sflag:s18] =	ssyncadd.s32 $0xFFFFFA00  }
0x2d: {  	[spmem:s10] =	stream.linear.scatter @!p0 [tilespmem:s1], [sflag:$0x3], $0x400, $0x38;
	[tilespmem:$0x1EAA0] =	vst v63  }
0x2e: {  	s1 =	simm.s32 @!p0 $0x3  }
0x2f: {  	s0 =	stileid.u32;
	_ =	swait.ge @!p0 [sflag:s1], $0x400  }
0x30: {  	s30 =	sshll.u32 s0, $0x6;
	[sflag:s1] =	ssyncset.done @!p0 $0x0  }
0x31: {  	s30 =	sor.u32 $0x1C03, s30;
	[sflag:s1] =	ssyncadd.s32 @!p0 $0xFFFFFC00  }
0x32: {  	[spmem:s19], [sflag:s30] =	dma.local [hbm:s11], $0x1380  }
0x33: {  	_ =	swait.ge [sflag:s18], $0x1380  }
0x34: {  	[sflag:s18] =	ssyncset.done $0x0  }
0x35: {  	[sflag:s18] =	ssyncadd.s32 $0xFFFFEC80  }
0x36: {  	[spmem:s20], [sflag:s30] =	dma.local @!p0 [hbm:s12], $0x80  }
0x37: {  	_ =	swait.ge @!p0 [sflag:s1], $0x80  }
0x38: {  	[sflag:s1] =	ssyncset.done @!p0 $0x0  }
0x39: {  	[sflag:s1] =	ssyncadd.s32 @!p0 $0xFFFFFF80  }
0x3a: {  	s0 =	simm.s32 $0x0;
	[bflag:$0x0] =	sbarrier.arrive $0xFFFF  }
0x3b: {  	[tilespmem:s0], [sflag:$0x3] =	stream.linear.gather [hbm4b:s13+s0], $0x2710, $0x38;
	[tilespmem:$0x1EAA0] =	vst v63  }
0x3c: {  	_ =	swait.ge [sflag:s18], $0x2710  }
0x3d: {  	[sflag:s18] =	ssyncset.done $0x0  }
0x3e: {  	[sflag:s18] =	ssyncadd.s32 $0xFFFFD8F0  }
0x3f: {  	[tilespmem:s21], [sflag:$0x3] =	stream.linear.gather [hbm4b:s14+s0], $0x2710, $0x38;
	[tilespmem:$0x1EAA0] =	vst v63  }
0x40: {  	_ =	swait.ge [sflag:s18], $0x2710  }
0x41: {  	[sflag:s18] =	ssyncset.done $0x0  }
0x42: {  	[sflag:s18] =	ssyncadd.s32 $0xFFFFD8F0  }
0x43: {  	[tilespmem:s17], [sflag:$0x1] =	stream.indirect.gather [spmem:s3], $0x40, s0, s22, $0xb8;
	[tilespmem:$0x1EAA0] =	vst v63  }
0x44: {  	_ =	swait.ge [sflag:s23], $0x3200  }
0x45: {  	[sflag:s23] =	ssyncset.done $0x0  }
0x46: {  	s0 =	simm.s32 $0xC8;
	[sflag:s23] =	ssyncadd.s32 $0xFFFFCE00  }
0x47: {  	[tilespmem:s24], [sflag:$0x2] =	stream.indirect.gather [spmem:s3], $0x40, s0, s22, $0xb8;
	[tilespmem:$0x1EAA0] =	vst v63  }
0x48: {  	s0 =	simm.s32 $0x2710  }
0x49: {  	[spmem:s2] =	stream.indirect.scatter.add.f32 [tilespmem:s17], [sflag:$0x3], $0x40, s0, s22, $0xb8;
	[tilespmem:$0x1EAA0] =	vst v63  }
0x4a: {  	_ =	swait.ge [sflag:s18], $0x3200  }
0x4b: {  	[sflag:s18] =	ssyncset.done $0x0  }
0x4c: {  	[sflag:s18] =	ssyncadd.s32 $0xFFFFCE00  }
0x4d: {  	_ =	swait.ge [sflag:s25], $0x3200  }
0x4e: {  	[sflag:s25] =	ssyncset.done $0x0  }
0x4f: {  	s0 =	simm.s32 $0x190;
	[sflag:s25] =	ssyncadd.s32 $0xFFFFCE00  }
0x50: {  	[tilespmem:s17], [sflag:$0x1] =	stream.indirect.gather [spmem:s3], $0x40, s0, s22, $0xb8;
	[tilespmem:$0x1EAA0] =	vst v63  }
0x51: {  	s0 =	simm.s32 $0x27D8  }
0x52: {  	[spmem:s2] =	stream.indirect.scatter.add.f32 [tilespmem:s24], [sflag:$0x3], $0x40, s0, s22, $0xb8;
	[tilespmem:$0x1EAA0] =	vst v63  }
0x53: {  	_ =	swait.ge [sflag:s18], $0x3200  }
0x54: {  	s31 =	simm.s32 $0x640;
	[sflag:s18] =	ssyncset.done $0x0  }
.LBB2_4:
0x55: {  	p1 =	sne.s32 s31, $0x8FC0  }
0x56: {  	[sflag:s18] =	ssyncadd.s32 $0xFFFFCE00;
	s1 =	smov.u32 s31;
	s31 =	sadd.s32 $0x640, s31  }
0x57: {  	_ = 	snop  }
0x58: {  	_ =	swait.ge [sflag:s23], $0x3200  }
0x59: {  	s1 =	sshra.s32 s1, $0x2;
	[sflag:s23] =	ssyncset.done $0x0  }
0x5a: {  	s0 =	sadd.s32 $0xC8, s1;
	[sflag:s23] =	ssyncadd.s32 $0xFFFFCE00  }
0x5b: {  	[tilespmem:s24], [sflag:$0x2] =	stream.indirect.gather [spmem:s3], $0x40, s0, s22, $0xb8;
	[tilespmem:$0x1EAA0] =	vst v63  }
0x5c: {  	s0 =	sadd.s32 $0x2710, s1  }
0x5d: {  	[spmem:s2] =	stream.indirect.scatter.add.f32 [tilespmem:s17], [sflag:$0x3], $0x40, s0, s22, $0xb8;
	[tilespmem:$0x1EAA0] =	vst v63  }
0x5e: {  	_ =	swait.ge [sflag:s18], $0x3200  }
0x5f: {  	[sflag:s18] =	ssyncset.done $0x0  }
0x60: {  	[sflag:s18] =	ssyncadd.s32 $0xFFFFCE00  }
0x61: {  	_ =	swait.ge [sflag:s25], $0x3200  }
0x62: {  	[sflag:s25] =	ssyncset.done $0x0  }
0x63: {  	s0 =	sadd.s32 $0x190, s1;
	[sflag:s25] =	ssyncadd.s32 $0xFFFFCE00  }
0x64: {  	[tilespmem:s17], [sflag:$0x1] =	stream.indirect.gather [spmem:s3], $0x40, s0, s22, $0xb8;
	[tilespmem:$0x1EAA0] =	vst v63  }
.Ltmp1:
0x65: {  	_ = 	snop;
	(pc) =	sbr.rel @p1 .LBB2_4-.Ltmp1, $4  }
0x66: {  	s0 =	sadd.s32 $0x27D8, s1  }
0x67: {  	[spmem:s2] =	stream.indirect.scatter.add.f32 [tilespmem:s24], [sflag:$0x3], $0x40, s0, s22, $0xb8;
	[tilespmem:$0x1EAA0] =	vst v63  }
0x68: {  	_ =	swait.ge [sflag:s18], $0x3200  }
0x69: {  	[sflag:s18] =	ssyncset.done $0x0  }
0x6a: {  	[sflag:s18] =	ssyncadd.s32 $0xFFFFCE00  }
0x6b: {  	_ =	swait.ge [sflag:s23], $0x3200  }
0x6c: {  	[sflag:s23] =	ssyncset.done $0x0  }
0x6d: {  	[sflag:s23] =	ssyncadd.s32 $0xFFFFCE00  }
0x6e: {  	[tilespmem:s24], [sflag:$0x2] =	stream.indirect.gather [spmem:s3], $0x40, s26, s22, $0xb8;
	[tilespmem:$0x1EAA0] =	vst v63  }
0x6f: {  	_ = 	snop  }
0x70: {  	[spmem:s2] =	stream.indirect.scatter.add.f32 [tilespmem:s17], [sflag:$0x3], $0x40, s28, s22, $0xb8;
	[tilespmem:$0x1EAA0] =	vst v63  }
0x71: {  	_ =	swait.ge [sflag:s18], $0x3200  }
0x72: {  	[sflag:s18] =	ssyncset.done $0x0  }
0x73: {  	[sflag:s18] =	ssyncadd.s32 $0xFFFFCE00  }
0x74: {  	_ =	swait.ge [sflag:s25], $0x3200  }
0x75: {  	[sflag:s25] =	ssyncset.done $0x0  }
0x76: {  	[sflag:s25] =	ssyncadd.s32 $0xFFFFCE00  }
0x77: {  	[spmem:s2] =	stream.indirect.scatter.add.f32 [tilespmem:s24], [sflag:$0x3], $0x40, s29, s22, $0xb8;
	[tilespmem:$0x1EAA0] =	vst v63  }
0x78: {  	_ =	swait.ge [sflag:s18], $0x3200  }
0x79: {  	[sflag:s18] =	ssyncset.done $0x0  }
0x7a: {  	[sflag:s18] =	ssyncadd.s32 $0xFFFFCE00  }
0x7b: {  	s0 =	sadd.s32 s5, s15;
	s1 =	sshrl.u32 s6, $0x3;
	[bflag:$0x0] =	sbarrier.arrive $0xFFFF  }
0x7c: {  	[hbm:s0], [sflag:s30] =	dma.local [spmem:s1], $0x1380  }
0x7d: {  	s4 =	sadd.s32 $0x1, s4;
	_ =	swait.ge [sflag:s18], $0x1380  }
0x7e: {  	p1 =	sne.s32 s4, s16;
	[sflag:s18] =	ssyncset.done $0x0  }
0x7f: {  	s0 =	sadd.s32 @!p0 $0x13800, s15;
	s1 =	sshrl.u32 @!p0 s10, $0x3;
	[sflag:s18] =	ssyncadd.s32 $0xFFFFEC80  }
0x80: {  	[hbm:s0], [sflag:s30] =	dma.local @!p0 [spmem:s1], $0x80  }
.Ltmp2:
0x81: {  	_ = 	snop;
	(pc) =	sbr.rel @p1 .LBB2_1-.Ltmp2, $4  }
0x82: {  	s0 =	simm.s32 @!p0 $0x3  }
0x83: {  	_ =	swait.ge @!p0 [sflag:s0], $0x80  }
0x84: {  	[sflag:s0] =	ssyncset.done @!p0 $0x0  }
0x85: {  	[sflag:s0] =	ssyncadd.s32 @!p0 $0xFFFFFF80  }
0x86: {  	_ =	sfence.sel $0x180000  }
0x87: {  	[bflag:$0x0] =	sbarrier.arrive $0xFFFF  }
0x88: {  	_ =	strace $0x9000004D  }
0x89: {  	s0 =	stileid.u32;
	[bflag:$0x2] =	sbarrier.arrive $0xFFFF  }
0x8a: {  	p0 =	sne.s32 s0, $0x0;
	s0 =	rddreg [dreg:$0x3]  }
0x8b: {  	s0 =	sadd.s32 @!p0 $0x100000, s0  }
0x8c: {  	[sflag:s0] =	ssyncadd.tile.s32 @!p0 $0x1;
	_ =	shalt  }
.Lfunc_end2:
_tile_overlayer_lowered:
.L_overlay_start_2:
0x8d: {  	(tag) =	ssettag $0x2  }
0x8e: {  	s0 =	rddreg [dreg:$0x0];
	s2 =	stileid.u32  }
0x8f: {  	s1 =	rddreg [dreg:$0x1];
	p0 =	sne.s32 s2, $0x0  }
0x90: {  	s3 =	rddreg [dreg:$0x2];
	[bflag:$0x3] =	sbarrier.arrive $0xFFFF;
	s2 =	simm.s32 @!p0 $0x1C03  }
0x91: {  	[timem:s3], [sflag:s2] =	dma.local @!p0 [hbm:s0], s1  }
0x92: {  	s0 =	simm.s32 @!p0 $0x3  }
0x93: {  	_ =	swait.ge @!p0 [sflag:s0], s1  }
0x94: {  	s1 =	ssub.s32 @!p0 $0x0, s1;
	[sflag:s0] =	ssyncset.done @!p0 $0x0  }
0x95: {  	[sflag:s0] =	ssyncadd.s32 @!p0 s1  }
0x96: {  	[bflag:$0x3] =	sbarrier.arrive $0xFFFF  }
0x97: {  	_ =	shalt  }

// kernel: kernel.8.cloned.1.call-start
scs
__scs_entry_jumppad:
0x0: {  	(pc) =	sbr.rel $0x88, $3  }
0x1: {  	(tag) =	ssettag $0x0;
	lr =	simm.s32 $0x1  }
0x2: {  	[smem:$0x3F8D] =	sst lr;
	_ =	strace $0xD0000000  }
0x3: {  	_ = 	snop  }
0x4: {  	_ = 	snop  }
0x5: {  	_ = 	snop  }
0x6: {  	_ = 	snop  }
0x7: {  	_ = 	snop  }
__scs_overlays_trampoline_lowered:
0x8: {  	[smem:$0x3F9C] =	sst s0  }
0x9: {  	[smem:$0x3F9D] =	sst s1  }
0xa: {  	[smem:$0x3F9E] =	sst s2  }
0xb: {  	[smem:$0x3F9F] =	sst s3  }
0xc: {  	[smem:$0x3FA0] =	sst s4  }
0xd: {  	[smem:$0x3FA1] =	sst s5  }
0xe: {  	[smem:$0x3FA2] =	sst s6  }
0xf: {  	[smem:$0x3FA3] =	sst s7  }
0x10: {  	[smem:$0x3FA4] =	sst s8  }
0x11: {  	[smem:$0x3FA5] =	sst s9;
	s0 =	simm.s32 @!p0 $0x0  }
0x12: {  	s1 =	sld [smem:$0x3F8B];
	s0 =	simm.s32 @p0 $0x1  }
0x13: {  	[smem:$0x3FA6] =	sst s0;
	s0 =	simm.s32 @!p1 $0x0  }
0x14: {  	s2 =	sld [smem:$0x3F8A];
	s0 =	simm.s32 @p1 $0x1  }
0x15: {  	[smem:$0x3FA7] =	sst s0;
	s0 =	simm.s32 @!p2 $0x0  }
0x16: {  	s3 =	sld [smem:$0x3FDB];
	s0 =	simm.s32 @p2 $0x1  }
0x17: {  	s4 =	simm.s32 $0x1BF5;
	[smem:$0x3FA9] =	sst s0  }
0x18: {  	s0 =	sld [smem:$0x3F8C];
	_ =	swait.ge [sflag:s4], $0x0  }
0x19: {  	s7 =	sld [smem:$0x3F8D]  }
0x1a: {  	s8 =	sadd.s32 $0xFFFFE003, lr  }
0x1b: {  	s9 =	sadd.s32 $0xFFFFFEF7, lr;
	s5 =	simm.s32 $0xFFFFFFFF;
	p2 =	slt.u32 s8, $0xFFFFF086  }
0x1c: {  	p1 =	slt.u32 s9, $0xF7A;
	s5 =	simm.s32 @!p2 $0x0  }
0x1d: {  	s5 =	simm.s32 @p1 $0x1;
	p0 =	seq.s32 s7, s2  }
0x1e: {  	s7 =	smul.u32 @!p0 $0xF7A, s2;
	p2 =	seq.s32 @!p0 s5, $0x0  }
0x1f: {  	s9 =	smul.u32 $0xF7A, s1;
	s8 =	simm.s32 @!p0 $0x1BF5;
	p2 =	por !p2, p0  }
0x20: {  	[sflag:s8] =	ssyncset.s32 @!p0 $0xFFFFF086;
	s6 =	sadd.s32 @!p0 s3, s7;
	s7 =	simm.s32 @!p0 $0x108  }
0x21: {  	s3 =	sadd.s32 s3, s9;
	s6 =	sadd.s32 @!p0 $0x88, s6;
	s7 =	simm.s32 @p2 $0x1082  }
0x22: {  	[simem:s7], [sflag:s8] =	dma.local @!p0 [hbm:s6], $0xF7A  }
0x23: {  	s9 =	sor.u32 $0xD0000000, s2;
	s6 =	simm.s32 $0x108;
	_ =	swait.ge @!p0 [sflag:s8], $0x0  }
0x24: {  	s3 =	sadd.s32 $0x88, s3;
	s6 =	simm.s32 @!p1 $0x1082;
	[sflag:s4] =	ssyncset.s32 $0xFFFFF086  }
0x25: {  	[simem:s6], [sflag:s4] =	dma.local [hbm:s3], $0xF7A  }
0x26: {  	[smem:$0x3F8D] =	sst s1;
	(tag) =	ssettag s2;
	_ =	strace s9  }
0x27: {  	s1 =	sld [smem:$0x3F9D]  }
0x28: {  	s2 =	sld [smem:$0x3F9E]  }
0x29: {  	s4 =	sld [smem:$0x3FA0]  }
0x2a: {  	p0 =	seq.s32 s5, $0x0;
	s5 =	sld [smem:$0x3FA1]  }
0x2b: {  	s6 =	sld [smem:$0x3FA2]  }
0x2c: {  	s7 =	sld [smem:$0x3FA3]  }
0x2d: {  	s3 =	simm.s32 $0x108;
	s8 =	sld [smem:$0x3FA4]  }
0x2e: {  	s3 =	simm.s32 @!p0 $0x1082;
	s9 =	sld [smem:$0x3FA5]  }
0x2f: {  	lr =	sadd.s32 s0, s3;
	s0 =	sld [smem:$0x3F9C]  }
0x30: {  	s3 =	sld [smem:$0x3F9F]  }
0x31: {  	[smem:$0x3FA8] =	sst s10  }
0x32: {  	s10 =	sld [smem:$0x3FA6];
	_ =	sdelay $0x3  }
0x33: {  	p0 =	seq.s32 s10, $0x1;
	s10 =	sld [smem:$0x3FA8];
	_ =	sdelay $0x3  }
0x34: {  	[smem:$0x3FA8] =	sst s10  }
0x35: {  	s10 =	sld [smem:$0x3FA7];
	_ =	sdelay $0x3  }
0x36: {  	p1 =	seq.s32 s10, $0x1;
	s10 =	sld [smem:$0x3FA8];
	_ =	sdelay $0x3  }
0x37: {  	[smem:$0x3FA8] =	sst s10  }
0x38: {  	s10 =	sld [smem:$0x3FA9]  }
0x39: {  	_ = 	snop;
	(pc) =	sbr.ind lr, $3  }
0x3a: {  	_ = 	snop  }
0x3b: {  	_ = 	snop  }
0x3c: {  	p2 =	seq.s32 s10, $0x1;
	s10 =	sld [smem:$0x3FA8]  }
0x3d: {  	_ =	shalt  }
0x3e: {  	_ =	shalt  }
0x3f: {  	_ =	shalt  }
0x40: {  	_ =	shalt  }
0x41: {  	_ =	shalt  }
0x42: {  	_ =	shalt  }
0x43: {  	_ =	shalt  }
0x44: {  	_ =	shalt  }
0x45: {  	_ =	shalt  }
0x46: {  	_ =	shalt  }
0x47: {  	_ =	shalt  }
0x48: {  	_ =	shalt  }
0x49: {  	_ =	shalt  }
0x4a: {  	_ =	shalt  }
0x4b: {  	_ =	shalt  }
0x4c: {  	_ =	shalt  }
0x4d: {  	_ =	shalt  }
0x4e: {  	_ =	shalt  }
0x4f: {  	_ =	shalt  }
0x50: {  	_ =	shalt  }
0x51: {  	_ =	shalt  }
0x52: {  	_ =	shalt  }
0x53: {  	_ =	shalt  }
0x54: {  	_ =	shalt  }
0x55: {  	_ =	shalt  }
0x56: {  	_ =	shalt  }
0x57: {  	_ =	shalt  }
0x58: {  	_ =	shalt  }
0x59: {  	_ =	shalt  }
0x5a: {  	_ =	shalt  }
0x5b: {  	_ =	shalt  }
0x5c: {  	_ =	shalt  }
0x5d: {  	_ =	shalt  }
0x5e: {  	_ =	shalt  }
0x5f: {  	_ =	shalt  }
0x60: {  	_ =	shalt  }
0x61: {  	_ =	shalt  }
0x62: {  	_ =	shalt  }
0x63: {  	_ =	shalt  }
0x64: {  	_ =	shalt  }
0x65: {  	_ =	shalt  }
0x66: {  	_ =	shalt  }
0x67: {  	_ =	shalt  }
0x68: {  	_ =	shalt  }
0x69: {  	_ =	shalt  }
0x6a: {  	_ =	shalt  }
0x6b: {  	_ =	shalt  }
0x6c: {  	_ =	shalt  }
0x6d: {  	_ =	shalt  }
0x6e: {  	_ =	shalt  }
0x6f: {  	_ =	shalt  }
0x70: {  	_ =	shalt  }
0x71: {  	_ =	shalt  }
0x72: {  	_ =	shalt  }
0x73: {  	_ =	shalt  }
0x74: {  	_ =	shalt  }
0x75: {  	_ =	shalt  }
0x76: {  	_ =	shalt  }
0x77: {  	_ =	shalt  }
0x78: {  	_ =	shalt  }
0x79: {  	_ =	shalt  }
0x7a: {  	_ =	shalt  }
0x7b: {  	_ =	shalt  }
0x7c: {  	_ =	shalt  }
0x7d: {  	_ =	shalt  }
0x7e: {  	_ =	shalt  }
0x7f: {  	_ =	shalt  }
0x80: {  	_ =	shalt  }
0x81: {  	_ =	shalt  }
0x82: {  	_ =	shalt  }
0x83: {  	_ =	shalt  }
0x84: {  	_ =	shalt  }
0x85: {  	_ =	shalt  }
0x86: {  	_ =	shalt  }
0x87: {  	_ =	shalt  }
.Lfunc_end0:
.L_simem_size_0:
called_computation_lowered:
.L_overlay_start_0:
0x88: {  	s2 =	sld [smem:$0x3FD9]  }
0x89: {  	s3 =	sld [smem:$0x3FFE];
	_ =	sdelay $0x1  }
0x8a: {  	s1 =	srdreg.scid  }
0x8b: {  	s0 =	sand.u32 $0x1, s1  }
0x8c: {  	s17 =	sshll.u32 s0, $0xA;
	s2 =	sadd.s32 s3, s2  }
0x8d: {  	s2 =	sadd.s32 s2, s17  }
0x8e: {  	[smem:$0x3FB4] =	sst s2  }
0x8f: {  	_ = 	snop  }
0x90: {  	s2 =	sld [smem:$0x3FC9];
	(tm) =	ssettm $0x1  }
0x91: {  	s18 =	sld [smem:$0x3FFB];
	_ =	sdelay $0x3  }
0x92: {  	_ =	strace s18  }
0x93: {  	s3 =	sld [smem:$0x3FFC];
	_ =	sdelay $0x3  }
0x94: {  	_ =	strace s3  }
0x95: {  	s3 =	sld [smem:$0x3FFD];
	_ =	sdelay $0x3  }
0x96: {  	_ =	strace s3  }
0x97: {  	_ =	strace $0x8FFFFFFF  }
0x98: {  	s19 =	sld [smem:$0x3FDB];
	_ =	sdelay $0x1  }
0x99: {  	s4 =	simm.s32 $_scs_section_size  }
0x9a: {  	s5 =	simm.s32 $_size__tile_overlayer_lowered;
	s6 =	simm.s32 $_tile_overlayer_lowered  }
0x9b: {  	s22 =	simm.s32 $0x1BFF;
	s21 =	sshll.u32 s6, $0x1;
	s3 =	sadd.s32 s4, s19  }
0x9c: {  	s7 =	simm.s32 $0x0;
	s20 =	sshll.u32 s5, $0x1;
	s5 =	sadd.s32 s21, s3  }
0x9d: {  	[timem:s7], [sflag:s22] =	dma.local [hbm:s5], s20  }
0x9e: {  	_ =	swait.ge [sflag:s22], s20  }
0x9f: {  	s4 =	ssub.s32 $0x0, s20;
	[sflag:s22] =	ssyncset.done $0x0  }
0xa0: {  	[sflag:s22] =	ssyncadd.s32 s4;
	_ =	sdelay $0x1  }
0xa1: {  	s23 =	simm.s32 $0x1B8B  }
0xa2: {  	_ =	swait.ge [sflag:s23], $0x1  }
0xa3: {  	[sflag:s23] =	ssyncset.done $0x0  }
0xa4: {  	s25 =	simm.s32 $0x1B8E;
	s24 =	sld [smem:$0x3FFE];
	[sflag:s23] =	ssyncadd.s32 $0xFFFFFFFF  }
0xa5: {  	s26 =	simm.s32 $execute0_lowered;
	[smem:$0x3FD2] =	sst s25  }
0xa6: {  	s5 =	sshll.u32 s26, $0x1;
	_ =	strace $0x80000046;
	[dreg:$0x1] =	wrdreg $0xFFFFFFFF  }
0xa7: {  	s28 =	simm.s32 $_size_execute0_lowered;
	s3 =	sadd.s32 s3, s5;
	[dreg:$0x0] =	wrdreg $0x0  }
0xa8: {  	s5 =	sshll.u32 s28, $0x1;
	[dreg:$0x2] =	wrdreg s3  }
0xa9: {  	[dreg:$0x3] =	wrdreg s5  }
0xaa: {  	[dreg:$0x4] =	wrdreg $0xC0  }
0xab: {  	_ =	task [dreg:s7], $0x5FFFF  }
0xac: {  	[dreg:$0x1] =	wrdreg $0xFFFFFFFF  }
0xad: {  	[dreg:$0x0] =	wrdreg $0x60  }
0xae: {  	[dreg:$0x2] =	wrdreg s2  }
0xaf: {  	[dreg:$0x3] =	wrdreg s24  }
0xb0: {  	[dreg:$0x4] =	wrdreg $0xB5400  }
0xb1: {  	[dreg:$0x5] =	wrdreg $0x9  }
0xb2: {  	_ =	task.clear_ibuf [dreg:s7], $0x6FFFF;
	_ =	strace $0x90000046  }
0xb3: {  	s29 =	simm.s32 $0x9;
	_ =	strace $0x80000048  }
0xb4: {  	_ =	swait.ge [sflag:s29], $0x1  }
0xb5: {  	[sflag:s29] =	ssyncadd.s32 $0xFFFFFFFF  }
0xb6: {  	_ =	strace $0x90000048  }
0xb7: {  	_ =	sfence  }
0xb8: {  	s30 =	sld [smem:$0x0];
	_ =	sdelay $0x2  }
0xb9: {  	s31 =	sshll.u32 s1, $0xD;
	s1 =	sshrl.u32 s1, $0x2  }
0xba: {  	s3 =	sand.u32 $0x4000, s31;
	s1 =	sadd.s32 s1, s30  }
0xbb: {  	s0 =	sor.u32 s3, s0;
	s1 =	sshll.u32 s1, $0x11  }
0xbc: {  	s0 =	sor.u32 s1, s0  }
0xbd: {  	s0 =	sadd.s32 $0x8F2B, s0  }
0xbe: {  	[sflag:s0] =	ssyncadd.remote.s32 $0x1  }
0xbf: {  	_ =	sfence.sel $0xFFFF  }
0xc0: {  	[dreg:$0x0] =	wrdreg $0xFFFFFFFF;
	(pc) =	sbr.abs _section_cstart, $3  }
0xc1: {  	[dreg:$0x1] =	wrdreg $0xFFFFFFFF  }
0xc2: {  	_ =	task.clear_ibuf [dreg:s7], $0x2FFFF;
	_ =	strace $0x9FFFFFFF  }
0xc3: {  	(tm) =	ssettm $0x7FFFFFFF  }
tec
execute0_lowered:
.L_overlay_start_1:
0x0: {  	(tag) =	ssettag $0x1  }
0x1: {  	s1 =	rddreg [dreg:$0x0]  }
0x2: {  	s0 =	srdreg.scid;
	s6 =	rddreg [dreg:$0x1]  }
0x3: {  	s3 =	rddreg [dreg:$0x2];
	s4 =	simm.s32 $0x0;
	s18 =	simm.s32 $0x3  }
0x4: {  	s19 =	simm.s32 $0x28A0;
	s20 =	simm.s32 $0x64;
	s21 =	simm.s32 $0x1  }
0x5: {  	s22 =	simm.s32 $0x8340;
	s23 =	simm.s32 $0x2;
	s24 =	simm.s32 $0x2838  }
0x6: {  	s26 =	simm.s32 $0x5070;
	s5 =	sand.u32 $0x1, s0;
	s0 =	stileid.u32  }
0x7: {  	s28 =	simm.s32 $0x50D8;
	[smem:$0x7FF] =	sst s4;
	s8 =	smul.u32 $0x27100, s5  }
0x8: {  	s12 =	sadd.s32 $0x138000, s3;
	s2 =	sshll.u32 s5, $0x4;
	s9 =	smul.u32 $0x4E000, s0  }
0x9: {  	s5 =	ssub.s32 $0x2, s5;
	s16 =	smul.u32 $0x13800, s0;
	p0 =	sne.s32 s0, $0xF  }
0xa: {  	s7 =	sor.u32 s0, s2;
	s2 =	rddreg [dreg:$0x3];
	_ =	strace $0x80000047  }
0xb: {  	s30 =	sshrl.u32 s5, $0x1;
	s7 =	smul.u32 $0x514, s7;
	s15 =	sadd.s32 s8, s6  }
0xc: {  	s31 =	sshrl.u32 s9, $0x2;
	s17 =	ssub.s32 s5, s30;
	s5 =	sadd.s32 s16, s3  }
0xd: {  	s25 =	sshrl.u32 s16, $0x3;
	s11 =	sadd.s32 s31, s3;
	s15 =	sadd.s32 $0x2BE00, s15  }
0xe: {  	s16 =	smax.u32 s17, $0x1;
	s17 =	simm.s32 $0x5140;
	s14 =	sadd.s32 s7, s6  }
0xf: {  	s6 =	sadd.s32 $0x3200, s11;
	s7 =	sadd.s32 $0x6400, s11;
	s8 =	sadd.s32 $0x9600, s11  }
0x10: {  	s9 =	sadd.s32 $0xC800, s11;
	s10 =	sadd.s32 $0xFA00, s11;
	s11 =	sadd.s32 $0x12C00, s11  }
0x11: {  	v0 =	vimm.f32 $0.0e+00;
	s25 =	sadd.s32 s25, s15;
	s13 =	sadd.s32 $0x17600, s14;
	s14 =	sadd.s32 $0x21A00, s14  }
.LBB2_1:
0x12: {  	s29 =	simm.s32 $0x0;
	s30 =	simm.s32 $0x200  }
.LBB2_2:
0x13: {  	p1 =	sne.s32 s30, $0xC600;
	[tilespmem:s29+$0x51B0] =	vst v0  }
0x14: {  	[tilespmem:s29+$0x5140] =	vst v0  }
0x15: {  	[tilespmem:s29+$0x5150] =	vst v0  }
.Ltmp0:
0x16: {  	[tilespmem:s29+$0x5160] =	vst v0;
	(pc) =	sbr.rel @p1 .LBB2_2-.Ltmp0, $4  }
0x17: {  	[tilespmem:s29+$0x5170] =	vst v0  }
0x18: {  	[tilespmem:s29+$0x5180] =	vst v0  }
0x19: {  	[tilespmem:s29+$0x5190] =	vst v0  }
0x1a: {  	[tilespmem:s29+$0x51A0] =	vst v0;
	s29 =	sshra.s32 s30, $0x2;
	s30 =	sadd.s32 $0x200, s30  }
0x1b: {  	[tilespmem:s29+$0x51B0] =	vst v0  }
0x1c: {  	[tilespmem:s29+$0x5140] =	vst v0  }
0x1d: {  	[tilespmem:s29+$0x5150] =	vst v0  }
0x1e: {  	[tilespmem:s29+$0x5160] =	vst v0  }
0x1f: {  	[tilespmem:s29+$0x5170] =	vst v0  }
0x20: {  	[tilespmem:s29+$0x5180] =	vst v0  }
0x21: {  	[tilespmem:s29+$0x5190] =	vst v0  }
0x22: {  	[tilespmem:s29+$0x51A0] =	vst v0  }
0x23: {  	[spmem:s5] =	stream.linear.scatter [tilespmem:s17], [sflag:$0x3], $0x3200, $0x38;
	[tilespmem:$0x1EDC0] =	vst v63  }
0x24: {  	_ =	swait.ge [sflag:s18], $0x3200  }
0x25: {  	[sflag:s18] =	ssyncset.done $0x0  }
0x26: {  	[sflag:s18] =	ssyncadd.s32 $0xFFFFCE00  }
0x27: {  	[spmem:s6] =	stream.linear.scatter [tilespmem:s17], [sflag:$0x3], $0x3200, $0x38;
	[tilespmem:$0x1EDC0] =	vst v63  }
0x28: {  	_ =	swait.ge [sflag:s18], $0x3200  }
0x29: {  	[sflag:s18] =	ssyncset.done $0x0  }
0x2a: {  	[sflag:s18] =	ssyncadd.s32 $0xFFFFCE00  }
0x2b: {  	[spmem:s7] =	stream.linear.scatter [tilespmem:s17], [sflag:$0x3], $0x3200, $0x38;
	[tilespmem:$0x1EDC0] =	vst v63  }
0x2c: {  	_ =	swait.ge [sflag:s18], $0x3200  }
0x2d: {  	[sflag:s18] =	ssyncset.done $0x0  }
0x2e: {  	[sflag:s18] =	ssyncadd.s32 $0xFFFFCE00  }
0x2f: {  	[spmem:s8] =	stream.linear.scatter [tilespmem:s17], [sflag:$0x3], $0x3200, $0x38;
	[tilespmem:$0x1EDC0] =	vst v63  }
0x30: {  	_ =	swait.ge [sflag:s18], $0x3200  }
0x31: {  	[sflag:s18] =	ssyncset.done $0x0  }
0x32: {  	[sflag:s18] =	ssyncadd.s32 $0xFFFFCE00  }
0x33: {  	[spmem:s9] =	stream.linear.scatter [tilespmem:s17], [sflag:$0x3], $0x3200, $0x38;
	[tilespmem:$0x1EDC0] =	vst v63  }
0x34: {  	_ =	swait.ge [sflag:s18], $0x3200  }
0x35: {  	[sflag:s18] =	ssyncset.done $0x0  }
0x36: {  	[sflag:s18] =	ssyncadd.s32 $0xFFFFCE00  }
0x37: {  	[spmem:s10] =	stream.linear.scatter [tilespmem:s17], [sflag:$0x3], $0x3200, $0x38;
	[tilespmem:$0x1EDC0] =	vst v63  }
0x38: {  	_ =	swait.ge [sflag:s18], $0x3200  }
0x39: {  	[sflag:s18] =	ssyncset.done $0x0  }
0x3a: {  	[sflag:s18] =	ssyncadd.s32 $0xFFFFCE00  }
0x3b: {  	[spmem:s11] =	stream.linear.scatter [tilespmem:s17], [sflag:$0x3], $0xC00, $0x38;
	[tilespmem:$0x1EDC0] =	vst v63  }
0x3c: {  	_ =	swait.ge [sflag:s18], $0xC00  }
0x3d: {  	[sflag:s18] =	ssyncset.done $0x0  }
0x3e: {  	s29 =	simm.s32 @!p0 $0x5140;
	[sflag:s18] =	ssyncadd.s32 $0xFFFFF400  }
0x3f: {  	[spmem:s12] =	stream.linear.scatter @!p0 [tilespmem:s29], [sflag:$0x3], $0x800, $0x38;
	[tilespmem:$0x1EDC0] =	vst v63  }
0x40: {  	s29 =	simm.s32 @!p0 $0x3  }
0x41: {  	_ =	swait.ge @!p0 [sflag:s29], $0x800  }
0x42: {  	[sflag:s29] =	ssyncset.done @!p0 $0x0  }
0x43: {  	[sflag:s29] =	ssyncadd.s32 @!p0 $0xFFFFF800  }
0x44: {  	s29 =	simm.s32 $0x0;
	[bflag:$0x0] =	sbarrier.arrive $0xFFFF  }
0x45: {  	[tilespmem:s29], [sflag:$0x3] =	stream.linear.gather [hbm4b:s13+s29], $0x28A0, $0x38;
	[tilespmem:$0x1EDC0] =	vst v63  }
0x46: {  	_ =	swait.ge [sflag:s18], $0x28A0  }
0x47: {  	[sflag:s18] =	ssyncset.done $0x0  }
0x48: {  	[sflag:s18] =	ssyncadd.s32 $0xFFFFD760  }
0x49: {  	[tilespmem:s19], [sflag:$0x3] =	stream.linear.gather [hbm4b:s14+s29], $0x28A0, $0x38;
	[tilespmem:$0x1EDC0] =	vst v63  }
0x4a: {  	_ =	swait.ge [sflag:s18], $0x28A0  }
0x4b: {  	[sflag:s18] =	ssyncset.done $0x0  }
0x4c: {  	[sflag:s18] =	ssyncadd.s32 $0xFFFFD760  }
0x4d: {  	[tilespmem:s17], [sflag:$0x1] =	stream.indirect.gather [hbm4b:s1+s20], $0x80, s29, s20, $0xb8;
	[tilespmem:$0x1EDC0] =	vst v63  }
0x4e: {  	_ =	swait.ge [sflag:s21], $0x3200  }
0x4f: {  	[sflag:s21] =	ssyncset.done $0x0  }
0x50: {  	s29 =	simm.s32 $0x68;
	[sflag:s21] =	ssyncadd.s32 $0xFFFFCE00  }
0x51: {  	[tilespmem:s22], [sflag:$0x2] =	stream.indirect.gather [hbm4b:s1+s20], $0x80, s29, s20, $0xb8;
	[tilespmem:$0x1EDC0] =	vst v63  }
0x52: {  	s29 =	simm.s32 $0x28A0  }
0x53: {  	[spmem:s3] =	stream.indirect.scatter.add.f32 [tilespmem:s17], [sflag:$0x3], $0x80, s29, s20, $0xb8;
	[tilespmem:$0x1EDC0] =	vst v63  }
0x54: {  	_ =	swait.ge [sflag:s18], $0x3200  }
0x55: {  	[sflag:s18] =	ssyncset.done $0x0  }
0x56: {  	[sflag:s18] =	ssyncadd.s32 $0xFFFFCE00  }
0x57: {  	_ =	swait.ge [sflag:s23], $0x3200  }
0x58: {  	[sflag:s23] =	ssyncset.done $0x0  }
0x59: {  	s29 =	simm.s32 $0xD0;
	[sflag:s23] =	ssyncadd.s32 $0xFFFFCE00  }
0x5a: {  	[tilespmem:s17], [sflag:$0x1] =	stream.indirect.gather [hbm4b:s1+s20], $0x80, s29, s20, $0xb8;
	[tilespmem:$0x1EDC0] =	vst v63  }
0x5b: {  	s29 =	simm.s32 $0x2908  }
0x5c: {  	[spmem:s3] =	stream.indirect.scatter.add.f32 [tilespmem:s22], [sflag:$0x3], $0x80, s29, s20, $0xb8;
	[tilespmem:$0x1EDC0] =	vst v63  }
0x5d: {  	_ =	swait.ge [sflag:s18], $0x3200  }
0x5e: {  	s29 =	simm.s32 $0x340;
	[sflag:s18] =	ssyncset.done $0x0  }
.LBB2_4:
0x5f: {  	p1 =	sne.s32 s29, $0x9C00  }
0x60: {  	[sflag:s18] =	ssyncadd.s32 $0xFFFFCE00;
	s30 =	smov.u32 s29;
	s29 =	sadd.s32 $0x340, s29  }
0x61: {  	_ = 	snop  }
0x62: {  	_ =	swait.ge [sflag:s21], $0x3200  }
0x63: {  	s30 =	sshra.s32 s30, $0x2;
	[sflag:s21] =	ssyncset.done $0x0  }
0x64: {  	s31 =	sadd.s32 $0x68, s30;
	[sflag:s21] =	ssyncadd.s32 $0xFFFFCE00  }
0x65: {  	[tilespmem:s22], [sflag:$0x2] =	stream.indirect.gather [hbm4b:s1+s20], $0x80, s31, s20, $0xb8;
	[tilespmem:$0x1EDC0] =	vst v63  }
0x66: {  	s31 =	sadd.s32 $0x28A0, s30  }
0x67: {  	[spmem:s3] =	stream.indirect.scatter.add.f32 [tilespmem:s17], [sflag:$0x3], $0x80, s31, s20, $0xb8;
	[tilespmem:$0x1EDC0] =	vst v63  }
0x68: {  	_ =	swait.ge [sflag:s18], $0x3200  }
0x69: {  	[sflag:s18] =	ssyncset.done $0x0  }
0x6a: {  	[sflag:s18] =	ssyncadd.s32 $0xFFFFCE00  }
0x6b: {  	_ =	swait.ge [sflag:s23], $0x3200  }
0x6c: {  	[sflag:s23] =	ssyncset.done $0x0  }
0x6d: {  	s31 =	sadd.s32 $0xD0, s30;
	[sflag:s23] =	ssyncadd.s32 $0xFFFFCE00  }
0x6e: {  	[tilespmem:s17], [sflag:$0x1] =	stream.indirect.gather [hbm4b:s1+s20], $0x80, s31, s20, $0xb8;
	[tilespmem:$0x1EDC0] =	vst v63  }
.Ltmp1:
0x6f: {  	_ = 	snop;
	(pc) =	sbr.rel @p1 .LBB2_4-.Ltmp1, $4  }
0x70: {  	s30 =	sadd.s32 $0x2908, s30  }
0x71: {  	[spmem:s3] =	stream.indirect.scatter.add.f32 [tilespmem:s22], [sflag:$0x3], $0x80, s30, s20, $0xb8;
	[tilespmem:$0x1EDC0] =	vst v63  }
0x72: {  	_ =	swait.ge [sflag:s18], $0x3200  }
0x73: {  	[sflag:s18] =	ssyncset.done $0x0  }
0x74: {  	[sflag:s18] =	ssyncadd.s32 $0xFFFFCE00  }
0x75: {  	_ =	swait.ge [sflag:s21], $0x3200  }
0x76: {  	[sflag:s21] =	ssyncset.done $0x0  }
0x77: {  	[sflag:s21] =	ssyncadd.s32 $0xFFFFCE00  }
0x78: {  	[tilespmem:s22], [sflag:$0x2] =	stream.indirect.gather [hbm4b:s1+s20], $0x80, s24, s20, $0xb8;
	[tilespmem:$0x1EDC0] =	vst v63  }
0x79: {  	_ = 	snop  }
0x7a: {  	[spmem:s3] =	stream.indirect.scatter.add.f32 [tilespmem:s17], [sflag:$0x3], $0x80, s26, s20, $0xb8;
	[tilespmem:$0x1EDC0] =	vst v63  }
0x7b: {  	_ =	swait.ge [sflag:s18], $0x3200  }
0x7c: {  	[sflag:s18] =	ssyncset.done $0x0  }
0x7d: {  	[sflag:s18] =	ssyncadd.s32 $0xFFFFCE00  }
0x7e: {  	_ =	swait.ge [sflag:s23], $0x3200  }
0x7f: {  	[sflag:s23] =	ssyncset.done $0x0  }
0x80: {  	[sflag:s23] =	ssyncadd.s32 $0xFFFFCE00  }
0x81: {  	[spmem:s3] =	stream.indirect.scatter.add.f32 [tilespmem:s22], [sflag:$0x3], $0x80, s28, s20, $0xb8;
	[tilespmem:$0x1EDC0] =	vst v63  }
0x82: {  	_ =	swait.ge [sflag:s18], $0x3200  }
0x83: {  	[sflag:s18] =	ssyncset.done $0x0  }
0x84: {  	s29 =	sshll.u32 s0, $0x6;
	[sflag:s18] =	ssyncadd.s32 $0xFFFFCE00  }
0x85: {  	s30 =	sshrl.u32 s5, $0x3;
	s29 =	sor.u32 $0x1C03, s29;
	[bflag:$0x0] =	sbarrier.arrive $0xFFFF  }
0x86: {  	[hbm:s25], [sflag:s29] =	dma.local [spmem:s30], $0x2700  }
0x87: {  	_ =	swait.ge [sflag:s18], $0x2700  }
0x88: {  	s31 =	sshrl.u32 @!p0 s12, $0x3;
	s4 =	sadd.s32 $0x1, s4;
	[sflag:s18] =	ssyncset.done $0x0  }
0x89: {  	p1 =	sne.s32 s4, s16;
	s30 =	sadd.s32 @!p0 $0x27000, s15;
	[sflag:s18] =	ssyncadd.s32 $0xFFFFD900  }
0x8a: {  	[hbm:s30], [sflag:s29] =	dma.local @!p0 [spmem:s31], $0x100  }
.Ltmp2:
0x8b: {  	_ = 	snop;
	(pc) =	sbr.rel @p1 .LBB2_1-.Ltmp2, $4  }
0x8c: {  	s29 =	simm.s32 @!p0 $0x3  }
0x8d: {  	_ =	swait.ge @!p0 [sflag:s29], $0x100  }
0x8e: {  	[sflag:s29] =	ssyncset.done @!p0 $0x0  }
0x8f: {  	[sflag:s29] =	ssyncadd.s32 @!p0 $0xFFFFFF00  }
0x90: {  	_ =	sfence.sel $0x180000  }
0x91: {  	[bflag:$0x0] =	sbarrier.arrive $0xFFFF  }
0x92: {  	p0 =	sne.s32 s0, $0x0;
	_ =	strace $0x90000047  }
0x93: {  	s0 =	sadd.s32 @!p0 $0x100000, s2;
	[bflag:$0x2] =	sbarrier.arrive $0xFFFF  }
0x94: {  	[sflag:s0] =	ssyncadd.tile.s32 @!p0 $0x1;
	_ =	shalt  }
.Lfunc_end2:
_tile_overlayer_lowered:
.L_overlay_start_2:
0x95: {  	(tag) =	ssettag $0x2  }
0x96: {  	s0 =	rddreg [dreg:$0x0];
	s2 =	stileid.u32  }
0x97: {  	s1 =	rddreg [dreg:$0x1];
	p0 =	sne.s32 s2, $0x0  }
0x98: {  	s3 =	rddreg [dreg:$0x2];
	[bflag:$0x3] =	sbarrier.arrive $0xFFFF;
	s2 =	simm.s32 @!p0 $0x1C03  }
0x99: {  	[timem:s3], [sflag:s2] =	dma.local @!p0 [hbm:s0], s1  }
0x9a: {  	s0 =	simm.s32 @!p0 $0x3  }
0x9b: {  	_ =	swait.ge @!p0 [sflag:s0], s1  }
0x9c: {  	s1 =	ssub.s32 @!p0 $0x0, s1;
	[sflag:s0] =	ssyncset.done @!p0 $0x0  }
0x9d: {  	[sflag:s0] =	ssyncadd.s32 @!p0 s1  }
0x9e: {  	[bflag:$0x3] =	sbarrier.arrive $0xFFFF  }
0x9f: {  	_ =	shalt  }

</sc_bundles>
